<compile_context>
chip_gen: v7x
topology: tpu7x:2x2x1
jax: 0.10.2.dev20260603
libtpu: 0.0.44.dev20260713+nightly
codegen_flags: <defaults>
</compile_context>

<pallas_src>
import jax
import jax.numpy as jnp
from jax import lax
from jax.experimental import pallas as pl
from jax.experimental.pallas import tpu as pltpu
from jax.experimental.pallas import tpu_sc as plsc

_VOCAB = 1000000
_DIM = 64
_CTX = 200
_L = 16

_TAIL = 576
_ALIGNED = _VOCAB - _TAIL
_TC_BLK = 16384
_SC_M = 13
_SC_LEN = _SC_M * 32768
_TC_LEN = _ALIGNED - _SC_LEN
_TC_NB = _TC_LEN // _TC_BLK
_SC_V0 = _TC_LEN
_NW = 32
_WLEN = _SC_LEN // _NW
_WIN = 512
_NWIN = _WLEN // _WIN


def _gather_body(idx_ref, embT_hbm, s_ref, blocks_ref, sem):
    def _issue(j, c):
        tile = (idx_ref[j] // 128) * 128
        pltpu.make_async_copy(
            embT_hbm.at[:, pl.ds(tile, 128)],
            blocks_ref.at[j],
            sem,
        ).start()
        return c

    lax.fori_loop(0, _CTX, _issue, 0)

    def _wait(j, c):
        pltpu.make_async_copy(
            embT_hbm.at[:, pl.ds(0, 128)],
            blocks_ref.at[j],
            sem,
        ).wait()
        return c

    lax.fori_loop(0, _CTX, _wait, 0)

    lanes = lax.broadcasted_iota(jnp.int32, (_DIM, 128), 1)

    def _acc(j, acc):
        lane = idx_ref[j] % 128
        return acc + jnp.where(lanes == lane, blocks_ref[j], 0.0)

    acc = lax.fori_loop(0, _CTX, _acc, jnp.zeros((_DIM, 128), jnp.float32))
    s_ref[...] = jnp.sum(acc, axis=1, keepdims=True)


_DN = (((0,), (0,)), ((), ()))


def _tc_body(s_ref, w_ref, wt_ref, b_hbm, lo_ref, hi_ref, bscr, btscr, bsem):
    i = pl.program_id(0)

    @pl.when(i == 0)
    def _load_bias():
        pltpu.make_async_copy(b_hbm.at[pl.ds(0, _TC_LEN)], bscr, bsem).start()
        pltpu.make_async_copy(
            b_hbm.at[pl.ds(_ALIGNED, _TAIL)], btscr, bsem
        ).start()
        pltpu.make_async_copy(b_hbm.at[pl.ds(0, _TC_LEN)], bscr, bsem).wait()
        pltpu.make_async_copy(
            b_hbm.at[pl.ds(_ALIGNED, _TAIL)], btscr, bsem
        ).wait()

    s = s_ref[...]
    bias = jnp.reshape(bscr[pl.ds(i * _TC_BLK, _TC_BLK)], (1, _TC_BLK))
    lo_ref[...] = (
        lax.dot_general(s, w_ref[...], _DN, preferred_element_type=jnp.float32)
        + bias
    )

    @pl.when(i == _TC_NB - 1)
    def _tail():
        hi_ref[...] = (
            lax.dot_general(s, wt_ref[...], _DN, preferred_element_type=jnp.float32)
            + jnp.reshape(btscr[...], (1, _TAIL))
        )


def _sc_body(sb_hbm, w_hbm, b_hbm, out_hbm, sb_v, wb, bb, ob, wsem, bsem, osem):
    wid = lax.axis_index("s") * 2 + lax.axis_index("c")
    base = wid * _WLEN
    col0 = _SC_V0 + base
    pltpu.sync_copy(sb_hbm, sb_v)

    def _issue(t, k):
        pltpu.make_async_copy(
            w_hbm.at[:, pl.ds(col0 + t * _WIN, _WIN)], wb.at[k], wsem.at[k]
        ).start()
        pltpu.make_async_copy(
            b_hbm.at[pl.ds(col0 + t * _WIN, _WIN)], bb.at[k], bsem.at[k]
        ).start()

    _issue(0, 0)
    _issue(1, 1)

    @pl.loop(0, _NWIN, step=2)
    def _pair(t0):
        for kk in range(2):
            t = t0 + kk
            pltpu.make_async_copy(
                w_hbm.at[:, pl.ds(0, _WIN)], wb.at[kk], wsem.at[kk]
            ).wait()
            pltpu.make_async_copy(
                b_hbm.at[pl.ds(0, _WIN)], bb.at[kk], bsem.at[kk]
            ).wait()

            @pl.when(t >= 2)
            def _drain_out():
                pltpu.make_async_copy(
                    ob.at[kk], out_hbm.at[pl.ds(0, _WIN)], osem.at[kk]
                ).wait()

            @pl.loop(0, _WIN // _L)
            def _win(cc):
                co = cc * _L
                acc = bb[kk, pl.ds(co, _L)]
                for d in range(_DIM):
                    acc = acc + wb[kk, d, pl.ds(co, _L)] * sb_v[d, :]
                ob[kk, pl.ds(co, _L)] = acc

            pltpu.make_async_copy(
                ob.at[kk], out_hbm.at[pl.ds(base + t * _WIN, _WIN)], osem.at[kk]
            ).start()

            @pl.when(t + 2 < _NWIN)
            def _next():
                _issue(t + 2, kk)

    for kk in range(2):
        pltpu.make_async_copy(
            ob.at[kk], out_hbm.at[pl.ds(0, _WIN)], osem.at[kk]
        ).wait()


def kernel(context_idxs, emb_table, W, b):
    embT = jnp.transpose(emb_table)
    s = pl.pallas_call(
        _gather_body,
        grid=(1,),
        in_specs=[
            pl.BlockSpec(memory_space=pltpu.MemorySpace.SMEM),
            pl.BlockSpec(memory_space=pltpu.MemorySpace.HBM),
        ],
        out_specs=pl.BlockSpec((_DIM, 1), lambda i: (0, 0)),
        out_shape=jax.ShapeDtypeStruct((_DIM, 1), jnp.float32),
        scratch_shapes=[
            pltpu.VMEM((_CTX, _DIM, 128), jnp.float32),
            pltpu.SemaphoreType.DMA,
        ],
    )(context_idxs, embT)

    sb = jnp.broadcast_to(s, (_DIM, _L))
    w_tail = lax.slice(W, (0, _ALIGNED), (_DIM, _VOCAB))

    out_lo, out_hi = pl.pallas_call(
        _tc_body,
        grid=(_TC_NB,),
        in_specs=[
            pl.BlockSpec((_DIM, 1), lambda i: (0, 0)),
            pl.BlockSpec((_DIM, _TC_BLK), lambda i: (0, i)),
            pl.BlockSpec((_DIM, _TAIL), lambda i: (0, 0)),
            pl.BlockSpec(memory_space=pltpu.MemorySpace.HBM),
        ],
        out_specs=[
            pl.BlockSpec((1, _TC_BLK), lambda i: (0, i)),
            pl.BlockSpec((1, _TAIL), lambda i: (0, 0)),
        ],
        out_shape=[
            jax.ShapeDtypeStruct((1, _TC_LEN), jnp.float32),
            jax.ShapeDtypeStruct((1, _TAIL), jnp.float32),
        ],
        scratch_shapes=[
            pltpu.VMEM((_TC_LEN,), jnp.float32),
            pltpu.VMEM((_TAIL,), jnp.float32),
            pltpu.SemaphoreType.DMA,
        ],
    )(s, W, w_tail, b)

    mesh = plsc.VectorSubcoreMesh(core_axis_name="c", subcore_axis_name="s")
    sc_call = pl.kernel(
        _sc_body,
        out_type=jax.ShapeDtypeStruct((_SC_LEN,), jnp.float32),
        mesh=mesh,
        scratch_types=[
            pltpu.VMEM((_DIM, _L), jnp.float32),
            pltpu.VMEM((2, _DIM, _WIN), jnp.float32),
            pltpu.VMEM((2, _WIN), jnp.float32),
            pltpu.VMEM((2, _WIN), jnp.float32),
            pltpu.SemaphoreType.DMA((2,)),
            pltpu.SemaphoreType.DMA((2,)),
            pltpu.SemaphoreType.DMA((2,)),
        ],
        compiler_params=pltpu.CompilerParams(use_tc_tiling_on_sc=True),
    )
    out_sc = sc_call(sb, W, b)

    return jnp.concatenate(
        [out_lo, out_sc.reshape(1, _SC_LEN), out_hi], axis=1
    )

# --- scband reference (transcript-rebuilt; emitter-appended) ---
"""Pipeline reference for scband-cbow-4853313044875 (READ-ONLY COPY).

The authoritative reference and input builder live on the scoring server;
editing this copy changes nothing except your own understanding.
"""

import jax, jax.numpy as jnp
import numpy as np

VOCAB = 1000000
DIM = 64
CTX = 200

def setup_inputs(seed: int = 0) -> dict:
    key = jax.random.key(seed)
    k1, k2, k3, k4 = jax.random.split(key, 4)
    context_idxs = jax.random.randint(k1, (CTX,), 0, VOCAB)
    emb_table = jax.random.normal(k2, (VOCAB, DIM), dtype=jnp.float32) * 0.02
    W = jax.random.normal(k3, (DIM, VOCAB), dtype=jnp.float32) * 0.02
    b = jax.random.normal(k4, (VOCAB,), dtype=jnp.float32) * 0.02
    return {"context_idxs": context_idxs, "emb_table": emb_table, "W": W, "b": b}

def reference(context_idxs, emb_table, W, b):
    # embeds: [CTX, DIM] gather from embedding table
    embeds = jnp.take(emb_table, context_idxs, axis=0)
    # python sum(embeds) in torch iterates over dim 0 -> sum over context positions
    s = jnp.sum(embeds, axis=0).reshape(1, -1)  # [1, DIM]
    out = s @ W + b  # [1, VOCAB]
    return out

if __name__ == "__main__":
    import jax
    _d = setup_inputs()
    print(jax.jit(kernel)(*tuple(_d.values())))

</pallas_src>

<mosaic_0001>
#map = affine_map<(d0, d1) -> (0, 0)>
#map1 = affine_map<(d0, d1) -> (0)>
module attributes {stable_mosaic.version = 14 : i64} {
  func.func @_sc_body(%arg0: i32, %arg1: i32, %arg2: memref<64x16xf32, #tpu.memory_space<hbm>>, %arg3: memref<64x1000000xf32, #tpu.memory_space<hbm>>, %arg4: memref<1000000xf32, #tpu.memory_space<hbm>>, %arg5: memref<425984xf32, #tpu.memory_space<hbm>>, %arg6: memref<64x16xf32, #tpu.memory_space<vmem>>, %arg7: memref<2x64x512xf32, #tpu.memory_space<vmem>>, %arg8: memref<2x512xf32, #tpu.memory_space<vmem>>, %arg9: memref<2x512xf32, #tpu.memory_space<vmem>>, %arg10: memref<2x!tpu.dma_semaphore, #tpu.memory_space<semaphore_mem>>, %arg11: memref<2x!tpu.dma_semaphore, #tpu.memory_space<semaphore_mem>>, %arg12: memref<2x!tpu.dma_semaphore, #tpu.memory_space<semaphore_mem>>) attributes {dimension_semantics = [#tpu.dimension_semantics<core_parallel>, #tpu.dimension_semantics<subcore_parallel>], iteration_bounds = array<i64: 2, 16>, scalar_prefetch = 0 : i64, scratch_operands = 7 : i64, tpu.core_type = #tpu.core_type<sc_vector_subcore>, window_params = [{transform_indices = #map}, {transform_indices = #map}, {transform_indices = #map1}, {transform_indices = #map1}]} {
    %mul3A = arith.constant 2 : i32
    %mul3A_0 = arith.muli %arg1, %mul3A : i32
    %add3A = arith.addi %mul3A_0, %arg0 : i32
    %mul3A_1 = arith.constant 13312 : i32
    %mul3A_2 = arith.muli %add3A, %mul3A_1 : i32
    %add3A_3 = arith.constant 573440 : i32
    %add3A_4 = arith.addi %add3A_3, %mul3A_2 : i32
    "tpu.region"() ({
      %run_scoped3A = tpu.sem_alloc : memref<!tpu.dma_semaphore, #tpu.memory_space<semaphore_mem>>
      tpu.enqueue_dma source(%arg2 : memref<64x16xf32, #tpu.memory_space<hbm>>) target(%arg6 : memref<64x16xf32, #tpu.memory_space<vmem>>) target_semaphore(%run_scoped3A : memref<!tpu.dma_semaphore, #tpu.memory_space<semaphore_mem>>)
      tpu.wait_dma2 semaphore(%run_scoped3A : memref<!tpu.dma_semaphore, #tpu.memory_space<semaphore_mem>>) src(%arg2 : memref<64x16xf32, #tpu.memory_space<hbm>>) dst(%arg6 : memref<64x16xf32, #tpu.memory_space<vmem>>)
      tpu.yield
    }) : () -> ()
    %add3A_5 = arith.constant 0 : i32
    %add3A_6 = arith.addi %add3A_4, %add3A_5 : i32
    %dma_start3A = arith.constant 0 : i32
    %dma_start3A_7 = arith.constant 0 : i32
    %dma_start3A_8 = arith.constant 0 : i32
    %dma_start3A_9 = arith.constant 0 : i32
    %dma_start3A_10 = tpu.memref_slice %arg7[%dma_start3A, %dma_start3A_8, %dma_start3A_9] : memref<2x64x512xf32, #tpu.memory_space<vmem>> -> memref<1x64x512xf32, #tpu.memory_space<vmem>>
    %dma_start3A_11 = tpu.memref_squeeze %dma_start3A_10 : memref<1x64x512xf32, #tpu.memory_space<vmem>> -> memref<64x512xf32, #tpu.memory_space<vmem>>
    %dma_start3A_12 = arith.constant 0 : i32
    %dma_start3A_13 = tpu.memref_slice %arg3[%dma_start3A_12, %add3A_6] : memref<64x1000000xf32, #tpu.memory_space<hbm>> -> memref<64x512xf32, #tpu.memory_space<hbm>>
    %dma_start3A_14 = tpu.memref_slice %arg10[%dma_start3A_7] : memref<2x!tpu.dma_semaphore, #tpu.memory_space<semaphore_mem>> -> memref<1x!tpu.dma_semaphore, #tpu.memory_space<semaphore_mem>>
    %dma_start3A_15 = tpu.memref_squeeze %dma_start3A_14 : memref<1x!tpu.dma_semaphore, #tpu.memory_space<semaphore_mem>> -> memref<!tpu.dma_semaphore, #tpu.memory_space<semaphore_mem>>
    %dma_start3A_16 = arith.constant 0 : i32
    %dma_start3A_17 = arith.constant 0 : i32
    %dma_start3A_18 = tpu.memref_slice %arg7[%dma_start3A, %dma_start3A_16, %dma_start3A_17] : memref<2x64x512xf32, #tpu.memory_space<vmem>> -> memref<1x64x512xf32, #tpu.memory_space<vmem>>
    %dma_start3A_19 = tpu.memref_squeeze %dma_start3A_18 : memref<1x64x512xf32, #tpu.memory_space<vmem>> -> memref<64x512xf32, #tpu.memory_space<vmem>>
    %dma_start3A_20 = arith.constant 0 : i32
    %dma_start3A_21 = tpu.memref_slice %arg3[%dma_start3A_20, %add3A_6] : memref<64x1000000xf32, #tpu.memory_space<hbm>> -> memref<64x512xf32, #tpu.memory_space<hbm>>
    tpu.enqueue_dma source(%dma_start3A_21 : memref<64x512xf32, #tpu.memory_space<hbm>>) target(%dma_start3A_19 : memref<64x512xf32, #tpu.memory_space<vmem>>) target_semaphore(%dma_start3A_15 : memref<!tpu.dma_semaphore, #tpu.memory_space<semaphore_mem>>)
    %add3A_22 = arith.constant 0 : i32
    %add3A_23 = arith.addi %add3A_4, %add3A_22 : i32
    %dma_start3A_24 = arith.constant 0 : i32
    %dma_start3A_25 = arith.constant 0 : i32
    %dma_start3A_26 = arith.constant 0 : i32
    %dma_start3A_27 = tpu.memref_slice %arg8[%dma_start3A_24, %dma_start3A_26] : memref<2x512xf32, #tpu.memory_space<vmem>> -> memref<1x512xf32, #tpu.memory_space<vmem>>
    %dma_start3A_28 = tpu.memref_squeeze %dma_start3A_27 : memref<1x512xf32, #tpu.memory_space<vmem>> -> memref<512xf32, #tpu.memory_space<vmem>>
    %dma_start3A_29 = tpu.memref_slice %arg4[%add3A_23] : memref<1000000xf32, #tpu.memory_space<hbm>> -> memref<512xf32, #tpu.memory_space<hbm>>
    %dma_start3A_30 = tpu.memref_slice %arg11[%dma_start3A_25] : memref<2x!tpu.dma_semaphore, #tpu.memory_space<semaphore_mem>> -> memref<1x!tpu.dma_semaphore, #tpu.memory_space<semaphore_mem>>
    %dma_start3A_31 = tpu.memref_squeeze %dma_start3A_30 : memref<1x!tpu.dma_semaphore, #tpu.memory_space<semaphore_mem>> -> memref<!tpu.dma_semaphore, #tpu.memory_space<semaphore_mem>>
    %dma_start3A_32 = arith.constant 0 : i32
    %dma_start3A_33 = tpu.memref_slice %arg8[%dma_start3A_24, %dma_start3A_32] : memref<2x512xf32, #tpu.memory_space<vmem>> -> memref<1x512xf32, #tpu.memory_space<vmem>>
    %dma_start3A_34 = tpu.memref_squeeze %dma_start3A_33 : memref<1x512xf32, #tpu.memory_space<vmem>> -> memref<512xf32, #tpu.memory_space<vmem>>
    %dma_start3A_35 = tpu.memref_slice %arg4[%add3A_23] : memref<1000000xf32, #tpu.memory_space<hbm>> -> memref<512xf32, #tpu.memory_space<hbm>>
    tpu.enqueue_dma source(%dma_start3A_35 : memref<512xf32, #tpu.memory_space<hbm>>) target(%dma_start3A_34 : memref<512xf32, #tpu.memory_space<vmem>>) target_semaphore(%dma_start3A_31 : memref<!tpu.dma_semaphore, #tpu.memory_space<semaphore_mem>>)
    %add3A_36 = arith.constant 512 : i32
    %add3A_37 = arith.addi %add3A_4, %add3A_36 : i32
    %dma_start3A_38 = arith.constant 1 : i32
    %dma_start3A_39 = arith.constant 1 : i32
    %dma_start3A_40 = arith.constant 0 : i32
    %dma_start3A_41 = arith.constant 0 : i32
    %dma_start3A_42 = tpu.memref_slice %arg7[%dma_start3A_38, %dma_start3A_40, %dma_start3A_41] : memref<2x64x512xf32, #tpu.memory_space<vmem>> -> memref<1x64x512xf32, #tpu.memory_space<vmem>>
    %dma_start3A_43 = tpu.memref_squeeze %dma_start3A_42 : memref<1x64x512xf32, #tpu.memory_space<vmem>> -> memref<64x512xf32, #tpu.memory_space<vmem>>
    %dma_start3A_44 = arith.constant 0 : i32
    %dma_start3A_45 = tpu.memref_slice %arg3[%dma_start3A_44, %add3A_37] : memref<64x1000000xf32, #tpu.memory_space<hbm>> -> memref<64x512xf32, #tpu.memory_space<hbm>>
    %dma_start3A_46 = tpu.memref_slice %arg10[%dma_start3A_39] : memref<2x!tpu.dma_semaphore, #tpu.memory_space<semaphore_mem>> -> memref<1x!tpu.dma_semaphore, #tpu.memory_space<semaphore_mem>>
    %dma_start3A_47 = tpu.memref_squeeze %dma_start3A_46 : memref<1x!tpu.dma_semaphore, #tpu.memory_space<semaphore_mem>> -> memref<!tpu.dma_semaphore, #tpu.memory_space<semaphore_mem>>
    %dma_start3A_48 = arith.constant 0 : i32
    %dma_start3A_49 = arith.constant 0 : i32
    %dma_start3A_50 = tpu.memref_slice %arg7[%dma_start3A_38, %dma_start3A_48, %dma_start3A_49] : memref<2x64x512xf32, #tpu.memory_space<vmem>> -> memref<1x64x512xf32, #tpu.memory_space<vmem>>
    %dma_start3A_51 = tpu.memref_squeeze %dma_start3A_50 : memref<1x64x512xf32, #tpu.memory_space<vmem>> -> memref<64x512xf32, #tpu.memory_space<vmem>>
    %dma_start3A_52 = arith.constant 0 : i32
    %dma_start3A_53 = tpu.memref_slice %arg3[%dma_start3A_52, %add3A_37] : memref<64x1000000xf32, #tpu.memory_space<hbm>> -> memref<64x512xf32, #tpu.memory_space<hbm>>
    tpu.enqueue_dma source(%dma_start3A_53 : memref<64x512xf32, #tpu.memory_space<hbm>>) target(%dma_start3A_51 : memref<64x512xf32, #tpu.memory_space<vmem>>) target_semaphore(%dma_start3A_47 : memref<!tpu.dma_semaphore, #tpu.memory_space<semaphore_mem>>)
    %add3A_54 = arith.constant 512 : i32
    %add3A_55 = arith.addi %add3A_4, %add3A_54 : i32
    %dma_start3A_56 = arith.constant 1 : i32
    %dma_start3A_57 = arith.constant 1 : i32
    %dma_start3A_58 = arith.constant 0 : i32
    %dma_start3A_59 = tpu.memref_slice %arg8[%dma_start3A_56, %dma_start3A_58] : memref<2x512xf32, #tpu.memory_space<vmem>> -> memref<1x512xf32, #tpu.memory_space<vmem>>
    %dma_start3A_60 = tpu.memref_squeeze %dma_start3A_59 : memref<1x512xf32, #tpu.memory_space<vmem>> -> memref<512xf32, #tpu.memory_space<vmem>>
    %dma_start3A_61 = tpu.memref_slice %arg4[%add3A_55] : memref<1000000xf32, #tpu.memory_space<hbm>> -> memref<512xf32, #tpu.memory_space<hbm>>
    %dma_start3A_62 = tpu.memref_slice %arg11[%dma_start3A_57] : memref<2x!tpu.dma_semaphore, #tpu.memory_space<semaphore_mem>> -> memref<1x!tpu.dma_semaphore, #tpu.memory_space<semaphore_mem>>
    %dma_start3A_63 = tpu.memref_squeeze %dma_start3A_62 : memref<1x!tpu.dma_semaphore, #tpu.memory_space<semaphore_mem>> -> memref<!tpu.dma_semaphore, #tpu.memory_space<semaphore_mem>>
    %dma_start3A_64 = arith.constant 0 : i32
    %dma_start3A_65 = tpu.memref_slice %arg8[%dma_start3A_56, %dma_start3A_64] : memref<2x512xf32, #tpu.memory_space<vmem>> -> memref<1x512xf32, #tpu.memory_space<vmem>>
    %dma_start3A_66 = tpu.memref_squeeze %dma_start3A_65 : memref<1x512xf32, #tpu.memory_space<vmem>> -> memref<512xf32, #tpu.memory_space<vmem>>
    %dma_start3A_67 = tpu.memref_slice %arg4[%add3A_55] : memref<1000000xf32, #tpu.memory_space<hbm>> -> memref<512xf32, #tpu.memory_space<hbm>>
    tpu.enqueue_dma source(%dma_start3A_67 : memref<512xf32, #tpu.memory_space<hbm>>) target(%dma_start3A_66 : memref<512xf32, #tpu.memory_space<vmem>>) target_semaphore(%dma_start3A_63 : memref<!tpu.dma_semaphore, #tpu.memory_space<semaphore_mem>>)
    %scan3A = arith.constant 0 : i32
    %scan3A_68 = arith.constant 13 : i32
    %scan3A_69 = arith.addi %scan3A, %scan3A_68 : i32
    %scan3A_70 = arith.constant 1 : i32
    scf.for %scan3A_99 = %scan3A to %scan3A_69 step %scan3A_70  : i32 {
      %mul3A_100 = arith.constant 2 : i32
      %mul3A_101 = arith.muli %scan3A_99, %mul3A_100 : i32
      %add3A_102 = arith.constant 0 : i32
      %add3A_103 = arith.addi %add3A_102, %mul3A_101 : i32
      %add3A_104 = arith.constant 0 : i32
      %add3A_105 = arith.addi %add3A_103, %add3A_104 : i32
      %dma_wait3A_106 = arith.constant 0 : i32
      %dma_wait3A_107 = arith.constant 0 : i32
      %dma_wait3A_108 = arith.constant 0 : i32
      %dma_wait3A_109 = arith.constant 0 : i32
      %dma_wait3A_110 = tpu.memref_slice %arg7[%dma_wait3A_106, %dma_wait3A_108, %dma_wait3A_109] : memref<2x64x512xf32, #tpu.memory_space<vmem>> -> memref<1x64x512xf32, #tpu.memory_space<vmem>>
      %dma_wait3A_111 = tpu.memref_squeeze %dma_wait3A_110 : memref<1x64x512xf32, #tpu.memory_space<vmem>> -> memref<64x512xf32, #tpu.memory_space<vmem>>
      %dma_wait3A_112 = arith.constant 0 : i32
      %dma_wait3A_113 = arith.constant 0 : i32
      %dma_wait3A_114 = tpu.memref_slice %arg3[%dma_wait3A_112, %dma_wait3A_113] : memref<64x1000000xf32, #tpu.memory_space<hbm>> -> memref<64x512xf32, #tpu.memory_space<hbm>>
      %dma_wait3A_115 = tpu.memref_slice %arg10[%dma_wait3A_107] : memref<2x!tpu.dma_semaphore, #tpu.memory_space<semaphore_mem>> -> memref<1x!tpu.dma_semaphore, #tpu.memory_space<semaphore_mem>>
      %dma_wait3A_116 = tpu.memref_squeeze %dma_wait3A_115 : memref<1x!tpu.dma_semaphore, #tpu.memory_space<semaphore_mem>> -> memref<!tpu.dma_semaphore, #tpu.memory_space<semaphore_mem>>
      %dma_wait3A_117 = arith.constant 0 : i32
      %dma_wait3A_118 = arith.constant 0 : i32
      %dma_wait3A_119 = tpu.memref_slice %arg7[%dma_wait3A_106, %dma_wait3A_117, %dma_wait3A_118] : memref<2x64x512xf32, #tpu.memory_space<vmem>> -> memref<1x64x512xf32, #tpu.memory_space<vmem>>
      %dma_wait3A_120 = tpu.memref_squeeze %dma_wait3A_119 : memref<1x64x512xf32, #tpu.memory_space<vmem>> -> memref<64x512xf32, #tpu.memory_space<vmem>>
      %dma_wait3A_121 = arith.constant 0 : i32
      %dma_wait3A_122 = arith.constant 0 : i32
      %dma_wait3A_123 = tpu.memref_slice %arg3[%dma_wait3A_121, %dma_wait3A_122] : memref<64x1000000xf32, #tpu.memory_space<hbm>> -> memref<64x512xf32, #tpu.memory_space<hbm>>
      tpu.wait_dma2 semaphore(%dma_wait3A_116 : memref<!tpu.dma_semaphore, #tpu.memory_space<semaphore_mem>>) src(%dma_wait3A_123 : memref<64x512xf32, #tpu.memory_space<hbm>>) dst(%dma_wait3A_120 : memref<64x512xf32, #tpu.memory_space<vmem>>)
      %dma_wait3A_124 = arith.constant 0 : i32
      %dma_wait3A_125 = arith.constant 0 : i32
      %dma_wait3A_126 = arith.constant 0 : i32
      %dma_wait3A_127 = tpu.memref_slice %arg8[%dma_wait3A_124, %dma_wait3A_126] : memref<2x512xf32, #tpu.memory_space<vmem>> -> memref<1x512xf32, #tpu.memory_space<vmem>>
      %dma_wait3A_128 = tpu.memref_squeeze %dma_wait3A_127 : memref<1x512xf32, #tpu.memory_space<vmem>> -> memref<512xf32, #tpu.memory_space<vmem>>
      %dma_wait3A_129 = arith.constant 0 : i32
      %dma_wait3A_130 = tpu.memref_slice %arg4[%dma_wait3A_129] : memref<1000000xf32, #tpu.memory_space<hbm>> -> memref<512xf32, #tpu.memory_space<hbm>>
      %dma_wait3A_131 = tpu.memref_slice %arg11[%dma_wait3A_125] : memref<2x!tpu.dma_semaphore, #tpu.memory_space<semaphore_mem>> -> memref<1x!tpu.dma_semaphore, #tpu.memory_space<semaphore_mem>>
      %dma_wait3A_132 = tpu.memref_squeeze %dma_wait3A_131 : memref<1x!tpu.dma_semaphore, #tpu.memory_space<semaphore_mem>> -> memref<!tpu.dma_semaphore, #tpu.memory_space<semaphore_mem>>
      %dma_wait3A_133 = arith.constant 0 : i32
      %dma_wait3A_134 = tpu.memref_slice %arg8[%dma_wait3A_124, %dma_wait3A_133] : memref<2x512xf32, #tpu.memory_space<vmem>> -> memref<1x512xf32, #tpu.memory_space<vmem>>
      %dma_wait3A_135 = tpu.memref_squeeze %dma_wait3A_134 : memref<1x512xf32, #tpu.memory_space<vmem>> -> memref<512xf32, #tpu.memory_space<vmem>>
      %dma_wait3A_136 = arith.constant 0 : i32
      %dma_wait3A_137 = tpu.memref_slice %arg4[%dma_wait3A_136] : memref<1000000xf32, #tpu.memory_space<hbm>> -> memref<512xf32, #tpu.memory_space<hbm>>
      tpu.wait_dma2 semaphore(%dma_wait3A_132 : memref<!tpu.dma_semaphore, #tpu.memory_space<semaphore_mem>>) src(%dma_wait3A_137 : memref<512xf32, #tpu.memory_space<hbm>>) dst(%dma_wait3A_135 : memref<512xf32, #tpu.memory_space<vmem>>)
      %ge3A = arith.constant 2 : i32
      %ge3A_138 = arith.cmpi sge, %add3A_105, %ge3A : i32
      %convert_element_type3A = arith.extui %ge3A_138 : i1 to i32
      %cond3A = arith.constant 0 : i32
      %cond3A_139 = arith.cmpi ne, %convert_element_type3A, %cond3A : i32
      scf.if %cond3A_139 {
        %dma_wait3A_232 = arith.constant 0 : i32
        %dma_wait3A_233 = arith.constant 0 : i32
        %dma_wait3A_234 = arith.constant 0 : i32
        %dma_wait3A_235 = tpu.memref_slice %arg9[%dma_wait3A_232, %dma_wait3A_234] : memref<2x512xf32, #tpu.memory_space<vmem>> -> memref<1x512xf32, #tpu.memory_space<vmem>>
        %dma_wait3A_236 = tpu.memref_squeeze %dma_wait3A_235 : memref<1x512xf32, #tpu.memory_space<vmem>> -> memref<512xf32, #tpu.memory_space<vmem>>
        %dma_wait3A_237 = arith.constant 0 : i32
        %dma_wait3A_238 = tpu.memref_slice %arg5[%dma_wait3A_237] : memref<425984xf32, #tpu.memory_space<hbm>> -> memref<512xf32, #tpu.memory_space<hbm>>
        %dma_wait3A_239 = tpu.memref_slice %arg12[%dma_wait3A_233] : memref<2x!tpu.dma_semaphore, #tpu.memory_space<semaphore_mem>> -> memref<1x!tpu.dma_semaphore, #tpu.memory_space<semaphore_mem>>
        %dma_wait3A_240 = tpu.memref_squeeze %dma_wait3A_239 : memref<1x!tpu.dma_semaphore, #tpu.memory_space<semaphore_mem>> -> memref<!tpu.dma_semaphore, #tpu.memory_space<semaphore_mem>>
        %dma_wait3A_241 = arith.constant 0 : i32
        %dma_wait3A_242 = tpu.memref_slice %arg5[%dma_wait3A_241] : memref<425984xf32, #tpu.memory_space<hbm>> -> memref<512xf32, #tpu.memory_space<hbm>>
        %dma_wait3A_243 = arith.constant 0 : i32
        %dma_wait3A_244 = tpu.memref_slice %arg9[%dma_wait3A_232, %dma_wait3A_243] : memref<2x512xf32, #tpu.memory_space<vmem>> -> memref<1x512xf32, #tpu.memory_space<vmem>>
        %dma_wait3A_245 = tpu.memref_squeeze %dma_wait3A_244 : memref<1x512xf32, #tpu.memory_space<vmem>> -> memref<512xf32, #tpu.memory_space<vmem>>
        tpu.wait_dma2 semaphore(%dma_wait3A_240 : memref<!tpu.dma_semaphore, #tpu.memory_space<semaphore_mem>>) src(%dma_wait3A_245 : memref<512xf32, #tpu.memory_space<vmem>>) dst(%dma_wait3A_242 : memref<512xf32, #tpu.memory_space<hbm>>)
      } else {
      }
      %scan3A_140 = arith.constant 0 : i32
      %scan3A_141 = arith.constant 32 : i32
      %scan3A_142 = arith.addi %scan3A_140, %scan3A_141 : i32
      %scan3A_143 = arith.constant 1 : i32
      scf.for %scan3A_232 = %scan3A_140 to %scan3A_142 step %scan3A_143  : i32 {
        %mul3A_233 = arith.constant 1 : i32
        %mul3A_234 = arith.muli %scan3A_232, %mul3A_233 : i32
        %add3A_235 = arith.constant 0 : i32
        %add3A_236 = arith.addi %add3A_235, %mul3A_234 : i32
        %mul3A_237 = arith.constant 16 : i32
        %mul3A_238 = arith.muli %add3A_236, %mul3A_237 : i32
        %get3A = arith.constant 0 : i32
        %get3A_239 = arith.index_cast %get3A : i32 to index
        %get3A_240 = arith.index_cast %mul3A_238 : i32 to index
        %get3A_241 = tpu.vector_load %arg8[%get3A_239, %get3A_240] {strides = array<i32>} : memref<2x512xf32, #tpu.memory_space<vmem>>, vector<1x16xf32>,
        %get3A_242 = vector.shape_cast %get3A_241 : vector<1x16xf32> to vector<16xf32>
        %get3A_243 = arith.constant 0 : i32
        %get3A_244 = arith.constant 0 : i32
        %get3A_245 = arith.index_cast %get3A_243 : i32 to index
        %get3A_246 = arith.index_cast %get3A_244 : i32 to index
        %get3A_247 = arith.index_cast %mul3A_238 : i32 to index
        %get3A_248 = tpu.vector_load %arg7[%get3A_245, %get3A_246, %get3A_247] {strides = array<i32>} : memref<2x64x512xf32, #tpu.memory_space<vmem>>, vector<1x1x16xf32>,
        %get3A_249 = vector.shape_cast %get3A_248 : vector<1x1x16xf32> to vector<16xf32>
        %get3A_250 = arith.constant 0 : i32
        %get3A_251 = arith.index_cast %get3A_250 : i32 to index
        %get3A_252 = arith.constant 0 : index
        %get3A_253 = tpu.vector_load %arg6[%get3A_251, %get3A_252] {strides = array<i32>} : memref<64x16xf32, #tpu.memory_space<vmem>>, vector<1x16xf32>,
        %get3A_254 = vector.shape_cast %get3A_253 : vector<1x16xf32> to vector<16xf32>
        %mul3A_255 = arith.mulf %get3A_249, %get3A_254 : vector<16xf32>
        %add3A_256 = arith.addf %get3A_242, %mul3A_255 : vector<16xf32>
        %get3A_257 = arith.constant 0 : i32
        %get3A_258 = arith.constant 1 : i32
        %get3A_259 = arith.index_cast %get3A_257 : i32 to index
        %get3A_260 = arith.index_cast %get3A_258 : i32 to index
        %get3A_261 = arith.index_cast %mul3A_238 : i32 to index
        %get3A_262 = tpu.vector_load %arg7[%get3A_259, %get3A_260, %get3A_261] {strides = array<i32>} : memref<2x64x512xf32, #tpu.memory_space<vmem>>, vector<1x1x16xf32>,
        %get3A_263 = vector.shape_cast %get3A_262 : vector<1x1x16xf32> to vector<16xf32>
        %get3A_264 = arith.constant 1 : i32
        %get3A_265 = arith.index_cast %get3A_264 : i32 to index
        %get3A_266 = arith.constant 0 : index
        %get3A_267 = tpu.vector_load %arg6[%get3A_265, %get3A_266] {strides = array<i32>} : memref<64x16xf32, #tpu.memory_space<vmem>>, vector<1x16xf32>,
        %get3A_268 = vector.shape_cast %get3A_267 : vector<1x16xf32> to vector<16xf32>
        %mul3A_269 = arith.mulf %get3A_263, %get3A_268 : vector<16xf32>
        %add3A_270 = arith.addf %add3A_256, %mul3A_269 : vector<16xf32>
        %get3A_271 = arith.constant 0 : i32
        %get3A_272 = arith.constant 2 : i32
        %get3A_273 = arith.index_cast %get3A_271 : i32 to index
        %get3A_274 = arith.index_cast %get3A_272 : i32 to index
        %get3A_275 = arith.index_cast %mul3A_238 : i32 to index
        %get3A_276 = tpu.vector_load %arg7[%get3A_273, %get3A_274, %get3A_275] {strides = array<i32>} : memref<2x64x512xf32, #tpu.memory_space<vmem>>, vector<1x1x16xf32>,
        %get3A_277 = vector.shape_cast %get3A_276 : vector<1x1x16xf32> to vector<16xf32>
        %get3A_278 = arith.constant 2 : i32
        %get3A_279 = arith.index_cast %get3A_278 : i32 to index
        %get3A_280 = arith.constant 0 : index
        %get3A_281 = tpu.vector_load %arg6[%get3A_279, %get3A_280] {strides = array<i32>} : memref<64x16xf32, #tpu.memory_space<vmem>>, vector<1x16xf32>,
        %get3A_282 = vector.shape_cast %get3A_281 : vector<1x16xf32> to vector<16xf32>
        %mul3A_283 = arith.mulf %get3A_277, %get3A_282 : vector<16xf32>
        %add3A_284 = arith.addf %add3A_270, %mul3A_283 : vector<16xf32>
        %get3A_285 = arith.constant 0 : i32
        %get3A_286 = arith.constant 3 : i32
        %get3A_287 = arith.index_cast %get3A_285 : i32 to index
        %get3A_288 = arith.index_cast %get3A_286 : i32 to index
        %get3A_289 = arith.index_cast %mul3A_238 : i32 to index
        %get3A_290 = tpu.vector_load %arg7[%get3A_287, %get3A_288, %get3A_289] {strides = array<i32>} : memref<2x64x512xf32, #tpu.memory_space<vmem>>, vector<1x1x16xf32>,
        %get3A_291 = vector.shape_cast %get3A_290 : vector<1x1x16xf32> to vector<16xf32>
        %get3A_292 = arith.constant 3 : i32
        %get3A_293 = arith.index_cast %get3A_292 : i32 to index
        %get3A_294 = arith.constant 0 : index
        %get3A_295 = tpu.vector_load %arg6[%get3A_293, %get3A_294] {strides = array<i32>} : memref<64x16xf32, #tpu.memory_space<vmem>>, vector<1x16xf32>,
        %get3A_296 = vector.shape_cast %get3A_295 : vector<1x16xf32> to vector<16xf32>
        %mul3A_297 = arith.mulf %get3A_291, %get3A_296 : vector<16xf32>
        %add3A_298 = arith.addf %add3A_284, %mul3A_297 : vector<16xf32>
        %get3A_299 = arith.constant 0 : i32
        %get3A_300 = arith.constant 4 : i32
        %get3A_301 = arith.index_cast %get3A_299 : i32 to index
        %get3A_302 = arith.index_cast %get3A_300 : i32 to index
        %get3A_303 = arith.index_cast %mul3A_238 : i32 to index
        %get3A_304 = tpu.vector_load %arg7[%get3A_301, %get3A_302, %get3A_303] {strides = array<i32>} : memref<2x64x512xf32, #tpu.memory_space<vmem>>, vector<1x1x16xf32>,
        %get3A_305 = vector.shape_cast %get3A_304 : vector<1x1x16xf32> to vector<16xf32>
        %get3A_306 = arith.constant 4 : i32
        %get3A_307 = arith.index_cast %get3A_306 : i32 to index
        %get3A_308 = arith.constant 0 : index
        %get3A_309 = tpu.vector_load %arg6[%get3A_307, %get3A_308] {strides = array<i32>} : memref<64x16xf32, #tpu.memory_space<vmem>>, vector<1x16xf32>,
        %get3A_310 = vector.shape_cast %get3A_309 : vector<1x16xf32> to vector<16xf32>
        %mul3A_311 = arith.mulf %get3A_305, %get3A_310 : vector<16xf32>
        %add3A_312 = arith.addf %add3A_298, %mul3A_311 : vector<16xf32>
        %get3A_313 = arith.constant 0 : i32
        %get3A_314 = arith.constant 5 : i32
        %get3A_315 = arith.index_cast %get3A_313 : i32 to index
        %get3A_316 = arith.index_cast %get3A_314 : i32 to index
        %get3A_317 = arith.index_cast %mul3A_238 : i32 to index
        %get3A_318 = tpu.vector_load %arg7[%get3A_315, %get3A_316, %get3A_317] {strides = array<i32>} : memref<2x64x512xf32, #tpu.memory_space<vmem>>, vector<1x1x16xf32>,
        %get3A_319 = vector.shape_cast %get3A_318 : vector<1x1x16xf32> to vector<16xf32>
        %get3A_320 = arith.constant 5 : i32
        %get3A_321 = arith.index_cast %get3A_320 : i32 to index
        %get3A_322 = arith.constant 0 : index
        %get3A_323 = tpu.vector_load %arg6[%get3A_321, %get3A_322] {strides = array<i32>} : memref<64x16xf32, #tpu.memory_space<vmem>>, vector<1x16xf32>,
        %get3A_324 = vector.shape_cast %get3A_323 : vector<1x16xf32> to vector<16xf32>
        %mul3A_325 = arith.mulf %get3A_319, %get3A_324 : vector<16xf32>
        %add3A_326 = arith.addf %add3A_312, %mul3A_325 : vector<16xf32>
        %get3A_327 = arith.constant 0 : i32
        %get3A_328 = arith.constant 6 : i32
        %get3A_329 = arith.index_cast %get3A_327 : i32 to index
        %get3A_330 = arith.index_cast %get3A_328 : i32 to index
        %get3A_331 = arith.index_cast %mul3A_238 : i32 to index
        %get3A_332 = tpu.vector_load %arg7[%get3A_329, %get3A_330, %get3A_331] {strides = array<i32>} : memref<2x64x512xf32, #tpu.memory_space<vmem>>, vector<1x1x16xf32>,
        %get3A_333 = vector.shape_cast %get3A_332 : vector<1x1x16xf32> to vector<16xf32>
        %get3A_334 = arith.constant 6 : i32
        %get3A_335 = arith.index_cast %get3A_334 : i32 to index
        %get3A_336 = arith.constant 0 : index
        %get3A_337 = tpu.vector_load %arg6[%get3A_335, %get3A_336] {strides = array<i32>} : memref<64x16xf32, #tpu.memory_space<vmem>>, vector<1x16xf32>,
        %get3A_338 = vector.shape_cast %get3A_337 : vector<1x16xf32> to vector<16xf32>
        %mul3A_339 = arith.mulf %get3A_333, %get3A_338 : vector<16xf32>
        %add3A_340 = arith.addf %add3A_326, %mul3A_339 : vector<16xf32>
        %get3A_341 = arith.constant 0 : i32
        %get3A_342 = arith.constant 7 : i32
        %get3A_343 = arith.index_cast %get3A_341 : i32 to index
        %get3A_344 = arith.index_cast %get3A_342 : i32 to index
        %get3A_345 = arith.index_cast %mul3A_238 : i32 to index
        %get3A_346 = tpu.vector_load %arg7[%get3A_343, %get3A_344, %get3A_345] {strides = array<i32>} : memref<2x64x512xf32, #tpu.memory_space<vmem>>, vector<1x1x16xf32>,
        %get3A_347 = vector.shape_cast %get3A_346 : vector<1x1x16xf32> to vector<16xf32>
        %get3A_348 = arith.constant 7 : i32
        %get3A_349 = arith.index_cast %get3A_348 : i32 to index
        %get3A_350 = arith.constant 0 : index
        %get3A_351 = tpu.vector_load %arg6[%get3A_349, %get3A_350] {strides = array<i32>} : memref<64x16xf32, #tpu.memory_space<vmem>>, vector<1x16xf32>,
        %get3A_352 = vector.shape_cast %get3A_351 : vector<1x16xf32> to vector<16xf32>
        %mul3A_353 = arith.mulf %get3A_347, %get3A_352 : vector<16xf32>
        %add3A_354 = arith.addf %add3A_340, %mul3A_353 : vector<16xf32>
        %get3A_355 = arith.constant 0 : i32
        %get3A_356 = arith.constant 8 : i32
        %get3A_357 = arith.index_cast %get3A_355 : i32 to index
        %get3A_358 = arith.index_cast %get3A_356 : i32 to index
        %get3A_359 = arith.index_cast %mul3A_238 : i32 to index
        %get3A_360 = tpu.vector_load %arg7[%get3A_357, %get3A_358, %get3A_359] {strides = array<i32>} : memref<2x64x512xf32, #tpu.memory_space<vmem>>, vector<1x1x16xf32>,
        %get3A_361 = vector.shape_cast %get3A_360 : vector<1x1x16xf32> to vector<16xf32>
        %get3A_362 = arith.constant 8 : i32
        %get3A_363 = arith.index_cast %get3A_362 : i32 to index
        %get3A_364 = arith.constant 0 : index
        %get3A_365 = tpu.vector_load %arg6[%get3A_363, %get3A_364] {strides = array<i32>} : memref<64x16xf32, #tpu.memory_space<vmem>>, vector<1x16xf32>,
        %get3A_366 = vector.shape_cast %get3A_365 : vector<1x16xf32> to vector<16xf32>
        %mul3A_367 = arith.mulf %get3A_361, %get3A_366 : vector<16xf32>
        %add3A_368 = arith.addf %add3A_354, %mul3A_367 : vector<16xf32>
        %get3A_369 = arith.constant 0 : i32
        %get3A_370 = arith.constant 9 : i32
        %get3A_371 = arith.index_cast %get3A_369 : i32 to index
        %get3A_372 = arith.index_cast %get3A_370 : i32 to index
        %get3A_373 = arith.index_cast %mul3A_238 : i32 to index
        %get3A_374 = tpu.vector_load %arg7[%get3A_371, %get3A_372, %get3A_373] {strides = array<i32>} : memref<2x64x512xf32, #tpu.memory_space<vmem>>, vector<1x1x16xf32>,
        %get3A_375 = vector.shape_cast %get3A_374 : vector<1x1x16xf32> to vector<16xf32>
        %get3A_376 = arith.constant 9 : i32
        %get3A_377 = arith.index_cast %get3A_376 : i32 to index
        %get3A_378 = arith.constant 0 : index
        %get3A_379 = tpu.vector_load %arg6[%get3A_377, %get3A_378] {strides = array<i32>} : memref<64x16xf32, #tpu.memory_space<vmem>>, vector<1x16xf32>,
        %get3A_380 = vector.shape_cast %get3A_379 : vector<1x16xf32> to vector<16xf32>
        %mul3A_381 = arith.mulf %get3A_375, %get3A_380 : vector<16xf32>
        %add3A_382 = arith.addf %add3A_368, %mul3A_381 : vector<16xf32>
        %get3A_383 = arith.constant 0 : i32
        %get3A_384 = arith.constant 10 : i32
        %get3A_385 = arith.index_cast %get3A_383 : i32 to index
        %get3A_386 = arith.index_cast %get3A_384 : i32 to index
        %get3A_387 = arith.index_cast %mul3A_238 : i32 to index
        %get3A_388 = tpu.vector_load %arg7[%get3A_385, %get3A_386, %get3A_387] {strides = array<i32>} : memref<2x64x512xf32, #tpu.memory_space<vmem>>, vector<1x1x16xf32>,
        %get3A_389 = vector.shape_cast %get3A_388 : vector<1x1x16xf32> to vector<16xf32>
        %get3A_390 = arith.constant 10 : i32
        %get3A_391 = arith.index_cast %get3A_390 : i32 to index
        %get3A_392 = arith.constant 0 : index
        %get3A_393 = tpu.vector_load %arg6[%get3A_391, %get3A_392] {strides = array<i32>} : memref<64x16xf32, #tpu.memory_space<vmem>>, vector<1x16xf32>,
        %get3A_394 = vector.shape_cast %get3A_393 : vector<1x16xf32> to vector<16xf32>
        %mul3A_395 = arith.mulf %get3A_389, %get3A_394 : vector<16xf32>
        %add3A_396 = arith.addf %add3A_382, %mul3A_395 : vector<16xf32>
        %get3A_397 = arith.constant 0 : i32
        %get3A_398 = arith.constant 11 : i32
        %get3A_399 = arith.index_cast %get3A_397 : i32 to index
        %get3A_400 = arith.index_cast %get3A_398 : i32 to index
        %get3A_401 = arith.index_cast %mul3A_238 : i32 to index
        %get3A_402 = tpu.vector_load %arg7[%get3A_399, %get3A_400, %get3A_401] {strides = array<i32>} : memref<2x64x512xf32, #tpu.memory_space<vmem>>, vector<1x1x16xf32>,
        %get3A_403 = vector.shape_cast %get3A_402 : vector<1x1x16xf32> to vector<16xf32>
        %get3A_404 = arith.constant 11 : i32
        %get3A_405 = arith.index_cast %get3A_404 : i32 to index
        %get3A_406 = arith.constant 0 : index
        %get3A_407 = tpu.vector_load %arg6[%get3A_405, %get3A_406] {strides = array<i32>} : memref<64x16xf32, #tpu.memory_space<vmem>>, vector<1x16xf32>,
        %get3A_408 = vector.shape_cast %get3A_407 : vector<1x16xf32> to vector<16xf32>
        %mul3A_409 = arith.mulf %get3A_403, %get3A_408 : vector<16xf32>
        %add3A_410 = arith.addf %add3A_396, %mul3A_409 : vector<16xf32>
        %get3A_411 = arith.constant 0 : i32
        %get3A_412 = arith.constant 12 : i32
        %get3A_413 = arith.index_cast %get3A_411 : i32 to index
        %get3A_414 = arith.index_cast %get3A_412 : i32 to index
        %get3A_415 = arith.index_cast %mul3A_238 : i32 to index
        %get3A_416 = tpu.vector_load %arg7[%get3A_413, %get3A_414, %get3A_415] {strides = array<i32>} : memref<2x64x512xf32, #tpu.memory_space<vmem>>, vector<1x1x16xf32>,
        %get3A_417 = vector.shape_cast %get3A_416 : vector<1x1x16xf32> to vector<16xf32>
        %get3A_418 = arith.constant 12 : i32
        %get3A_419 = arith.index_cast %get3A_418 : i32 to index
        %get3A_420 = arith.constant 0 : index
        %get3A_421 = tpu.vector_load %arg6[%get3A_419, %get3A_420] {strides = array<i32>} : memref<64x16xf32, #tpu.memory_space<vmem>>, vector<1x16xf32>,
        %get3A_422 = vector.shape_cast %get3A_421 : vector<1x16xf32> to vector<16xf32>
        %mul3A_423 = arith.mulf %get3A_417, %get3A_422 : vector<16xf32>
        %add3A_424 = arith.addf %add3A_410, %mul3A_423 : vector<16xf32>
        %get3A_425 = arith.constant 0 : i32
        %get3A_426 = arith.constant 13 : i32
        %get3A_427 = arith.index_cast %get3A_425 : i32 to index
        %get3A_428 = arith.index_cast %get3A_426 : i32 to index
        %get3A_429 = arith.index_cast %mul3A_238 : i32 to index
        %get3A_430 = tpu.vector_load %arg7[%get3A_427, %get3A_428, %get3A_429] {strides = array<i32>} : memref<2x64x512xf32, #tpu.memory_space<vmem>>, vector<1x1x16xf32>,
        %get3A_431 = vector.shape_cast %get3A_430 : vector<1x1x16xf32> to vector<16xf32>
        %get3A_432 = arith.constant 13 : i32
        %get3A_433 = arith.index_cast %get3A_432 : i32 to index
        %get3A_434 = arith.constant 0 : index
        %get3A_435 = tpu.vector_load %arg6[%get3A_433, %get3A_434] {strides = array<i32>} : memref<64x16xf32, #tpu.memory_space<vmem>>, vector<1x16xf32>,
        %get3A_436 = vector.shape_cast %get3A_435 : vector<1x16xf32> to vector<16xf32>
        %mul3A_437 = arith.mulf %get3A_431, %get3A_436 : vector<16xf32>
        %add3A_438 = arith.addf %add3A_424, %mul3A_437 : vector<16xf32>
        %get3A_439 = arith.constant 0 : i32
        %get3A_440 = arith.constant 14 : i32
        %get3A_441 = arith.index_cast %get3A_439 : i32 to index
        %get3A_442 = arith.index_cast %get3A_440 : i32 to index
        %get3A_443 = arith.index_cast %mul3A_238 : i32 to index
        %get3A_444 = tpu.vector_load %arg7[%get3A_441, %get3A_442, %get3A_443] {strides = array<i32>} : memref<2x64x512xf32, #tpu.memory_space<vmem>>, vector<1x1x16xf32>,
        %get3A_445 = vector.shape_cast %get3A_444 : vector<1x1x16xf32> to vector<16xf32>
        %get3A_446 = arith.constant 14 : i32
        %get3A_447 = arith.index_cast %get3A_446 : i32 to index
        %get3A_448 = arith.constant 0 : index
        %get3A_449 = tpu.vector_load %arg6[%get3A_447, %get3A_448] {strides = array<i32>} : memref<64x16xf32, #tpu.memory_space<vmem>>, vector<1x16xf32>,
        %get3A_450 = vector.shape_cast %get3A_449 : vector<1x16xf32> to vector<16xf32>
        %mul3A_451 = arith.mulf %get3A_445, %get3A_450 : vector<16xf32>
        %add3A_452 = arith.addf %add3A_438, %mul3A_451 : vector<16xf32>
        %get3A_453 = arith.constant 0 : i32
        %get3A_454 = arith.constant 15 : i32
        %get3A_455 = arith.index_cast %get3A_453 : i32 to index
        %get3A_456 = arith.index_cast %get3A_454 : i32 to index
        %get3A_457 = arith.index_cast %mul3A_238 : i32 to index
        %get3A_458 = tpu.vector_load %arg7[%get3A_455, %get3A_456, %get3A_457] {strides = array<i32>} : memref<2x64x512xf32, #tpu.memory_space<vmem>>, vector<1x1x16xf32>,
        %get3A_459 = vector.shape_cast %get3A_458 : vector<1x1x16xf32> to vector<16xf32>
        %get3A_460 = arith.constant 15 : i32
        %get3A_461 = arith.index_cast %get3A_460 : i32 to index
        %get3A_462 = arith.constant 0 : index
        %get3A_463 = tpu.vector_load %arg6[%get3A_461, %get3A_462] {strides = array<i32>} : memref<64x16xf32, #tpu.memory_space<vmem>>, vector<1x16xf32>,
        %get3A_464 = vector.shape_cast %get3A_463 : vector<1x16xf32> to vector<16xf32>
        %mul3A_465 = arith.mulf %get3A_459, %get3A_464 : vector<16xf32>
        %add3A_466 = arith.addf %add3A_452, %mul3A_465 : vector<16xf32>
        %get3A_467 = arith.constant 0 : i32
        %get3A_468 = arith.constant 16 : i32
        %get3A_469 = arith.index_cast %get3A_467 : i32 to index
        %get3A_470 = arith.index_cast %get3A_468 : i32 to index
        %get3A_471 = arith.index_cast %mul3A_238 : i32 to index
        %get3A_472 = tpu.vector_load %arg7[%get3A_469, %get3A_470, %get3A_471] {strides = array<i32>} : memref<2x64x512xf32, #tpu.memory_space<vmem>>, vector<1x1x16xf32>,
        %get3A_473 = vector.shape_cast %get3A_472 : vector<1x1x16xf32> to vector<16xf32>
        %get3A_474 = arith.constant 16 : i32
        %get3A_475 = arith.index_cast %get3A_474 : i32 to index
        %get3A_476 = arith.constant 0 : index
        %get3A_477 = tpu.vector_load %arg6[%get3A_475, %get3A_476] {strides = array<i32>} : memref<64x16xf32, #tpu.memory_space<vmem>>, vector<1x16xf32>,
        %get3A_478 = vector.shape_cast %get3A_477 : vector<1x16xf32> to vector<16xf32>
        %mul3A_479 = arith.mulf %get3A_473, %get3A_478 : vector<16xf32>
        %add3A_480 = arith.addf %add3A_466, %mul3A_479 : vector<16xf32>
        %get3A_481 = arith.constant 0 : i32
        %get3A_482 = arith.constant 17 : i32
        %get3A_483 = arith.index_cast %get3A_481 : i32 to index
        %get3A_484 = arith.index_cast %get3A_482 : i32 to index
        %get3A_485 = arith.index_cast %mul3A_238 : i32 to index
        %get3A_486 = tpu.vector_load %arg7[%get3A_483, %get3A_484, %get3A_485] {strides = array<i32>} : memref<2x64x512xf32, #tpu.memory_space<vmem>>, vector<1x1x16xf32>,
        %get3A_487 = vector.shape_cast %get3A_486 : vector<1x1x16xf32> to vector<16xf32>
        %get3A_488 = arith.constant 17 : i32
        %get3A_489 = arith.index_cast %get3A_488 : i32 to index
        %get3A_490 = arith.constant 0 : index
        %get3A_491 = tpu.vector_load %arg6[%get3A_489, %get3A_490] {strides = array<i32>} : memref<64x16xf32, #tpu.memory_space<vmem>>, vector<1x16xf32>,
        %get3A_492 = vector.shape_cast %get3A_491 : vector<1x16xf32> to vector<16xf32>
        %mul3A_493 = arith.mulf %get3A_487, %get3A_492 : vector<16xf32>
        %add3A_494 = arith.addf %add3A_480, %mul3A_493 : vector<16xf32>
        %get3A_495 = arith.constant 0 : i32
        %get3A_496 = arith.constant 18 : i32
        %get3A_497 = arith.index_cast %get3A_495 : i32 to index
        %get3A_498 = arith.index_cast %get3A_496 : i32 to index
        %get3A_499 = arith.index_cast %mul3A_238 : i32 to index
        %get3A_500 = tpu.vector_load %arg7[%get3A_497, %get3A_498, %get3A_499] {strides = array<i32>} : memref<2x64x512xf32, #tpu.memory_space<vmem>>, vector<1x1x16xf32>,
        %get3A_501 = vector.shape_cast %get3A_500 : vector<1x1x16xf32> to vector<16xf32>
        %get3A_502 = arith.constant 18 : i32
        %get3A_503 = arith.index_cast %get3A_502 : i32 to index
        %get3A_504 = arith.constant 0 : index
        %get3A_505 = tpu.vector_load %arg6[%get3A_503, %get3A_504] {strides = array<i32>} : memref<64x16xf32, #tpu.memory_space<vmem>>, vector<1x16xf32>,
        %get3A_506 = vector.shape_cast %get3A_505 : vector<1x16xf32> to vector<16xf32>
        %mul3A_507 = arith.mulf %get3A_501, %get3A_506 : vector<16xf32>
        %add3A_508 = arith.addf %add3A_494, %mul3A_507 : vector<16xf32>
        %get3A_509 = arith.constant 0 : i32
        %get3A_510 = arith.constant 19 : i32
        %get3A_511 = arith.index_cast %get3A_509 : i32 to index
        %get3A_512 = arith.index_cast %get3A_510 : i32 to index
        %get3A_513 = arith.index_cast %mul3A_238 : i32 to index
        %get3A_514 = tpu.vector_load %arg7[%get3A_511, %get3A_512, %get3A_513] {strides = array<i32>} : memref<2x64x512xf32, #tpu.memory_space<vmem>>, vector<1x1x16xf32>,
        %get3A_515 = vector.shape_cast %get3A_514 : vector<1x1x16xf32> to vector<16xf32>
        %get3A_516 = arith.constant 19 : i32
        %get3A_517 = arith.index_cast %get3A_516 : i32 to index
        %get3A_518 = arith.constant 0 : index
        %get3A_519 = tpu.vector_load %arg6[%get3A_517, %get3A_518] {strides = array<i32>} : memref<64x16xf32, #tpu.memory_space<vmem>>, vector<1x16xf32>,
        %get3A_520 = vector.shape_cast %get3A_519 : vector<1x16xf32> to vector<16xf32>
        %mul3A_521 = arith.mulf %get3A_515, %get3A_520 : vector<16xf32>
        %add3A_522 = arith.addf %add3A_508, %mul3A_521 : vector<16xf32>
        %get3A_523 = arith.constant 0 : i32
        %get3A_524 = arith.constant 20 : i32
        %get3A_525 = arith.index_cast %get3A_523 : i32 to index
        %get3A_526 = arith.index_cast %get3A_524 : i32 to index
        %get3A_527 = arith.index_cast %mul3A_238 : i32 to index
        %get3A_528 = tpu.vector_load %arg7[%get3A_525, %get3A_526, %get3A_527] {strides = array<i32>} : memref<2x64x512xf32, #tpu.memory_space<vmem>>, vector<1x1x16xf32>,
        %get3A_529 = vector.shape_cast %get3A_528 : vector<1x1x16xf32> to vector<16xf32>
        %get3A_530 = arith.constant 20 : i32
        %get3A_531 = arith.index_cast %get3A_530 : i32 to index
        %get3A_532 = arith.constant 0 : index
        %get3A_533 = tpu.vector_load %arg6[%get3A_531, %get3A_532] {strides = array<i32>} : memref<64x16xf32, #tpu.memory_space<vmem>>, vector<1x16xf32>,
        %get3A_534 = vector.shape_cast %get3A_533 : vector<1x16xf32> to vector<16xf32>
        %mul3A_535 = arith.mulf %get3A_529, %get3A_534 : vector<16xf32>
        %add3A_536 = arith.addf %add3A_522, %mul3A_535 : vector<16xf32>
        %get3A_537 = arith.constant 0 : i32
        %get3A_538 = arith.constant 21 : i32
        %get3A_539 = arith.index_cast %get3A_537 : i32 to index
        %get3A_540 = arith.index_cast %get3A_538 : i32 to index
        %get3A_541 = arith.index_cast %mul3A_238 : i32 to index
        %get3A_542 = tpu.vector_load %arg7[%get3A_539, %get3A_540, %get3A_541] {strides = array<i32>} : memref<2x64x512xf32, #tpu.memory_space<vmem>>, vector<1x1x16xf32>,
        %get3A_543 = vector.shape_cast %get3A_542 : vector<1x1x16xf32> to vector<16xf32>
        %get3A_544 = arith.constant 21 : i32
        %get3A_545 = arith.index_cast %get3A_544 : i32 to index
        %get3A_546 = arith.constant 0 : index
        %get3A_547 = tpu.vector_load %arg6[%get3A_545, %get3A_546] {strides = array<i32>} : memref<64x16xf32, #tpu.memory_space<vmem>>, vector<1x16xf32>,
        %get3A_548 = vector.shape_cast %get3A_547 : vector<1x16xf32> to vector<16xf32>
        %mul3A_549 = arith.mulf %get3A_543, %get3A_548 : vector<16xf32>
        %add3A_550 = arith.addf %add3A_536, %mul3A_549 : vector<16xf32>
        %get3A_551 = arith.constant 0 : i32
        %get3A_552 = arith.constant 22 : i32
        %get3A_553 = arith.index_cast %get3A_551 : i32 to index
        %get3A_554 = arith.index_cast %get3A_552 : i32 to index
        %get3A_555 = arith.index_cast %mul3A_238 : i32 to index
        %get3A_556 = tpu.vector_load %arg7[%get3A_553, %get3A_554, %get3A_555] {strides = array<i32>} : memref<2x64x512xf32, #tpu.memory_space<vmem>>, vector<1x1x16xf32>,
        %get3A_557 = vector.shape_cast %get3A_556 : vector<1x1x16xf32> to vector<16xf32>
        %get3A_558 = arith.constant 22 : i32
        %get3A_559 = arith.index_cast %get3A_558 : i32 to index
        %get3A_560 = arith.constant 0 : index
        %get3A_561 = tpu.vector_load %arg6[%get3A_559, %get3A_560] {strides = array<i32>} : memref<64x16xf32, #tpu.memory_space<vmem>>, vector<1x16xf32>,
        %get3A_562 = vector.shape_cast %get3A_561 : vector<1x16xf32> to vector<16xf32>
        %mul3A_563 = arith.mulf %get3A_557, %get3A_562 : vector<16xf32>
        %add3A_564 = arith.addf %add3A_550, %mul3A_563 : vector<16xf32>
        %get3A_565 = arith.constant 0 : i32
        %get3A_566 = arith.constant 23 : i32
        %get3A_567 = arith.index_cast %get3A_565 : i32 to index
        %get3A_568 = arith.index_cast %get3A_566 : i32 to index
        %get3A_569 = arith.index_cast %mul3A_238 : i32 to index
        %get3A_570 = tpu.vector_load %arg7[%get3A_567, %get3A_568, %get3A_569] {strides = array<i32>} : memref<2x64x512xf32, #tpu.memory_space<vmem>>, vector<1x1x16xf32>,
        %get3A_571 = vector.shape_cast %get3A_570 : vector<1x1x16xf32> to vector<16xf32>
        %get3A_572 = arith.constant 23 : i32
        %get3A_573 = arith.index_cast %get3A_572 : i32 to index
        %get3A_574 = arith.constant 0 : index
        %get3A_575 = tpu.vector_load %arg6[%get3A_573, %get3A_574] {strides = array<i32>} : memref<64x16xf32, #tpu.memory_space<vmem>>, vector<1x16xf32>,
        %get3A_576 = vector.shape_cast %get3A_575 : vector<1x16xf32> to vector<16xf32>
        %mul3A_577 = arith.mulf %get3A_571, %get3A_576 : vector<16xf32>
        %add3A_578 = arith.addf %add3A_564, %mul3A_577 : vector<16xf32>
        %get3A_579 = arith.constant 0 : i32
        %get3A_580 = arith.constant 24 : i32
        %get3A_581 = arith.index_cast %get3A_579 : i32 to index
        %get3A_582 = arith.index_cast %get3A_580 : i32 to index
        %get3A_583 = arith.index_cast %mul3A_238 : i32 to index
        %get3A_584 = tpu.vector_load %arg7[%get3A_581, %get3A_582, %get3A_583] {strides = array<i32>} : memref<2x64x512xf32, #tpu.memory_space<vmem>>, vector<1x1x16xf32>,
        %get3A_585 = vector.shape_cast %get3A_584 : vector<1x1x16xf32> to vector<16xf32>
        %get3A_586 = arith.constant 24 : i32
        %get3A_587 = arith.index_cast %get3A_586 : i32 to index
        %get3A_588 = arith.constant 0 : index
        %get3A_589 = tpu.vector_load %arg6[%get3A_587, %get3A_588] {strides = array<i32>} : memref<64x16xf32, #tpu.memory_space<vmem>>, vector<1x16xf32>,
        %get3A_590 = vector.shape_cast %get3A_589 : vector<1x16xf32> to vector<16xf32>
        %mul3A_591 = arith.mulf %get3A_585, %get3A_590 : vector<16xf32>
        %add3A_592 = arith.addf %add3A_578, %mul3A_591 : vector<16xf32>
        %get3A_593 = arith.constant 0 : i32
        %get3A_594 = arith.constant 25 : i32
        %get3A_595 = arith.index_cast %get3A_593 : i32 to index
        %get3A_596 = arith.index_cast %get3A_594 : i32 to index
        %get3A_597 = arith.index_cast %mul3A_238 : i32 to index
        %get3A_598 = tpu.vector_load %arg7[%get3A_595, %get3A_596, %get3A_597] {strides = array<i32>} : memref<2x64x512xf32, #tpu.memory_space<vmem>>, vector<1x1x16xf32>,
        %get3A_599 = vector.shape_cast %get3A_598 : vector<1x1x16xf32> to vector<16xf32>
        %get3A_600 = arith.constant 25 : i32
        %get3A_601 = arith.index_cast %get3A_600 : i32 to index
        %get3A_602 = arith.constant 0 : index
        %get3A_603 = tpu.vector_load %arg6[%get3A_601, %get3A_602] {strides = array<i32>} : memref<64x16xf32, #tpu.memory_space<vmem>>, vector<1x16xf32>,
        %get3A_604 = vector.shape_cast %get3A_603 : vector<1x16xf32> to vector<16xf32>
        %mul3A_605 = arith.mulf %get3A_599, %get3A_604 : vector<16xf32>
        %add3A_606 = arith.addf %add3A_592, %mul3A_605 : vector<16xf32>
        %get3A_607 = arith.constant 0 : i32
        %get3A_608 = arith.constant 26 : i32
        %get3A_609 = arith.index_cast %get3A_607 : i32 to index
        %get3A_610 = arith.index_cast %get3A_608 : i32 to index
        %get3A_611 = arith.index_cast %mul3A_238 : i32 to index
        %get3A_612 = tpu.vector_load %arg7[%get3A_609, %get3A_610, %get3A_611] {strides = array<i32>} : memref<2x64x512xf32, #tpu.memory_space<vmem>>, vector<1x1x16xf32>,
        %get3A_613 = vector.shape_cast %get3A_612 : vector<1x1x16xf32> to vector<16xf32>
        %get3A_614 = arith.constant 26 : i32
        %get3A_615 = arith.index_cast %get3A_614 : i32 to index
        %get3A_616 = arith.constant 0 : index
        %get3A_617 = tpu.vector_load %arg6[%get3A_615, %get3A_616] {strides = array<i32>} : memref<64x16xf32, #tpu.memory_space<vmem>>, vector<1x16xf32>,
        %get3A_618 = vector.shape_cast %get3A_617 : vector<1x16xf32> to vector<16xf32>
        %mul3A_619 = arith.mulf %get3A_613, %get3A_618 : vector<16xf32>
        %add3A_620 = arith.addf %add3A_606, %mul3A_619 : vector<16xf32>
        %get3A_621 = arith.constant 0 : i32
        %get3A_622 = arith.constant 27 : i32
        %get3A_623 = arith.index_cast %get3A_621 : i32 to index
        %get3A_624 = arith.index_cast %get3A_622 : i32 to index
        %get3A_625 = arith.index_cast %mul3A_238 : i32 to index
        %get3A_626 = tpu.vector_load %arg7[%get3A_623, %get3A_624, %get3A_625] {strides = array<i32>} : memref<2x64x512xf32, #tpu.memory_space<vmem>>, vector<1x1x16xf32>,
        %get3A_627 = vector.shape_cast %get3A_626 : vector<1x1x16xf32> to vector<16xf32>
        %get3A_628 = arith.constant 27 : i32
        %get3A_629 = arith.index_cast %get3A_628 : i32 to index
        %get3A_630 = arith.constant 0 : index
        %get3A_631 = tpu.vector_load %arg6[%get3A_629, %get3A_630] {strides = array<i32>} : memref<64x16xf32, #tpu.memory_space<vmem>>, vector<1x16xf32>,
        %get3A_632 = vector.shape_cast %get3A_631 : vector<1x16xf32> to vector<16xf32>
        %mul3A_633 = arith.mulf %get3A_627, %get3A_632 : vector<16xf32>
        %add3A_634 = arith.addf %add3A_620, %mul3A_633 : vector<16xf32>
        %get3A_635 = arith.constant 0 : i32
        %get3A_636 = arith.constant 28 : i32
        %get3A_637 = arith.index_cast %get3A_635 : i32 to index
        %get3A_638 = arith.index_cast %get3A_636 : i32 to index
        %get3A_639 = arith.index_cast %mul3A_238 : i32 to index
        %get3A_640 = tpu.vector_load %arg7[%get3A_637, %get3A_638, %get3A_639] {strides = array<i32>} : memref<2x64x512xf32, #tpu.memory_space<vmem>>, vector<1x1x16xf32>,
        %get3A_641 = vector.shape_cast %get3A_640 : vector<1x1x16xf32> to vector<16xf32>
        %get3A_642 = arith.constant 28 : i32
        %get3A_643 = arith.index_cast %get3A_642 : i32 to index
        %get3A_644 = arith.constant 0 : index
        %get3A_645 = tpu.vector_load %arg6[%get3A_643, %get3A_644] {strides = array<i32>} : memref<64x16xf32, #tpu.memory_space<vmem>>, vector<1x16xf32>,
        %get3A_646 = vector.shape_cast %get3A_645 : vector<1x16xf32> to vector<16xf32>
        %mul3A_647 = arith.mulf %get3A_641, %get3A_646 : vector<16xf32>
        %add3A_648 = arith.addf %add3A_634, %mul3A_647 : vector<16xf32>
        %get3A_649 = arith.constant 0 : i32
        %get3A_650 = arith.constant 29 : i32
        %get3A_651 = arith.index_cast %get3A_649 : i32 to index
        %get3A_652 = arith.index_cast %get3A_650 : i32 to index
        %get3A_653 = arith.index_cast %mul3A_238 : i32 to index
        %get3A_654 = tpu.vector_load %arg7[%get3A_651, %get3A_652, %get3A_653] {strides = array<i32>} : memref<2x64x512xf32, #tpu.memory_space<vmem>>, vector<1x1x16xf32>,
        %get3A_655 = vector.shape_cast %get3A_654 : vector<1x1x16xf32> to vector<16xf32>
        %get3A_656 = arith.constant 29 : i32
        %get3A_657 = arith.index_cast %get3A_656 : i32 to index
        %get3A_658 = arith.constant 0 : index
        %get3A_659 = tpu.vector_load %arg6[%get3A_657, %get3A_658] {strides = array<i32>} : memref<64x16xf32, #tpu.memory_space<vmem>>, vector<1x16xf32>,
        %get3A_660 = vector.shape_cast %get3A_659 : vector<1x16xf32> to vector<16xf32>
        %mul3A_661 = arith.mulf %get3A_655, %get3A_660 : vector<16xf32>
        %add3A_662 = arith.addf %add3A_648, %mul3A_661 : vector<16xf32>
        %get3A_663 = arith.constant 0 : i32
        %get3A_664 = arith.constant 30 : i32
        %get3A_665 = arith.index_cast %get3A_663 : i32 to index
        %get3A_666 = arith.index_cast %get3A_664 : i32 to index
        %get3A_667 = arith.index_cast %mul3A_238 : i32 to index
        %get3A_668 = tpu.vector_load %arg7[%get3A_665, %get3A_666, %get3A_667] {strides = array<i32>} : memref<2x64x512xf32, #tpu.memory_space<vmem>>, vector<1x1x16xf32>,
        %get3A_669 = vector.shape_cast %get3A_668 : vector<1x1x16xf32> to vector<16xf32>
        %get3A_670 = arith.constant 30 : i32
        %get3A_671 = arith.index_cast %get3A_670 : i32 to index
        %get3A_672 = arith.constant 0 : index
        %get3A_673 = tpu.vector_load %arg6[%get3A_671, %get3A_672] {strides = array<i32>} : memref<64x16xf32, #tpu.memory_space<vmem>>, vector<1x16xf32>,
        %get3A_674 = vector.shape_cast %get3A_673 : vector<1x16xf32> to vector<16xf32>
        %mul3A_675 = arith.mulf %get3A_669, %get3A_674 : vector<16xf32>
        %add3A_676 = arith.addf %add3A_662, %mul3A_675 : vector<16xf32>
        %get3A_677 = arith.constant 0 : i32
        %get3A_678 = arith.constant 31 : i32
        %get3A_679 = arith.index_cast %get3A_677 : i32 to index
        %get3A_680 = arith.index_cast %get3A_678 : i32 to index
        %get3A_681 = arith.index_cast %mul3A_238 : i32 to index
        %get3A_682 = tpu.vector_load %arg7[%get3A_679, %get3A_680, %get3A_681] {strides = array<i32>} : memref<2x64x512xf32, #tpu.memory_space<vmem>>, vector<1x1x16xf32>,
        %get3A_683 = vector.shape_cast %get3A_682 : vector<1x1x16xf32> to vector<16xf32>
        %get3A_684 = arith.constant 31 : i32
        %get3A_685 = arith.index_cast %get3A_684 : i32 to index
        %get3A_686 = arith.constant 0 : index
        %get3A_687 = tpu.vector_load %arg6[%get3A_685, %get3A_686] {strides = array<i32>} : memref<64x16xf32, #tpu.memory_space<vmem>>, vector<1x16xf32>,
        %get3A_688 = vector.shape_cast %get3A_687 : vector<1x16xf32> to vector<16xf32>
        %mul3A_689 = arith.mulf %get3A_683, %get3A_688 : vector<16xf32>
        %add3A_690 = arith.addf %add3A_676, %mul3A_689 : vector<16xf32>
        %get3A_691 = arith.constant 0 : i32
        %get3A_692 = arith.constant 32 : i32
        %get3A_693 = arith.index_cast %get3A_691 : i32 to index
        %get3A_694 = arith.index_cast %get3A_692 : i32 to index
        %get3A_695 = arith.index_cast %mul3A_238 : i32 to index
        %get3A_696 = tpu.vector_load %arg7[%get3A_693, %get3A_694, %get3A_695] {strides = array<i32>} : memref<2x64x512xf32, #tpu.memory_space<vmem>>, vector<1x1x16xf32>,
        %get3A_697 = vector.shape_cast %get3A_696 : vector<1x1x16xf32> to vector<16xf32>
        %get3A_698 = arith.constant 32 : i32
        %get3A_699 = arith.index_cast %get3A_698 : i32 to index
        %get3A_700 = arith.constant 0 : index
        %get3A_701 = tpu.vector_load %arg6[%get3A_699, %get3A_700] {strides = array<i32>} : memref<64x16xf32, #tpu.memory_space<vmem>>, vector<1x16xf32>,
        %get3A_702 = vector.shape_cast %get3A_701 : vector<1x16xf32> to vector<16xf32>
        %mul3A_703 = arith.mulf %get3A_697, %get3A_702 : vector<16xf32>
        %add3A_704 = arith.addf %add3A_690, %mul3A_703 : vector<16xf32>
        %get3A_705 = arith.constant 0 : i32
        %get3A_706 = arith.constant 33 : i32
        %get3A_707 = arith.index_cast %get3A_705 : i32 to index
        %get3A_708 = arith.index_cast %get3A_706 : i32 to index
        %get3A_709 = arith.index_cast %mul3A_238 : i32 to index
        %get3A_710 = tpu.vector_load %arg7[%get3A_707, %get3A_708, %get3A_709] {strides = array<i32>} : memref<2x64x512xf32, #tpu.memory_space<vmem>>, vector<1x1x16xf32>,
        %get3A_711 = vector.shape_cast %get3A_710 : vector<1x1x16xf32> to vector<16xf32>
        %get3A_712 = arith.constant 33 : i32
        %get3A_713 = arith.index_cast %get3A_712 : i32 to index
        %get3A_714 = arith.constant 0 : index
        %get3A_715 = tpu.vector_load %arg6[%get3A_713, %get3A_714] {strides = array<i32>} : memref<64x16xf32, #tpu.memory_space<vmem>>, vector<1x16xf32>,
        %get3A_716 = vector.shape_cast %get3A_715 : vector<1x16xf32> to vector<16xf32>
        %mul3A_717 = arith.mulf %get3A_711, %get3A_716 : vector<16xf32>
        %add3A_718 = arith.addf %add3A_704, %mul3A_717 : vector<16xf32>
        %get3A_719 = arith.constant 0 : i32
        %get3A_720 = arith.constant 34 : i32
        %get3A_721 = arith.index_cast %get3A_719 : i32 to index
        %get3A_722 = arith.index_cast %get3A_720 : i32 to index
        %get3A_723 = arith.index_cast %mul3A_238 : i32 to index
        %get3A_724 = tpu.vector_load %arg7[%get3A_721, %get3A_722, %get3A_723] {strides = array<i32>} : memref<2x64x512xf32, #tpu.memory_space<vmem>>, vector<1x1x16xf32>,
        %get3A_725 = vector.shape_cast %get3A_724 : vector<1x1x16xf32> to vector<16xf32>
        %get3A_726 = arith.constant 34 : i32
        %get3A_727 = arith.index_cast %get3A_726 : i32 to index
        %get3A_728 = arith.constant 0 : index
        %get3A_729 = tpu.vector_load %arg6[%get3A_727, %get3A_728] {strides = array<i32>} : memref<64x16xf32, #tpu.memory_space<vmem>>, vector<1x16xf32>,
        %get3A_730 = vector.shape_cast %get3A_729 : vector<1x16xf32> to vector<16xf32>
        %mul3A_731 = arith.mulf %get3A_725, %get3A_730 : vector<16xf32>
        %add3A_732 = arith.addf %add3A_718, %mul3A_731 : vector<16xf32>
        %get3A_733 = arith.constant 0 : i32
        %get3A_734 = arith.constant 35 : i32
        %get3A_735 = arith.index_cast %get3A_733 : i32 to index
        %get3A_736 = arith.index_cast %get3A_734 : i32 to index
        %get3A_737 = arith.index_cast %mul3A_238 : i32 to index
        %get3A_738 = tpu.vector_load %arg7[%get3A_735, %get3A_736, %get3A_737] {strides = array<i32>} : memref<2x64x512xf32, #tpu.memory_space<vmem>>, vector<1x1x16xf32>,
        %get3A_739 = vector.shape_cast %get3A_738 : vector<1x1x16xf32> to vector<16xf32>
        %get3A_740 = arith.constant 35 : i32
        %get3A_741 = arith.index_cast %get3A_740 : i32 to index
        %get3A_742 = arith.constant 0 : index
        %get3A_743 = tpu.vector_load %arg6[%get3A_741, %get3A_742] {strides = array<i32>} : memref<64x16xf32, #tpu.memory_space<vmem>>, vector<1x16xf32>,
        %get3A_744 = vector.shape_cast %get3A_743 : vector<1x16xf32> to vector<16xf32>
        %mul3A_745 = arith.mulf %get3A_739, %get3A_744 : vector<16xf32>
        %add3A_746 = arith.addf %add3A_732, %mul3A_745 : vector<16xf32>
        %get3A_747 = arith.constant 0 : i32
        %get3A_748 = arith.constant 36 : i32
        %get3A_749 = arith.index_cast %get3A_747 : i32 to index
        %get3A_750 = arith.index_cast %get3A_748 : i32 to index
        %get3A_751 = arith.index_cast %mul3A_238 : i32 to index
        %get3A_752 = tpu.vector_load %arg7[%get3A_749, %get3A_750, %get3A_751] {strides = array<i32>} : memref<2x64x512xf32, #tpu.memory_space<vmem>>, vector<1x1x16xf32>,
        %get3A_753 = vector.shape_cast %get3A_752 : vector<1x1x16xf32> to vector<16xf32>
        %get3A_754 = arith.constant 36 : i32
        %get3A_755 = arith.index_cast %get3A_754 : i32 to index
        %get3A_756 = arith.constant 0 : index
        %get3A_757 = tpu.vector_load %arg6[%get3A_755, %get3A_756] {strides = array<i32>} : memref<64x16xf32, #tpu.memory_space<vmem>>, vector<1x16xf32>,
        %get3A_758 = vector.shape_cast %get3A_757 : vector<1x16xf32> to vector<16xf32>
        %mul3A_759 = arith.mulf %get3A_753, %get3A_758 : vector<16xf32>
        %add3A_760 = arith.addf %add3A_746, %mul3A_759 : vector<16xf32>
        %get3A_761 = arith.constant 0 : i32
        %get3A_762 = arith.constant 37 : i32
        %get3A_763 = arith.index_cast %get3A_761 : i32 to index
        %get3A_764 = arith.index_cast %get3A_762 : i32 to index
        %get3A_765 = arith.index_cast %mul3A_238 : i32 to index
        %get3A_766 = tpu.vector_load %arg7[%get3A_763, %get3A_764, %get3A_765] {strides = array<i32>} : memref<2x64x512xf32, #tpu.memory_space<vmem>>, vector<1x1x16xf32>,
        %get3A_767 = vector.shape_cast %get3A_766 : vector<1x1x16xf32> to vector<16xf32>
        %get3A_768 = arith.constant 37 : i32
        %get3A_769 = arith.index_cast %get3A_768 : i32 to index
        %get3A_770 = arith.constant 0 : index
        %get3A_771 = tpu.vector_load %arg6[%get3A_769, %get3A_770] {strides = array<i32>} : memref<64x16xf32, #tpu.memory_space<vmem>>, vector<1x16xf32>,
        %get3A_772 = vector.shape_cast %get3A_771 : vector<1x16xf32> to vector<16xf32>
        %mul3A_773 = arith.mulf %get3A_767, %get3A_772 : vector<16xf32>
        %add3A_774 = arith.addf %add3A_760, %mul3A_773 : vector<16xf32>
        %get3A_775 = arith.constant 0 : i32
        %get3A_776 = arith.constant 38 : i32
        %get3A_777 = arith.index_cast %get3A_775 : i32 to index
        %get3A_778 = arith.index_cast %get3A_776 : i32 to index
        %get3A_779 = arith.index_cast %mul3A_238 : i32 to index
        %get3A_780 = tpu.vector_load %arg7[%get3A_777, %get3A_778, %get3A_779] {strides = array<i32>} : memref<2x64x512xf32, #tpu.memory_space<vmem>>, vector<1x1x16xf32>,
        %get3A_781 = vector.shape_cast %get3A_780 : vector<1x1x16xf32> to vector<16xf32>
        %get3A_782 = arith.constant 38 : i32
        %get3A_783 = arith.index_cast %get3A_782 : i32 to index
        %get3A_784 = arith.constant 0 : index
        %get3A_785 = tpu.vector_load %arg6[%get3A_783, %get3A_784] {strides = array<i32>} : memref<64x16xf32, #tpu.memory_space<vmem>>, vector<1x16xf32>,
        %get3A_786 = vector.shape_cast %get3A_785 : vector<1x16xf32> to vector<16xf32>
        %mul3A_787 = arith.mulf %get3A_781, %get3A_786 : vector<16xf32>
        %add3A_788 = arith.addf %add3A_774, %mul3A_787 : vector<16xf32>
        %get3A_789 = arith.constant 0 : i32
        %get3A_790 = arith.constant 39 : i32
        %get3A_791 = arith.index_cast %get3A_789 : i32 to index
        %get3A_792 = arith.index_cast %get3A_790 : i32 to index
        %get3A_793 = arith.index_cast %mul3A_238 : i32 to index
        %get3A_794 = tpu.vector_load %arg7[%get3A_791, %get3A_792, %get3A_793] {strides = array<i32>} : memref<2x64x512xf32, #tpu.memory_space<vmem>>, vector<1x1x16xf32>,
        %get3A_795 = vector.shape_cast %get3A_794 : vector<1x1x16xf32> to vector<16xf32>
        %get3A_796 = arith.constant 39 : i32
        %get3A_797 = arith.index_cast %get3A_796 : i32 to index
        %get3A_798 = arith.constant 0 : index
        %get3A_799 = tpu.vector_load %arg6[%get3A_797, %get3A_798] {strides = array<i32>} : memref<64x16xf32, #tpu.memory_space<vmem>>, vector<1x16xf32>,
        %get3A_800 = vector.shape_cast %get3A_799 : vector<1x16xf32> to vector<16xf32>
        %mul3A_801 = arith.mulf %get3A_795, %get3A_800 : vector<16xf32>
        %add3A_802 = arith.addf %add3A_788, %mul3A_801 : vector<16xf32>
        %get3A_803 = arith.constant 0 : i32
        %get3A_804 = arith.constant 40 : i32
        %get3A_805 = arith.index_cast %get3A_803 : i32 to index
        %get3A_806 = arith.index_cast %get3A_804 : i32 to index
        %get3A_807 = arith.index_cast %mul3A_238 : i32 to index
        %get3A_808 = tpu.vector_load %arg7[%get3A_805, %get3A_806, %get3A_807] {strides = array<i32>} : memref<2x64x512xf32, #tpu.memory_space<vmem>>, vector<1x1x16xf32>,
        %get3A_809 = vector.shape_cast %get3A_808 : vector<1x1x16xf32> to vector<16xf32>
        %get3A_810 = arith.constant 40 : i32
        %get3A_811 = arith.index_cast %get3A_810 : i32 to index
        %get3A_812 = arith.constant 0 : index
        %get3A_813 = tpu.vector_load %arg6[%get3A_811, %get3A_812] {strides = array<i32>} : memref<64x16xf32, #tpu.memory_space<vmem>>, vector<1x16xf32>,
        %get3A_814 = vector.shape_cast %get3A_813 : vector<1x16xf32> to vector<16xf32>
        %mul3A_815 = arith.mulf %get3A_809, %get3A_814 : vector<16xf32>
        %add3A_816 = arith.addf %add3A_802, %mul3A_815 : vector<16xf32>
        %get3A_817 = arith.constant 0 : i32
        %get3A_818 = arith.constant 41 : i32
        %get3A_819 = arith.index_cast %get3A_817 : i32 to index
        %get3A_820 = arith.index_cast %get3A_818 : i32 to index
        %get3A_821 = arith.index_cast %mul3A_238 : i32 to index
        %get3A_822 = tpu.vector_load %arg7[%get3A_819, %get3A_820, %get3A_821] {strides = array<i32>} : memref<2x64x512xf32, #tpu.memory_space<vmem>>, vector<1x1x16xf32>,
        %get3A_823 = vector.shape_cast %get3A_822 : vector<1x1x16xf32> to vector<16xf32>
        %get3A_824 = arith.constant 41 : i32
        %get3A_825 = arith.index_cast %get3A_824 : i32 to index
        %get3A_826 = arith.constant 0 : index
        %get3A_827 = tpu.vector_load %arg6[%get3A_825, %get3A_826] {strides = array<i32>} : memref<64x16xf32, #tpu.memory_space<vmem>>, vector<1x16xf32>,
        %get3A_828 = vector.shape_cast %get3A_827 : vector<1x16xf32> to vector<16xf32>
        %mul3A_829 = arith.mulf %get3A_823, %get3A_828 : vector<16xf32>
        %add3A_830 = arith.addf %add3A_816, %mul3A_829 : vector<16xf32>
        %get3A_831 = arith.constant 0 : i32
        %get3A_832 = arith.constant 42 : i32
        %get3A_833 = arith.index_cast %get3A_831 : i32 to index
        %get3A_834 = arith.index_cast %get3A_832 : i32 to index
        %get3A_835 = arith.index_cast %mul3A_238 : i32 to index
        %get3A_836 = tpu.vector_load %arg7[%get3A_833, %get3A_834, %get3A_835] {strides = array<i32>} : memref<2x64x512xf32, #tpu.memory_space<vmem>>, vector<1x1x16xf32>,
        %get3A_837 = vector.shape_cast %get3A_836 : vector<1x1x16xf32> to vector<16xf32>
        %get3A_838 = arith.constant 42 : i32
        %get3A_839 = arith.index_cast %get3A_838 : i32 to index
        %get3A_840 = arith.constant 0 : index
        %get3A_841 = tpu.vector_load %arg6[%get3A_839, %get3A_840] {strides = array<i32>} : memref<64x16xf32, #tpu.memory_space<vmem>>, vector<1x16xf32>,
        %get3A_842 = vector.shape_cast %get3A_841 : vector<1x16xf32> to vector<16xf32>
        %mul3A_843 = arith.mulf %get3A_837, %get3A_842 : vector<16xf32>
        %add3A_844 = arith.addf %add3A_830, %mul3A_843 : vector<16xf32>
        %get3A_845 = arith.constant 0 : i32
        %get3A_846 = arith.constant 43 : i32
        %get3A_847 = arith.index_cast %get3A_845 : i32 to index
        %get3A_848 = arith.index_cast %get3A_846 : i32 to index
        %get3A_849 = arith.index_cast %mul3A_238 : i32 to index
        %get3A_850 = tpu.vector_load %arg7[%get3A_847, %get3A_848, %get3A_849] {strides = array<i32>} : memref<2x64x512xf32, #tpu.memory_space<vmem>>, vector<1x1x16xf32>,
        %get3A_851 = vector.shape_cast %get3A_850 : vector<1x1x16xf32> to vector<16xf32>
        %get3A_852 = arith.constant 43 : i32
        %get3A_853 = arith.index_cast %get3A_852 : i32 to index
        %get3A_854 = arith.constant 0 : index
        %get3A_855 = tpu.vector_load %arg6[%get3A_853, %get3A_854] {strides = array<i32>} : memref<64x16xf32, #tpu.memory_space<vmem>>, vector<1x16xf32>,
        %get3A_856 = vector.shape_cast %get3A_855 : vector<1x16xf32> to vector<16xf32>
        %mul3A_857 = arith.mulf %get3A_851, %get3A_856 : vector<16xf32>
        %add3A_858 = arith.addf %add3A_844, %mul3A_857 : vector<16xf32>
        %get3A_859 = arith.constant 0 : i32
        %get3A_860 = arith.constant 44 : i32
        %get3A_861 = arith.index_cast %get3A_859 : i32 to index
        %get3A_862 = arith.index_cast %get3A_860 : i32 to index
        %get3A_863 = arith.index_cast %mul3A_238 : i32 to index
        %get3A_864 = tpu.vector_load %arg7[%get3A_861, %get3A_862, %get3A_863] {strides = array<i32>} : memref<2x64x512xf32, #tpu.memory_space<vmem>>, vector<1x1x16xf32>,
        %get3A_865 = vector.shape_cast %get3A_864 : vector<1x1x16xf32> to vector<16xf32>
        %get3A_866 = arith.constant 44 : i32
        %get3A_867 = arith.index_cast %get3A_866 : i32 to index
        %get3A_868 = arith.constant 0 : index
        %get3A_869 = tpu.vector_load %arg6[%get3A_867, %get3A_868] {strides = array<i32>} : memref<64x16xf32, #tpu.memory_space<vmem>>, vector<1x16xf32>,
        %get3A_870 = vector.shape_cast %get3A_869 : vector<1x16xf32> to vector<16xf32>
        %mul3A_871 = arith.mulf %get3A_865, %get3A_870 : vector<16xf32>
        %add3A_872 = arith.addf %add3A_858, %mul3A_871 : vector<16xf32>
        %get3A_873 = arith.constant 0 : i32
        %get3A_874 = arith.constant 45 : i32
        %get3A_875 = arith.index_cast %get3A_873 : i32 to index
        %get3A_876 = arith.index_cast %get3A_874 : i32 to index
        %get3A_877 = arith.index_cast %mul3A_238 : i32 to index
        %get3A_878 = tpu.vector_load %arg7[%get3A_875, %get3A_876, %get3A_877] {strides = array<i32>} : memref<2x64x512xf32, #tpu.memory_space<vmem>>, vector<1x1x16xf32>,
        %get3A_879 = vector.shape_cast %get3A_878 : vector<1x1x16xf32> to vector<16xf32>
        %get3A_880 = arith.constant 45 : i32
        %get3A_881 = arith.index_cast %get3A_880 : i32 to index
        %get3A_882 = arith.constant 0 : index
        %get3A_883 = tpu.vector_load %arg6[%get3A_881, %get3A_882] {strides = array<i32>} : memref<64x16xf32, #tpu.memory_space<vmem>>, vector<1x16xf32>,
        %get3A_884 = vector.shape_cast %get3A_883 : vector<1x16xf32> to vector<16xf32>
        %mul3A_885 = arith.mulf %get3A_879, %get3A_884 : vector<16xf32>
        %add3A_886 = arith.addf %add3A_872, %mul3A_885 : vector<16xf32>
        %get3A_887 = arith.constant 0 : i32
        %get3A_888 = arith.constant 46 : i32
        %get3A_889 = arith.index_cast %get3A_887 : i32 to index
        %get3A_890 = arith.index_cast %get3A_888 : i32 to index
        %get3A_891 = arith.index_cast %mul3A_238 : i32 to index
        %get3A_892 = tpu.vector_load %arg7[%get3A_889, %get3A_890, %get3A_891] {strides = array<i32>} : memref<2x64x512xf32, #tpu.memory_space<vmem>>, vector<1x1x16xf32>,
        %get3A_893 = vector.shape_cast %get3A_892 : vector<1x1x16xf32> to vector<16xf32>
        %get3A_894 = arith.constant 46 : i32
        %get3A_895 = arith.index_cast %get3A_894 : i32 to index
        %get3A_896 = arith.constant 0 : index
        %get3A_897 = tpu.vector_load %arg6[%get3A_895, %get3A_896] {strides = array<i32>} : memref<64x16xf32, #tpu.memory_space<vmem>>, vector<1x16xf32>,
        %get3A_898 = vector.shape_cast %get3A_897 : vector<1x16xf32> to vector<16xf32>
        %mul3A_899 = arith.mulf %get3A_893, %get3A_898 : vector<16xf32>
        %add3A_900 = arith.addf %add3A_886, %mul3A_899 : vector<16xf32>
        %get3A_901 = arith.constant 0 : i32
        %get3A_902 = arith.constant 47 : i32
        %get3A_903 = arith.index_cast %get3A_901 : i32 to index
        %get3A_904 = arith.index_cast %get3A_902 : i32 to index
        %get3A_905 = arith.index_cast %mul3A_238 : i32 to index
        %get3A_906 = tpu.vector_load %arg7[%get3A_903, %get3A_904, %get3A_905] {strides = array<i32>} : memref<2x64x512xf32, #tpu.memory_space<vmem>>, vector<1x1x16xf32>,
        %get3A_907 = vector.shape_cast %get3A_906 : vector<1x1x16xf32> to vector<16xf32>
        %get3A_908 = arith.constant 47 : i32
        %get3A_909 = arith.index_cast %get3A_908 : i32 to index
        %get3A_910 = arith.constant 0 : index
        %get3A_911 = tpu.vector_load %arg6[%get3A_909, %get3A_910] {strides = array<i32>} : memref<64x16xf32, #tpu.memory_space<vmem>>, vector<1x16xf32>,
        %get3A_912 = vector.shape_cast %get3A_911 : vector<1x16xf32> to vector<16xf32>
        %mul3A_913 = arith.mulf %get3A_907, %get3A_912 : vector<16xf32>
        %add3A_914 = arith.addf %add3A_900, %mul3A_913 : vector<16xf32>
        %get3A_915 = arith.constant 0 : i32
        %get3A_916 = arith.constant 48 : i32
        %get3A_917 = arith.index_cast %get3A_915 : i32 to index
        %get3A_918 = arith.index_cast %get3A_916 : i32 to index
        %get3A_919 = arith.index_cast %mul3A_238 : i32 to index
        %get3A_920 = tpu.vector_load %arg7[%get3A_917, %get3A_918, %get3A_919] {strides = array<i32>} : memref<2x64x512xf32, #tpu.memory_space<vmem>>, vector<1x1x16xf32>,
        %get3A_921 = vector.shape_cast %get3A_920 : vector<1x1x16xf32> to vector<16xf32>
        %get3A_922 = arith.constant 48 : i32
        %get3A_923 = arith.index_cast %get3A_922 : i32 to index
        %get3A_924 = arith.constant 0 : index
        %get3A_925 = tpu.vector_load %arg6[%get3A_923, %get3A_924] {strides = array<i32>} : memref<64x16xf32, #tpu.memory_space<vmem>>, vector<1x16xf32>,
        %get3A_926 = vector.shape_cast %get3A_925 : vector<1x16xf32> to vector<16xf32>
        %mul3A_927 = arith.mulf %get3A_921, %get3A_926 : vector<16xf32>
        %add3A_928 = arith.addf %add3A_914, %mul3A_927 : vector<16xf32>
        %get3A_929 = arith.constant 0 : i32
        %get3A_930 = arith.constant 49 : i32
        %get3A_931 = arith.index_cast %get3A_929 : i32 to index
        %get3A_932 = arith.index_cast %get3A_930 : i32 to index
        %get3A_933 = arith.index_cast %mul3A_238 : i32 to index
        %get3A_934 = tpu.vector_load %arg7[%get3A_931, %get3A_932, %get3A_933] {strides = array<i32>} : memref<2x64x512xf32, #tpu.memory_space<vmem>>, vector<1x1x16xf32>,
        %get3A_935 = vector.shape_cast %get3A_934 : vector<1x1x16xf32> to vector<16xf32>
        %get3A_936 = arith.constant 49 : i32
        %get3A_937 = arith.index_cast %get3A_936 : i32 to index
        %get3A_938 = arith.constant 0 : index
        %get3A_939 = tpu.vector_load %arg6[%get3A_937, %get3A_938] {strides = array<i32>} : memref<64x16xf32, #tpu.memory_space<vmem>>, vector<1x16xf32>,
        %get3A_940 = vector.shape_cast %get3A_939 : vector<1x16xf32> to vector<16xf32>
        %mul3A_941 = arith.mulf %get3A_935, %get3A_940 : vector<16xf32>
        %add3A_942 = arith.addf %add3A_928, %mul3A_941 : vector<16xf32>
        %get3A_943 = arith.constant 0 : i32
        %get3A_944 = arith.constant 50 : i32
        %get3A_945 = arith.index_cast %get3A_943 : i32 to index
        %get3A_946 = arith.index_cast %get3A_944 : i32 to index
        %get3A_947 = arith.index_cast %mul3A_238 : i32 to index
        %get3A_948 = tpu.vector_load %arg7[%get3A_945, %get3A_946, %get3A_947] {strides = array<i32>} : memref<2x64x512xf32, #tpu.memory_space<vmem>>, vector<1x1x16xf32>,
        %get3A_949 = vector.shape_cast %get3A_948 : vector<1x1x16xf32> to vector<16xf32>
        %get3A_950 = arith.constant 50 : i32
        %get3A_951 = arith.index_cast %get3A_950 : i32 to index
        %get3A_952 = arith.constant 0 : index
        %get3A_953 = tpu.vector_load %arg6[%get3A_951, %get3A_952] {strides = array<i32>} : memref<64x16xf32, #tpu.memory_space<vmem>>, vector<1x16xf32>,
        %get3A_954 = vector.shape_cast %get3A_953 : vector<1x16xf32> to vector<16xf32>
        %mul3A_955 = arith.mulf %get3A_949, %get3A_954 : vector<16xf32>
        %add3A_956 = arith.addf %add3A_942, %mul3A_955 : vector<16xf32>
        %get3A_957 = arith.constant 0 : i32
        %get3A_958 = arith.constant 51 : i32
        %get3A_959 = arith.index_cast %get3A_957 : i32 to index
        %get3A_960 = arith.index_cast %get3A_958 : i32 to index
        %get3A_961 = arith.index_cast %mul3A_238 : i32 to index
        %get3A_962 = tpu.vector_load %arg7[%get3A_959, %get3A_960, %get3A_961] {strides = array<i32>} : memref<2x64x512xf32, #tpu.memory_space<vmem>>, vector<1x1x16xf32>,
        %get3A_963 = vector.shape_cast %get3A_962 : vector<1x1x16xf32> to vector<16xf32>
        %get3A_964 = arith.constant 51 : i32
        %get3A_965 = arith.index_cast %get3A_964 : i32 to index
        %get3A_966 = arith.constant 0 : index
        %get3A_967 = tpu.vector_load %arg6[%get3A_965, %get3A_966] {strides = array<i32>} : memref<64x16xf32, #tpu.memory_space<vmem>>, vector<1x16xf32>,
        %get3A_968 = vector.shape_cast %get3A_967 : vector<1x16xf32> to vector<16xf32>
        %mul3A_969 = arith.mulf %get3A_963, %get3A_968 : vector<16xf32>
        %add3A_970 = arith.addf %add3A_956, %mul3A_969 : vector<16xf32>
        %get3A_971 = arith.constant 0 : i32
        %get3A_972 = arith.constant 52 : i32
        %get3A_973 = arith.index_cast %get3A_971 : i32 to index
        %get3A_974 = arith.index_cast %get3A_972 : i32 to index
        %get3A_975 = arith.index_cast %mul3A_238 : i32 to index
        %get3A_976 = tpu.vector_load %arg7[%get3A_973, %get3A_974, %get3A_975] {strides = array<i32>} : memref<2x64x512xf32, #tpu.memory_space<vmem>>, vector<1x1x16xf32>,
        %get3A_977 = vector.shape_cast %get3A_976 : vector<1x1x16xf32> to vector<16xf32>
        %get3A_978 = arith.constant 52 : i32
        %get3A_979 = arith.index_cast %get3A_978 : i32 to index
        %get3A_980 = arith.constant 0 : index
        %get3A_981 = tpu.vector_load %arg6[%get3A_979, %get3A_980] {strides = array<i32>} : memref<64x16xf32, #tpu.memory_space<vmem>>, vector<1x16xf32>,
        %get3A_982 = vector.shape_cast %get3A_981 : vector<1x16xf32> to vector<16xf32>
        %mul3A_983 = arith.mulf %get3A_977, %get3A_982 : vector<16xf32>
        %add3A_984 = arith.addf %add3A_970, %mul3A_983 : vector<16xf32>
        %get3A_985 = arith.constant 0 : i32
        %get3A_986 = arith.constant 53 : i32
        %get3A_987 = arith.index_cast %get3A_985 : i32 to index
        %get3A_988 = arith.index_cast %get3A_986 : i32 to index
        %get3A_989 = arith.index_cast %mul3A_238 : i32 to index
        %get3A_990 = tpu.vector_load %arg7[%get3A_987, %get3A_988, %get3A_989] {strides = array<i32>} : memref<2x64x512xf32, #tpu.memory_space<vmem>>, vector<1x1x16xf32>,
        %get3A_991 = vector.shape_cast %get3A_990 : vector<1x1x16xf32> to vector<16xf32>
        %get3A_992 = arith.constant 53 : i32
        %get3A_993 = arith.index_cast %get3A_992 : i32 to index
        %get3A_994 = arith.constant 0 : index
        %get3A_995 = tpu.vector_load %arg6[%get3A_993, %get3A_994] {strides = array<i32>} : memref<64x16xf32, #tpu.memory_space<vmem>>, vector<1x16xf32>,
        %get3A_996 = vector.shape_cast %get3A_995 : vector<1x16xf32> to vector<16xf32>
        %mul3A_997 = arith.mulf %get3A_991, %get3A_996 : vector<16xf32>
        %add3A_998 = arith.addf %add3A_984, %mul3A_997 : vector<16xf32>
        %get3A_999 = arith.constant 0 : i32
        %get3A_1000 = arith.constant 54 : i32
        %get3A_1001 = arith.index_cast %get3A_999 : i32 to index
        %get3A_1002 = arith.index_cast %get3A_1000 : i32 to index
        %get3A_1003 = arith.index_cast %mul3A_238 : i32 to index
        %get3A_1004 = tpu.vector_load %arg7[%get3A_1001, %get3A_1002, %get3A_1003] {strides = array<i32>} : memref<2x64x512xf32, #tpu.memory_space<vmem>>, vector<1x1x16xf32>,
        %get3A_1005 = vector.shape_cast %get3A_1004 : vector<1x1x16xf32> to vector<16xf32>
        %get3A_1006 = arith.constant 54 : i32
        %get3A_1007 = arith.index_cast %get3A_1006 : i32 to index
        %get3A_1008 = arith.constant 0 : index
        %get3A_1009 = tpu.vector_load %arg6[%get3A_1007, %get3A_1008] {strides = array<i32>} : memref<64x16xf32, #tpu.memory_space<vmem>>, vector<1x16xf32>,
        %get3A_1010 = vector.shape_cast %get3A_1009 : vector<1x16xf32> to vector<16xf32>
        %mul3A_1011 = arith.mulf %get3A_1005, %get3A_1010 : vector<16xf32>
        %add3A_1012 = arith.addf %add3A_998, %mul3A_1011 : vector<16xf32>
        %get3A_1013 = arith.constant 0 : i32
        %get3A_1014 = arith.constant 55 : i32
        %get3A_1015 = arith.index_cast %get3A_1013 : i32 to index
        %get3A_1016 = arith.index_cast %get3A_1014 : i32 to index
        %get3A_1017 = arith.index_cast %mul3A_238 : i32 to index
        %get3A_1018 = tpu.vector_load %arg7[%get3A_1015, %get3A_1016, %get3A_1017] {strides = array<i32>} : memref<2x64x512xf32, #tpu.memory_space<vmem>>, vector<1x1x16xf32>,
        %get3A_1019 = vector.shape_cast %get3A_1018 : vector<1x1x16xf32> to vector<16xf32>
        %get3A_1020 = arith.constant 55 : i32
        %get3A_1021 = arith.index_cast %get3A_1020 : i32 to index
        %get3A_1022 = arith.constant 0 : index
        %get3A_1023 = tpu.vector_load %arg6[%get3A_1021, %get3A_1022] {strides = array<i32>} : memref<64x16xf32, #tpu.memory_space<vmem>>, vector<1x16xf32>,
        %get3A_1024 = vector.shape_cast %get3A_1023 : vector<1x16xf32> to vector<16xf32>
        %mul3A_1025 = arith.mulf %get3A_1019, %get3A_1024 : vector<16xf32>
        %add3A_1026 = arith.addf %add3A_1012, %mul3A_1025 : vector<16xf32>
        %get3A_1027 = arith.constant 0 : i32
        %get3A_1028 = arith.constant 56 : i32
        %get3A_1029 = arith.index_cast %get3A_1027 : i32 to index
        %get3A_1030 = arith.index_cast %get3A_1028 : i32 to index
        %get3A_1031 = arith.index_cast %mul3A_238 : i32 to index
        %get3A_1032 = tpu.vector_load %arg7[%get3A_1029, %get3A_1030, %get3A_1031] {strides = array<i32>} : memref<2x64x512xf32, #tpu.memory_space<vmem>>, vector<1x1x16xf32>,
        %get3A_1033 = vector.shape_cast %get3A_1032 : vector<1x1x16xf32> to vector<16xf32>
        %get3A_1034 = arith.constant 56 : i32
        %get3A_1035 = arith.index_cast %get3A_1034 : i32 to index
        %get3A_1036 = arith.constant 0 : index
        %get3A_1037 = tpu.vector_load %arg6[%get3A_1035, %get3A_1036] {strides = array<i32>} : memref<64x16xf32, #tpu.memory_space<vmem>>, vector<1x16xf32>,
        %get3A_1038 = vector.shape_cast %get3A_1037 : vector<1x16xf32> to vector<16xf32>
        %mul3A_1039 = arith.mulf %get3A_1033, %get3A_1038 : vector<16xf32>
        %add3A_1040 = arith.addf %add3A_1026, %mul3A_1039 : vector<16xf32>
        %get3A_1041 = arith.constant 0 : i32
        %get3A_1042 = arith.constant 57 : i32
        %get3A_1043 = arith.index_cast %get3A_1041 : i32 to index
        %get3A_1044 = arith.index_cast %get3A_1042 : i32 to index
        %get3A_1045 = arith.index_cast %mul3A_238 : i32 to index
        %get3A_1046 = tpu.vector_load %arg7[%get3A_1043, %get3A_1044, %get3A_1045] {strides = array<i32>} : memref<2x64x512xf32, #tpu.memory_space<vmem>>, vector<1x1x16xf32>,
        %get3A_1047 = vector.shape_cast %get3A_1046 : vector<1x1x16xf32> to vector<16xf32>
        %get3A_1048 = arith.constant 57 : i32
        %get3A_1049 = arith.index_cast %get3A_1048 : i32 to index
        %get3A_1050 = arith.constant 0 : index
        %get3A_1051 = tpu.vector_load %arg6[%get3A_1049, %get3A_1050] {strides = array<i32>} : memref<64x16xf32, #tpu.memory_space<vmem>>, vector<1x16xf32>,
        %get3A_1052 = vector.shape_cast %get3A_1051 : vector<1x16xf32> to vector<16xf32>
        %mul3A_1053 = arith.mulf %get3A_1047, %get3A_1052 : vector<16xf32>
        %add3A_1054 = arith.addf %add3A_1040, %mul3A_1053 : vector<16xf32>
        %get3A_1055 = arith.constant 0 : i32
        %get3A_1056 = arith.constant 58 : i32
        %get3A_1057 = arith.index_cast %get3A_1055 : i32 to index
        %get3A_1058 = arith.index_cast %get3A_1056 : i32 to index
        %get3A_1059 = arith.index_cast %mul3A_238 : i32 to index
        %get3A_1060 = tpu.vector_load %arg7[%get3A_1057, %get3A_1058, %get3A_1059] {strides = array<i32>} : memref<2x64x512xf32, #tpu.memory_space<vmem>>, vector<1x1x16xf32>,
        %get3A_1061 = vector.shape_cast %get3A_1060 : vector<1x1x16xf32> to vector<16xf32>
        %get3A_1062 = arith.constant 58 : i32
        %get3A_1063 = arith.index_cast %get3A_1062 : i32 to index
        %get3A_1064 = arith.constant 0 : index
        %get3A_1065 = tpu.vector_load %arg6[%get3A_1063, %get3A_1064] {strides = array<i32>} : memref<64x16xf32, #tpu.memory_space<vmem>>, vector<1x16xf32>,
        %get3A_1066 = vector.shape_cast %get3A_1065 : vector<1x16xf32> to vector<16xf32>
        %mul3A_1067 = arith.mulf %get3A_1061, %get3A_1066 : vector<16xf32>
        %add3A_1068 = arith.addf %add3A_1054, %mul3A_1067 : vector<16xf32>
        %get3A_1069 = arith.constant 0 : i32
        %get3A_1070 = arith.constant 59 : i32
        %get3A_1071 = arith.index_cast %get3A_1069 : i32 to index
        %get3A_1072 = arith.index_cast %get3A_1070 : i32 to index
        %get3A_1073 = arith.index_cast %mul3A_238 : i32 to index
        %get3A_1074 = tpu.vector_load %arg7[%get3A_1071, %get3A_1072, %get3A_1073] {strides = array<i32>} : memref<2x64x512xf32, #tpu.memory_space<vmem>>, vector<1x1x16xf32>,
        %get3A_1075 = vector.shape_cast %get3A_1074 : vector<1x1x16xf32> to vector<16xf32>
        %get3A_1076 = arith.constant 59 : i32
        %get3A_1077 = arith.index_cast %get3A_1076 : i32 to index
        %get3A_1078 = arith.constant 0 : index
        %get3A_1079 = tpu.vector_load %arg6[%get3A_1077, %get3A_1078] {strides = array<i32>} : memref<64x16xf32, #tpu.memory_space<vmem>>, vector<1x16xf32>,
        %get3A_1080 = vector.shape_cast %get3A_1079 : vector<1x16xf32> to vector<16xf32>
        %mul3A_1081 = arith.mulf %get3A_1075, %get3A_1080 : vector<16xf32>
        %add3A_1082 = arith.addf %add3A_1068, %mul3A_1081 : vector<16xf32>
        %get3A_1083 = arith.constant 0 : i32
        %get3A_1084 = arith.constant 60 : i32
        %get3A_1085 = arith.index_cast %get3A_1083 : i32 to index
        %get3A_1086 = arith.index_cast %get3A_1084 : i32 to index
        %get3A_1087 = arith.index_cast %mul3A_238 : i32 to index
        %get3A_1088 = tpu.vector_load %arg7[%get3A_1085, %get3A_1086, %get3A_1087] {strides = array<i32>} : memref<2x64x512xf32, #tpu.memory_space<vmem>>, vector<1x1x16xf32>,
        %get3A_1089 = vector.shape_cast %get3A_1088 : vector<1x1x16xf32> to vector<16xf32>
        %get3A_1090 = arith.constant 60 : i32
        %get3A_1091 = arith.index_cast %get3A_1090 : i32 to index
        %get3A_1092 = arith.constant 0 : index
        %get3A_1093 = tpu.vector_load %arg6[%get3A_1091, %get3A_1092] {strides = array<i32>} : memref<64x16xf32, #tpu.memory_space<vmem>>, vector<1x16xf32>,
        %get3A_1094 = vector.shape_cast %get3A_1093 : vector<1x16xf32> to vector<16xf32>
        %mul3A_1095 = arith.mulf %get3A_1089, %get3A_1094 : vector<16xf32>
        %add3A_1096 = arith.addf %add3A_1082, %mul3A_1095 : vector<16xf32>
        %get3A_1097 = arith.constant 0 : i32
        %get3A_1098 = arith.constant 61 : i32
        %get3A_1099 = arith.index_cast %get3A_1097 : i32 to index
        %get3A_1100 = arith.index_cast %get3A_1098 : i32 to index
        %get3A_1101 = arith.index_cast %mul3A_238 : i32 to index
        %get3A_1102 = tpu.vector_load %arg7[%get3A_1099, %get3A_1100, %get3A_1101] {strides = array<i32>} : memref<2x64x512xf32, #tpu.memory_space<vmem>>, vector<1x1x16xf32>,
        %get3A_1103 = vector.shape_cast %get3A_1102 : vector<1x1x16xf32> to vector<16xf32>
        %get3A_1104 = arith.constant 61 : i32
        %get3A_1105 = arith.index_cast %get3A_1104 : i32 to index
        %get3A_1106 = arith.constant 0 : index
        %get3A_1107 = tpu.vector_load %arg6[%get3A_1105, %get3A_1106] {strides = array<i32>} : memref<64x16xf32, #tpu.memory_space<vmem>>, vector<1x16xf32>,
        %get3A_1108 = vector.shape_cast %get3A_1107 : vector<1x16xf32> to vector<16xf32>
        %mul3A_1109 = arith.mulf %get3A_1103, %get3A_1108 : vector<16xf32>
        %add3A_1110 = arith.addf %add3A_1096, %mul3A_1109 : vector<16xf32>
        %get3A_1111 = arith.constant 0 : i32
        %get3A_1112 = arith.constant 62 : i32
        %get3A_1113 = arith.index_cast %get3A_1111 : i32 to index
        %get3A_1114 = arith.index_cast %get3A_1112 : i32 to index
        %get3A_1115 = arith.index_cast %mul3A_238 : i32 to index
        %get3A_1116 = tpu.vector_load %arg7[%get3A_1113, %get3A_1114, %get3A_1115] {strides = array<i32>} : memref<2x64x512xf32, #tpu.memory_space<vmem>>, vector<1x1x16xf32>,
        %get3A_1117 = vector.shape_cast %get3A_1116 : vector<1x1x16xf32> to vector<16xf32>
        %get3A_1118 = arith.constant 62 : i32
        %get3A_1119 = arith.index_cast %get3A_1118 : i32 to index
        %get3A_1120 = arith.constant 0 : index
        %get3A_1121 = tpu.vector_load %arg6[%get3A_1119, %get3A_1120] {strides = array<i32>} : memref<64x16xf32, #tpu.memory_space<vmem>>, vector<1x16xf32>,
        %get3A_1122 = vector.shape_cast %get3A_1121 : vector<1x16xf32> to vector<16xf32>
        %mul3A_1123 = arith.mulf %get3A_1117, %get3A_1122 : vector<16xf32>
        %add3A_1124 = arith.addf %add3A_1110, %mul3A_1123 : vector<16xf32>
        %get3A_1125 = arith.constant 0 : i32
        %get3A_1126 = arith.constant 63 : i32
        %get3A_1127 = arith.index_cast %get3A_1125 : i32 to index
        %get3A_1128 = arith.index_cast %get3A_1126 : i32 to index
        %get3A_1129 = arith.index_cast %mul3A_238 : i32 to index
        %get3A_1130 = tpu.vector_load %arg7[%get3A_1127, %get3A_1128, %get3A_1129] {strides = array<i32>} : memref<2x64x512xf32, #tpu.memory_space<vmem>>, vector<1x1x16xf32>,
        %get3A_1131 = vector.shape_cast %get3A_1130 : vector<1x1x16xf32> to vector<16xf32>
        %get3A_1132 = arith.constant 63 : i32
        %get3A_1133 = arith.index_cast %get3A_1132 : i32 to index
        %get3A_1134 = arith.constant 0 : index
        %get3A_1135 = tpu.vector_load %arg6[%get3A_1133, %get3A_1134] {strides = array<i32>} : memref<64x16xf32, #tpu.memory_space<vmem>>, vector<1x16xf32>,
        %get3A_1136 = vector.shape_cast %get3A_1135 : vector<1x16xf32> to vector<16xf32>
        %mul3A_1137 = arith.mulf %get3A_1131, %get3A_1136 : vector<16xf32>
        %add3A_1138 = arith.addf %add3A_1124, %mul3A_1137 : vector<16xf32>
        %swap3A = arith.constant 0 : i32
        %swap3A_1139 = arith.index_cast %swap3A : i32 to index
        %swap3A_1140 = arith.index_cast %mul3A_238 : i32 to index
        %swap3A_1141 = tpu.vector_load %arg9[%swap3A_1139, %swap3A_1140] {strides = array<i32>} : memref<2x512xf32, #tpu.memory_space<vmem>>, vector<1x16xf32>,
        %swap3A_1142 = vector.shape_cast %swap3A_1141 : vector<1x16xf32> to vector<16xf32>
        %swap3A_1143 = vector.shape_cast %add3A_1138 : vector<16xf32> to vector<1x16xf32>
        tpu.vector_store %arg9[%swap3A_1139, %swap3A_1140], %swap3A_1143 {strides = array<i32>} : memref<2x512xf32, #tpu.memory_space<vmem>>, vector<1x16xf32>,
      }
      %scan3A_144 = arith.constant 32 : i32
      %mul3A_145 = arith.constant 512 : i32
      %mul3A_146 = arith.muli %add3A_105, %mul3A_145 : i32
      %add3A_147 = arith.addi %mul3A_2, %mul3A_146 : i32
      %dma_start3A_148 = arith.constant 0 : i32
      %dma_start3A_149 = arith.constant 0 : i32
      %dma_start3A_150 = arith.constant 0 : i32
      %dma_start3A_151 = tpu.memref_slice %arg9[%dma_start3A_148, %dma_start3A_150] : memref<2x512xf32, #tpu.memory_space<vmem>> -> memref<1x512xf32, #tpu.memory_space<vmem>>
      %dma_start3A_152 = tpu.memref_squeeze %dma_start3A_151 : memref<1x512xf32, #tpu.memory_space<vmem>> -> memref<512xf32, #tpu.memory_space<vmem>>
      %dma_start3A_153 = tpu.memref_slice %arg5[%add3A_147] : memref<425984xf32, #tpu.memory_space<hbm>> -> memref<512xf32, #tpu.memory_space<hbm>>
      %dma_start3A_154 = tpu.memref_slice %arg12[%dma_start3A_149] : memref<2x!tpu.dma_semaphore, #tpu.memory_space<semaphore_mem>> -> memref<1x!tpu.dma_semaphore, #tpu.memory_space<semaphore_mem>>
      %dma_start3A_155 = tpu.memref_squeeze %dma_start3A_154 : memref<1x!tpu.dma_semaphore, #tpu.memory_space<semaphore_mem>> -> memref<!tpu.dma_semaphore, #tpu.memory_space<semaphore_mem>>
      %dma_start3A_156 = tpu.memref_slice %arg5[%add3A_147] : memref<425984xf32, #tpu.memory_space<hbm>> -> memref<512xf32, #tpu.memory_space<hbm>>
      %dma_start3A_157 = arith.constant 0 : i32
      %dma_start3A_158 = tpu.memref_slice %arg9[%dma_start3A_148, %dma_start3A_157] : memref<2x512xf32, #tpu.memory_space<vmem>> -> memref<1x512xf32, #tpu.memory_space<vmem>>
      %dma_start3A_159 = tpu.memref_squeeze %dma_start3A_158 : memref<1x512xf32, #tpu.memory_space<vmem>> -> memref<512xf32, #tpu.memory_space<vmem>>
      tpu.enqueue_dma source(%dma_start3A_159 : memref<512xf32, #tpu.memory_space<vmem>>) target(%dma_start3A_156 : memref<512xf32, #tpu.memory_space<hbm>>) target_semaphore(%dma_start3A_155 : memref<!tpu.dma_semaphore, #tpu.memory_space<semaphore_mem>>)
      %add3A_160 = arith.constant 2 : i32
      %add3A_161 = arith.addi %add3A_105, %add3A_160 : i32
      %lt3A = arith.constant 26 : i32
      %lt3A_162 = arith.cmpi slt, %add3A_161, %lt3A : i32
      %convert_element_type3A_163 = arith.extui %lt3A_162 : i1 to i32
      %cond3A_164 = arith.constant 0 : i32
      %cond3A_165 = arith.cmpi ne, %convert_element_type3A_163, %cond3A_164 : i32
      scf.if %cond3A_165 {
        %add3A_232 = arith.constant 2 : i32
        %add3A_233 = arith.addi %add3A_105, %add3A_232 : i32
        %mul3A_234 = arith.constant 512 : i32
        %mul3A_235 = arith.muli %add3A_233, %mul3A_234 : i32
        %add3A_236 = arith.addi %add3A_4, %mul3A_235 : i32
        %dma_start3A_237 = arith.constant 0 : i32
        %dma_start3A_238 = arith.constant 0 : i32
        %dma_start3A_239 = arith.constant 0 : i32
        %dma_start3A_240 = arith.constant 0 : i32
        %dma_start3A_241 = tpu.memref_slice %arg7[%dma_start3A_237, %dma_start3A_239, %dma_start3A_240] : memref<2x64x512xf32, #tpu.memory_space<vmem>> -> memref<1x64x512xf32, #tpu.memory_space<vmem>>
        %dma_start3A_242 = tpu.memref_squeeze %dma_start3A_241 : memref<1x64x512xf32, #tpu.memory_space<vmem>> -> memref<64x512xf32, #tpu.memory_space<vmem>>
        %dma_start3A_243 = arith.constant 0 : i32
        %dma_start3A_244 = tpu.memref_slice %arg3[%dma_start3A_243, %add3A_236] : memref<64x1000000xf32, #tpu.memory_space<hbm>> -> memref<64x512xf32, #tpu.memory_space<hbm>>
        %dma_start3A_245 = tpu.memref_slice %arg10[%dma_start3A_238] : memref<2x!tpu.dma_semaphore, #tpu.memory_space<semaphore_mem>> -> memref<1x!tpu.dma_semaphore, #tpu.memory_space<semaphore_mem>>
        %dma_start3A_246 = tpu.memref_squeeze %dma_start3A_245 : memref<1x!tpu.dma_semaphore, #tpu.memory_space<semaphore_mem>> -> memref<!tpu.dma_semaphore, #tpu.memory_space<semaphore_mem>>
        %dma_start3A_247 = arith.constant 0 : i32
        %dma_start3A_248 = arith.constant 0 : i32
        %dma_start3A_249 = tpu.memref_slice %arg7[%dma_start3A_237, %dma_start3A_247, %dma_start3A_248] : memref<2x64x512xf32, #tpu.memory_space<vmem>> -> memref<1x64x512xf32, #tpu.memory_space<vmem>>
        %dma_start3A_250 = tpu.memref_squeeze %dma_start3A_249 : memref<1x64x512xf32, #tpu.memory_space<vmem>> -> memref<64x512xf32, #tpu.memory_space<vmem>>
        %dma_start3A_251 = arith.constant 0 : i32
        %dma_start3A_252 = tpu.memref_slice %arg3[%dma_start3A_251, %add3A_236] : memref<64x1000000xf32, #tpu.memory_space<hbm>> -> memref<64x512xf32, #tpu.memory_space<hbm>>
        tpu.enqueue_dma source(%dma_start3A_252 : memref<64x512xf32, #tpu.memory_space<hbm>>) target(%dma_start3A_250 : memref<64x512xf32, #tpu.memory_space<vmem>>) target_semaphore(%dma_start3A_246 : memref<!tpu.dma_semaphore, #tpu.memory_space<semaphore_mem>>)
        %mul3A_253 = arith.constant 512 : i32
        %mul3A_254 = arith.muli %add3A_233, %mul3A_253 : i32
        %add3A_255 = arith.addi %add3A_4, %mul3A_254 : i32
        %dma_start3A_256 = arith.constant 0 : i32
        %dma_start3A_257 = arith.constant 0 : i32
        %dma_start3A_258 = arith.constant 0 : i32
        %dma_start3A_259 = tpu.memref_slice %arg8[%dma_start3A_256, %dma_start3A_258] : memref<2x512xf32, #tpu.memory_space<vmem>> -> memref<1x512xf32, #tpu.memory_space<vmem>>
        %dma_start3A_260 = tpu.memref_squeeze %dma_start3A_259 : memref<1x512xf32, #tpu.memory_space<vmem>> -> memref<512xf32, #tpu.memory_space<vmem>>
        %dma_start3A_261 = tpu.memref_slice %arg4[%add3A_255] : memref<1000000xf32, #tpu.memory_space<hbm>> -> memref<512xf32, #tpu.memory_space<hbm>>
        %dma_start3A_262 = tpu.memref_slice %arg11[%dma_start3A_257] : memref<2x!tpu.dma_semaphore, #tpu.memory_space<semaphore_mem>> -> memref<1x!tpu.dma_semaphore, #tpu.memory_space<semaphore_mem>>
        %dma_start3A_263 = tpu.memref_squeeze %dma_start3A_262 : memref<1x!tpu.dma_semaphore, #tpu.memory_space<semaphore_mem>> -> memref<!tpu.dma_semaphore, #tpu.memory_space<semaphore_mem>>
        %dma_start3A_264 = arith.constant 0 : i32
        %dma_start3A_265 = tpu.memref_slice %arg8[%dma_start3A_256, %dma_start3A_264] : memref<2x512xf32, #tpu.memory_space<vmem>> -> memref<1x512xf32, #tpu.memory_space<vmem>>
        %dma_start3A_266 = tpu.memref_squeeze %dma_start3A_265 : memref<1x512xf32, #tpu.memory_space<vmem>> -> memref<512xf32, #tpu.memory_space<vmem>>
        %dma_start3A_267 = tpu.memref_slice %arg4[%add3A_255] : memref<1000000xf32, #tpu.memory_space<hbm>> -> memref<512xf32, #tpu.memory_space<hbm>>
        tpu.enqueue_dma source(%dma_start3A_267 : memref<512xf32, #tpu.memory_space<hbm>>) target(%dma_start3A_266 : memref<512xf32, #tpu.memory_space<vmem>>) target_semaphore(%dma_start3A_263 : memref<!tpu.dma_semaphore, #tpu.memory_space<semaphore_mem>>)
      } else {
      }
      %add3A_166 = arith.constant 1 : i32
      %add3A_167 = arith.addi %add3A_103, %add3A_166 : i32
      %dma_wait3A_168 = arith.constant 1 : i32
      %dma_wait3A_169 = arith.constant 1 : i32
      %dma_wait3A_170 = arith.constant 0 : i32
      %dma_wait3A_171 = arith.constant 0 : i32
      %dma_wait3A_172 = tpu.memref_slice %arg7[%dma_wait3A_168, %dma_wait3A_170, %dma_wait3A_171] : memref<2x64x512xf32, #tpu.memory_space<vmem>> -> memref<1x64x512xf32, #tpu.memory_space<vmem>>
      %dma_wait3A_173 = tpu.memref_squeeze %dma_wait3A_172 : memref<1x64x512xf32, #tpu.memory_space<vmem>> -> memref<64x512xf32, #tpu.memory_space<vmem>>
      %dma_wait3A_174 = arith.constant 0 : i32
      %dma_wait3A_175 = arith.constant 0 : i32
      %dma_wait3A_176 = tpu.memref_slice %arg3[%dma_wait3A_174, %dma_wait3A_175] : memref<64x1000000xf32, #tpu.memory_space<hbm>> -> memref<64x512xf32, #tpu.memory_space<hbm>>
      %dma_wait3A_177 = tpu.memref_slice %arg10[%dma_wait3A_169] : memref<2x!tpu.dma_semaphore, #tpu.memory_space<semaphore_mem>> -> memref<1x!tpu.dma_semaphore, #tpu.memory_space<semaphore_mem>>
      %dma_wait3A_178 = tpu.memref_squeeze %dma_wait3A_177 : memref<1x!tpu.dma_semaphore, #tpu.memory_space<semaphore_mem>> -> memref<!tpu.dma_semaphore, #tpu.memory_space<semaphore_mem>>
      %dma_wait3A_179 = arith.constant 0 : i32
      %dma_wait3A_180 = arith.constant 0 : i32
      %dma_wait3A_181 = tpu.memref_slice %arg7[%dma_wait3A_168, %dma_wait3A_179, %dma_wait3A_180] : memref<2x64x512xf32, #tpu.memory_space<vmem>> -> memref<1x64x512xf32, #tpu.memory_space<vmem>>
      %dma_wait3A_182 = tpu.memref_squeeze %dma_wait3A_181 : memref<1x64x512xf32, #tpu.memory_space<vmem>> -> memref<64x512xf32, #tpu.memory_space<vmem>>
      %dma_wait3A_183 = arith.constant 0 : i32
      %dma_wait3A_184 = arith.constant 0 : i32
      %dma_wait3A_185 = tpu.memref_slice %arg3[%dma_wait3A_183, %dma_wait3A_184] : memref<64x1000000xf32, #tpu.memory_space<hbm>> -> memref<64x512xf32, #tpu.memory_space<hbm>>
      tpu.wait_dma2 semaphore(%dma_wait3A_178 : memref<!tpu.dma_semaphore, #tpu.memory_space<semaphore_mem>>) src(%dma_wait3A_185 : memref<64x512xf32, #tpu.memory_space<hbm>>) dst(%dma_wait3A_182 : memref<64x512xf32, #tpu.memory_space<vmem>>)
      %dma_wait3A_186 = arith.constant 1 : i32
      %dma_wait3A_187 = arith.constant 1 : i32
      %dma_wait3A_188 = arith.constant 0 : i32
      %dma_wait3A_189 = tpu.memref_slice %arg8[%dma_wait3A_186, %dma_wait3A_188] : memref<2x512xf32, #tpu.memory_space<vmem>> -> memref<1x512xf32, #tpu.memory_space<vmem>>
      %dma_wait3A_190 = tpu.memref_squeeze %dma_wait3A_189 : memref<1x512xf32, #tpu.memory_space<vmem>> -> memref<512xf32, #tpu.memory_space<vmem>>
      %dma_wait3A_191 = arith.constant 0 : i32
      %dma_wait3A_192 = tpu.memref_slice %arg4[%dma_wait3A_191] : memref<1000000xf32, #tpu.memory_space<hbm>> -> memref<512xf32, #tpu.memory_space<hbm>>
      %dma_wait3A_193 = tpu.memref_slice %arg11[%dma_wait3A_187] : memref<2x!tpu.dma_semaphore, #tpu.memory_space<semaphore_mem>> -> memref<1x!tpu.dma_semaphore, #tpu.memory_space<semaphore_mem>>
      %dma_wait3A_194 = tpu.memref_squeeze %dma_wait3A_193 : memref<1x!tpu.dma_semaphore, #tpu.memory_space<semaphore_mem>> -> memref<!tpu.dma_semaphore, #tpu.memory_space<semaphore_mem>>
      %dma_wait3A_195 = arith.constant 0 : i32
      %dma_wait3A_196 = tpu.memref_slice %arg8[%dma_wait3A_186, %dma_wait3A_195] : memref<2x512xf32, #tpu.memory_space<vmem>> -> memref<1x512xf32, #tpu.memory_space<vmem>>
      %dma_wait3A_197 = tpu.memref_squeeze %dma_wait3A_196 : memref<1x512xf32, #tpu.memory_space<vmem>> -> memref<512xf32, #tpu.memory_space<vmem>>
      %dma_wait3A_198 = arith.constant 0 : i32
      %dma_wait3A_199 = tpu.memref_slice %arg4[%dma_wait3A_198] : memref<1000000xf32, #tpu.memory_space<hbm>> -> memref<512xf32, #tpu.memory_space<hbm>>
      tpu.wait_dma2 semaphore(%dma_wait3A_194 : memref<!tpu.dma_semaphore, #tpu.memory_space<semaphore_mem>>) src(%dma_wait3A_199 : memref<512xf32, #tpu.memory_space<hbm>>) dst(%dma_wait3A_197 : memref<512xf32, #tpu.memory_space<vmem>>)
      %ge3A_200 = arith.constant 2 : i32
      %ge3A_201 = arith.cmpi sge, %add3A_167, %ge3A_200 : i32
      %convert_element_type3A_202 = arith.extui %ge3A_201 : i1 to i32
      %cond3A_203 = arith.constant 0 : i32
      %cond3A_204 = arith.cmpi ne, %convert_element_type3A_202, %cond3A_203 : i32
      scf.if %cond3A_204 {
        %dma_wait3A_232 = arith.constant 1 : i32
        %dma_wait3A_233 = arith.constant 1 : i32
        %dma_wait3A_234 = arith.constant 0 : i32
        %dma_wait3A_235 = tpu.memref_slice %arg9[%dma_wait3A_232, %dma_wait3A_234] : memref<2x512xf32, #tpu.memory_space<vmem>> -> memref<1x512xf32, #tpu.memory_space<vmem>>
        %dma_wait3A_236 = tpu.memref_squeeze %dma_wait3A_235 : memref<1x512xf32, #tpu.memory_space<vmem>> -> memref<512xf32, #tpu.memory_space<vmem>>
        %dma_wait3A_237 = arith.constant 0 : i32
        %dma_wait3A_238 = tpu.memref_slice %arg5[%dma_wait3A_237] : memref<425984xf32, #tpu.memory_space<hbm>> -> memref<512xf32, #tpu.memory_space<hbm>>
        %dma_wait3A_239 = tpu.memref_slice %arg12[%dma_wait3A_233] : memref<2x!tpu.dma_semaphore, #tpu.memory_space<semaphore_mem>> -> memref<1x!tpu.dma_semaphore, #tpu.memory_space<semaphore_mem>>
        %dma_wait3A_240 = tpu.memref_squeeze %dma_wait3A_239 : memref<1x!tpu.dma_semaphore, #tpu.memory_space<semaphore_mem>> -> memref<!tpu.dma_semaphore, #tpu.memory_space<semaphore_mem>>
        %dma_wait3A_241 = arith.constant 0 : i32
        %dma_wait3A_242 = tpu.memref_slice %arg5[%dma_wait3A_241] : memref<425984xf32, #tpu.memory_space<hbm>> -> memref<512xf32, #tpu.memory_space<hbm>>
        %dma_wait3A_243 = arith.constant 0 : i32
        %dma_wait3A_244 = tpu.memref_slice %arg9[%dma_wait3A_232, %dma_wait3A_243] : memref<2x512xf32, #tpu.memory_space<vmem>> -> memref<1x512xf32, #tpu.memory_space<vmem>>
        %dma_wait3A_245 = tpu.memref_squeeze %dma_wait3A_244 : memref<1x512xf32, #tpu.memory_space<vmem>> -> memref<512xf32, #tpu.memory_space<vmem>>
        tpu.wait_dma2 semaphore(%dma_wait3A_240 : memref<!tpu.dma_semaphore, #tpu.memory_space<semaphore_mem>>) src(%dma_wait3A_245 : memref<512xf32, #tpu.memory_space<vmem>>) dst(%dma_wait3A_242 : memref<512xf32, #tpu.memory_space<hbm>>)
      } else {
      }
      %scan3A_205 = arith.constant 0 : i32
      %scan3A_206 = arith.constant 32 : i32
      %scan3A_207 = arith.addi %scan3A_205, %scan3A_206 : i32
      %scan3A_208 = arith.constant 1 : i32
      scf.for %scan3A_232 = %scan3A_205 to %scan3A_207 step %scan3A_208  : i32 {
        %mul3A_233 = arith.constant 1 : i32
        %mul3A_234 = arith.muli %scan3A_232, %mul3A_233 : i32
        %add3A_235 = arith.constant 0 : i32
        %add3A_236 = arith.addi %add3A_235, %mul3A_234 : i32
        %mul3A_237 = arith.constant 16 : i32
        %mul3A_238 = arith.muli %add3A_236, %mul3A_237 : i32
        %get3A = arith.constant 1 : i32
        %get3A_239 = arith.index_cast %get3A : i32 to index
        %get3A_240 = arith.index_cast %mul3A_238 : i32 to index
        %get3A_241 = tpu.vector_load %arg8[%get3A_239, %get3A_240] {strides = array<i32>} : memref<2x512xf32, #tpu.memory_space<vmem>>, vector<1x16xf32>,
        %get3A_242 = vector.shape_cast %get3A_241 : vector<1x16xf32> to vector<16xf32>
        %get3A_243 = arith.constant 1 : i32
        %get3A_244 = arith.constant 0 : i32
        %get3A_245 = arith.index_cast %get3A_243 : i32 to index
        %get3A_246 = arith.index_cast %get3A_244 : i32 to index
        %get3A_247 = arith.index_cast %mul3A_238 : i32 to index
        %get3A_248 = tpu.vector_load %arg7[%get3A_245, %get3A_246, %get3A_247] {strides = array<i32>} : memref<2x64x512xf32, #tpu.memory_space<vmem>>, vector<1x1x16xf32>,
        %get3A_249 = vector.shape_cast %get3A_248 : vector<1x1x16xf32> to vector<16xf32>
        %get3A_250 = arith.constant 0 : i32
        %get3A_251 = arith.index_cast %get3A_250 : i32 to index
        %get3A_252 = arith.constant 0 : index
        %get3A_253 = tpu.vector_load %arg6[%get3A_251, %get3A_252] {strides = array<i32>} : memref<64x16xf32, #tpu.memory_space<vmem>>, vector<1x16xf32>,
        %get3A_254 = vector.shape_cast %get3A_253 : vector<1x16xf32> to vector<16xf32>
        %mul3A_255 = arith.mulf %get3A_249, %get3A_254 : vector<16xf32>
        %add3A_256 = arith.addf %get3A_242, %mul3A_255 : vector<16xf32>
        %get3A_257 = arith.constant 1 : i32
        %get3A_258 = arith.constant 1 : i32
        %get3A_259 = arith.index_cast %get3A_257 : i32 to index
        %get3A_260 = arith.index_cast %get3A_258 : i32 to index
        %get3A_261 = arith.index_cast %mul3A_238 : i32 to index
        %get3A_262 = tpu.vector_load %arg7[%get3A_259, %get3A_260, %get3A_261] {strides = array<i32>} : memref<2x64x512xf32, #tpu.memory_space<vmem>>, vector<1x1x16xf32>,
        %get3A_263 = vector.shape_cast %get3A_262 : vector<1x1x16xf32> to vector<16xf32>
        %get3A_264 = arith.constant 1 : i32
        %get3A_265 = arith.index_cast %get3A_264 : i32 to index
        %get3A_266 = arith.constant 0 : index
        %get3A_267 = tpu.vector_load %arg6[%get3A_265, %get3A_266] {strides = array<i32>} : memref<64x16xf32, #tpu.memory_space<vmem>>, vector<1x16xf32>,
        %get3A_268 = vector.shape_cast %get3A_267 : vector<1x16xf32> to vector<16xf32>
        %mul3A_269 = arith.mulf %get3A_263, %get3A_268 : vector<16xf32>
        %add3A_270 = arith.addf %add3A_256, %mul3A_269 : vector<16xf32>
        %get3A_271 = arith.constant 1 : i32
        %get3A_272 = arith.constant 2 : i32
        %get3A_273 = arith.index_cast %get3A_271 : i32 to index
        %get3A_274 = arith.index_cast %get3A_272 : i32 to index
        %get3A_275 = arith.index_cast %mul3A_238 : i32 to index
        %get3A_276 = tpu.vector_load %arg7[%get3A_273, %get3A_274, %get3A_275] {strides = array<i32>} : memref<2x64x512xf32, #tpu.memory_space<vmem>>, vector<1x1x16xf32>,
        %get3A_277 = vector.shape_cast %get3A_276 : vector<1x1x16xf32> to vector<16xf32>
        %get3A_278 = arith.constant 2 : i32
        %get3A_279 = arith.index_cast %get3A_278 : i32 to index
        %get3A_280 = arith.constant 0 : index
        %get3A_281 = tpu.vector_load %arg6[%get3A_279, %get3A_280] {strides = array<i32>} : memref<64x16xf32, #tpu.memory_space<vmem>>, vector<1x16xf32>,
        %get3A_282 = vector.shape_cast %get3A_281 : vector<1x16xf32> to vector<16xf32>
        %mul3A_283 = arith.mulf %get3A_277, %get3A_282 : vector<16xf32>
        %add3A_284 = arith.addf %add3A_270, %mul3A_283 : vector<16xf32>
        %get3A_285 = arith.constant 1 : i32
        %get3A_286 = arith.constant 3 : i32
        %get3A_287 = arith.index_cast %get3A_285 : i32 to index
        %get3A_288 = arith.index_cast %get3A_286 : i32 to index
        %get3A_289 = arith.index_cast %mul3A_238 : i32 to index
        %get3A_290 = tpu.vector_load %arg7[%get3A_287, %get3A_288, %get3A_289] {strides = array<i32>} : memref<2x64x512xf32, #tpu.memory_space<vmem>>, vector<1x1x16xf32>,
        %get3A_291 = vector.shape_cast %get3A_290 : vector<1x1x16xf32> to vector<16xf32>
        %get3A_292 = arith.constant 3 : i32
        %get3A_293 = arith.index_cast %get3A_292 : i32 to index
        %get3A_294 = arith.constant 0 : index
        %get3A_295 = tpu.vector_load %arg6[%get3A_293, %get3A_294] {strides = array<i32>} : memref<64x16xf32, #tpu.memory_space<vmem>>, vector<1x16xf32>,
        %get3A_296 = vector.shape_cast %get3A_295 : vector<1x16xf32> to vector<16xf32>
        %mul3A_297 = arith.mulf %get3A_291, %get3A_296 : vector<16xf32>
        %add3A_298 = arith.addf %add3A_284, %mul3A_297 : vector<16xf32>
        %get3A_299 = arith.constant 1 : i32
        %get3A_300 = arith.constant 4 : i32
        %get3A_301 = arith.index_cast %get3A_299 : i32 to index
        %get3A_302 = arith.index_cast %get3A_300 : i32 to index
        %get3A_303 = arith.index_cast %mul3A_238 : i32 to index
        %get3A_304 = tpu.vector_load %arg7[%get3A_301, %get3A_302, %get3A_303] {strides = array<i32>} : memref<2x64x512xf32, #tpu.memory_space<vmem>>, vector<1x1x16xf32>,
        %get3A_305 = vector.shape_cast %get3A_304 : vector<1x1x16xf32> to vector<16xf32>
        %get3A_306 = arith.constant 4 : i32
        %get3A_307 = arith.index_cast %get3A_306 : i32 to index
        %get3A_308 = arith.constant 0 : index
        %get3A_309 = tpu.vector_load %arg6[%get3A_307, %get3A_308] {strides = array<i32>} : memref<64x16xf32, #tpu.memory_space<vmem>>, vector<1x16xf32>,
        %get3A_310 = vector.shape_cast %get3A_309 : vector<1x16xf32> to vector<16xf32>
        %mul3A_311 = arith.mulf %get3A_305, %get3A_310 : vector<16xf32>
        %add3A_312 = arith.addf %add3A_298, %mul3A_311 : vector<16xf32>
        %get3A_313 = arith.constant 1 : i32
        %get3A_314 = arith.constant 5 : i32
        %get3A_315 = arith.index_cast %get3A_313 : i32 to index
        %get3A_316 = arith.index_cast %get3A_314 : i32 to index
        %get3A_317 = arith.index_cast %mul3A_238 : i32 to index
        %get3A_318 = tpu.vector_load %arg7[%get3A_315, %get3A_316, %get3A_317] {strides = array<i32>} : memref<2x64x512xf32, #tpu.memory_space<vmem>>, vector<1x1x16xf32>,
        %get3A_319 = vector.shape_cast %get3A_318 : vector<1x1x16xf32> to vector<16xf32>
        %get3A_320 = arith.constant 5 : i32
        %get3A_321 = arith.index_cast %get3A_320 : i32 to index
        %get3A_322 = arith.constant 0 : index
        %get3A_323 = tpu.vector_load %arg6[%get3A_321, %get3A_322] {strides = array<i32>} : memref<64x16xf32, #tpu.memory_space<vmem>>, vector<1x16xf32>,
        %get3A_324 = vector.shape_cast %get3A_323 : vector<1x16xf32> to vector<16xf32>
        %mul3A_325 = arith.mulf %get3A_319, %get3A_324 : vector<16xf32>
        %add3A_326 = arith.addf %add3A_312, %mul3A_325 : vector<16xf32>
        %get3A_327 = arith.constant 1 : i32
        %get3A_328 = arith.constant 6 : i32
        %get3A_329 = arith.index_cast %get3A_327 : i32 to index
        %get3A_330 = arith.index_cast %get3A_328 : i32 to index
        %get3A_331 = arith.index_cast %mul3A_238 : i32 to index
        %get3A_332 = tpu.vector_load %arg7[%get3A_329, %get3A_330, %get3A_331] {strides = array<i32>} : memref<2x64x512xf32, #tpu.memory_space<vmem>>, vector<1x1x16xf32>,
        %get3A_333 = vector.shape_cast %get3A_332 : vector<1x1x16xf32> to vector<16xf32>
        %get3A_334 = arith.constant 6 : i32
        %get3A_335 = arith.index_cast %get3A_334 : i32 to index
        %get3A_336 = arith.constant 0 : index
        %get3A_337 = tpu.vector_load %arg6[%get3A_335, %get3A_336] {strides = array<i32>} : memref<64x16xf32, #tpu.memory_space<vmem>>, vector<1x16xf32>,
        %get3A_338 = vector.shape_cast %get3A_337 : vector<1x16xf32> to vector<16xf32>
        %mul3A_339 = arith.mulf %get3A_333, %get3A_338 : vector<16xf32>
        %add3A_340 = arith.addf %add3A_326, %mul3A_339 : vector<16xf32>
        %get3A_341 = arith.constant 1 : i32
        %get3A_342 = arith.constant 7 : i32
        %get3A_343 = arith.index_cast %get3A_341 : i32 to index
        %get3A_344 = arith.index_cast %get3A_342 : i32 to index
        %get3A_345 = arith.index_cast %mul3A_238 : i32 to index
        %get3A_346 = tpu.vector_load %arg7[%get3A_343, %get3A_344, %get3A_345] {strides = array<i32>} : memref<2x64x512xf32, #tpu.memory_space<vmem>>, vector<1x1x16xf32>,
        %get3A_347 = vector.shape_cast %get3A_346 : vector<1x1x16xf32> to vector<16xf32>
        %get3A_348 = arith.constant 7 : i32
        %get3A_349 = arith.index_cast %get3A_348 : i32 to index
        %get3A_350 = arith.constant 0 : index
        %get3A_351 = tpu.vector_load %arg6[%get3A_349, %get3A_350] {strides = array<i32>} : memref<64x16xf32, #tpu.memory_space<vmem>>, vector<1x16xf32>,
        %get3A_352 = vector.shape_cast %get3A_351 : vector<1x16xf32> to vector<16xf32>
        %mul3A_353 = arith.mulf %get3A_347, %get3A_352 : vector<16xf32>
        %add3A_354 = arith.addf %add3A_340, %mul3A_353 : vector<16xf32>
        %get3A_355 = arith.constant 1 : i32
        %get3A_356 = arith.constant 8 : i32
        %get3A_357 = arith.index_cast %get3A_355 : i32 to index
        %get3A_358 = arith.index_cast %get3A_356 : i32 to index
        %get3A_359 = arith.index_cast %mul3A_238 : i32 to index
        %get3A_360 = tpu.vector_load %arg7[%get3A_357, %get3A_358, %get3A_359] {strides = array<i32>} : memref<2x64x512xf32, #tpu.memory_space<vmem>>, vector<1x1x16xf32>,
        %get3A_361 = vector.shape_cast %get3A_360 : vector<1x1x16xf32> to vector<16xf32>
        %get3A_362 = arith.constant 8 : i32
        %get3A_363 = arith.index_cast %get3A_362 : i32 to index
        %get3A_364 = arith.constant 0 : index
        %get3A_365 = tpu.vector_load %arg6[%get3A_363, %get3A_364] {strides = array<i32>} : memref<64x16xf32, #tpu.memory_space<vmem>>, vector<1x16xf32>,
        %get3A_366 = vector.shape_cast %get3A_365 : vector<1x16xf32> to vector<16xf32>
        %mul3A_367 = arith.mulf %get3A_361, %get3A_366 : vector<16xf32>
        %add3A_368 = arith.addf %add3A_354, %mul3A_367 : vector<16xf32>
        %get3A_369 = arith.constant 1 : i32
        %get3A_370 = arith.constant 9 : i32
        %get3A_371 = arith.index_cast %get3A_369 : i32 to index
        %get3A_372 = arith.index_cast %get3A_370 : i32 to index
        %get3A_373 = arith.index_cast %mul3A_238 : i32 to index
        %get3A_374 = tpu.vector_load %arg7[%get3A_371, %get3A_372, %get3A_373] {strides = array<i32>} : memref<2x64x512xf32, #tpu.memory_space<vmem>>, vector<1x1x16xf32>,
        %get3A_375 = vector.shape_cast %get3A_374 : vector<1x1x16xf32> to vector<16xf32>
        %get3A_376 = arith.constant 9 : i32
        %get3A_377 = arith.index_cast %get3A_376 : i32 to index
        %get3A_378 = arith.constant 0 : index
        %get3A_379 = tpu.vector_load %arg6[%get3A_377, %get3A_378] {strides = array<i32>} : memref<64x16xf32, #tpu.memory_space<vmem>>, vector<1x16xf32>,
        %get3A_380 = vector.shape_cast %get3A_379 : vector<1x16xf32> to vector<16xf32>
        %mul3A_381 = arith.mulf %get3A_375, %get3A_380 : vector<16xf32>
        %add3A_382 = arith.addf %add3A_368, %mul3A_381 : vector<16xf32>
        %get3A_383 = arith.constant 1 : i32
        %get3A_384 = arith.constant 10 : i32
        %get3A_385 = arith.index_cast %get3A_383 : i32 to index
        %get3A_386 = arith.index_cast %get3A_384 : i32 to index
        %get3A_387 = arith.index_cast %mul3A_238 : i32 to index
        %get3A_388 = tpu.vector_load %arg7[%get3A_385, %get3A_386, %get3A_387] {strides = array<i32>} : memref<2x64x512xf32, #tpu.memory_space<vmem>>, vector<1x1x16xf32>,
        %get3A_389 = vector.shape_cast %get3A_388 : vector<1x1x16xf32> to vector<16xf32>
        %get3A_390 = arith.constant 10 : i32
        %get3A_391 = arith.index_cast %get3A_390 : i32 to index
        %get3A_392 = arith.constant 0 : index
        %get3A_393 = tpu.vector_load %arg6[%get3A_391, %get3A_392] {strides = array<i32>} : memref<64x16xf32, #tpu.memory_space<vmem>>, vector<1x16xf32>,
        %get3A_394 = vector.shape_cast %get3A_393 : vector<1x16xf32> to vector<16xf32>
        %mul3A_395 = arith.mulf %get3A_389, %get3A_394 : vector<16xf32>
        %add3A_396 = arith.addf %add3A_382, %mul3A_395 : vector<16xf32>
        %get3A_397 = arith.constant 1 : i32
        %get3A_398 = arith.constant 11 : i32
        %get3A_399 = arith.index_cast %get3A_397 : i32 to index
        %get3A_400 = arith.index_cast %get3A_398 : i32 to index
        %get3A_401 = arith.index_cast %mul3A_238 : i32 to index
        %get3A_402 = tpu.vector_load %arg7[%get3A_399, %get3A_400, %get3A_401] {strides = array<i32>} : memref<2x64x512xf32, #tpu.memory_space<vmem>>, vector<1x1x16xf32>,
        %get3A_403 = vector.shape_cast %get3A_402 : vector<1x1x16xf32> to vector<16xf32>
        %get3A_404 = arith.constant 11 : i32
        %get3A_405 = arith.index_cast %get3A_404 : i32 to index
        %get3A_406 = arith.constant 0 : index
        %get3A_407 = tpu.vector_load %arg6[%get3A_405, %get3A_406] {strides = array<i32>} : memref<64x16xf32, #tpu.memory_space<vmem>>, vector<1x16xf32>,
        %get3A_408 = vector.shape_cast %get3A_407 : vector<1x16xf32> to vector<16xf32>
        %mul3A_409 = arith.mulf %get3A_403, %get3A_408 : vector<16xf32>
        %add3A_410 = arith.addf %add3A_396, %mul3A_409 : vector<16xf32>
        %get3A_411 = arith.constant 1 : i32
        %get3A_412 = arith.constant 12 : i32
        %get3A_413 = arith.index_cast %get3A_411 : i32 to index
        %get3A_414 = arith.index_cast %get3A_412 : i32 to index
        %get3A_415 = arith.index_cast %mul3A_238 : i32 to index
        %get3A_416 = tpu.vector_load %arg7[%get3A_413, %get3A_414, %get3A_415] {strides = array<i32>} : memref<2x64x512xf32, #tpu.memory_space<vmem>>, vector<1x1x16xf32>,
        %get3A_417 = vector.shape_cast %get3A_416 : vector<1x1x16xf32> to vector<16xf32>
        %get3A_418 = arith.constant 12 : i32
        %get3A_419 = arith.index_cast %get3A_418 : i32 to index
        %get3A_420 = arith.constant 0 : index
        %get3A_421 = tpu.vector_load %arg6[%get3A_419, %get3A_420] {strides = array<i32>} : memref<64x16xf32, #tpu.memory_space<vmem>>, vector<1x16xf32>,
        %get3A_422 = vector.shape_cast %get3A_421 : vector<1x16xf32> to vector<16xf32>
        %mul3A_423 = arith.mulf %get3A_417, %get3A_422 : vector<16xf32>
        %add3A_424 = arith.addf %add3A_410, %mul3A_423 : vector<16xf32>
        %get3A_425 = arith.constant 1 : i32
        %get3A_426 = arith.constant 13 : i32
        %get3A_427 = arith.index_cast %get3A_425 : i32 to index
        %get3A_428 = arith.index_cast %get3A_426 : i32 to index
        %get3A_429 = arith.index_cast %mul3A_238 : i32 to index
        %get3A_430 = tpu.vector_load %arg7[%get3A_427, %get3A_428, %get3A_429] {strides = array<i32>} : memref<2x64x512xf32, #tpu.memory_space<vmem>>, vector<1x1x16xf32>,
        %get3A_431 = vector.shape_cast %get3A_430 : vector<1x1x16xf32> to vector<16xf32>
        %get3A_432 = arith.constant 13 : i32
        %get3A_433 = arith.index_cast %get3A_432 : i32 to index
        %get3A_434 = arith.constant 0 : index
        %get3A_435 = tpu.vector_load %arg6[%get3A_433, %get3A_434] {strides = array<i32>} : memref<64x16xf32, #tpu.memory_space<vmem>>, vector<1x16xf32>,
        %get3A_436 = vector.shape_cast %get3A_435 : vector<1x16xf32> to vector<16xf32>
        %mul3A_437 = arith.mulf %get3A_431, %get3A_436 : vector<16xf32>
        %add3A_438 = arith.addf %add3A_424, %mul3A_437 : vector<16xf32>
        %get3A_439 = arith.constant 1 : i32
        %get3A_440 = arith.constant 14 : i32
        %get3A_441 = arith.index_cast %get3A_439 : i32 to index
        %get3A_442 = arith.index_cast %get3A_440 : i32 to index
        %get3A_443 = arith.index_cast %mul3A_238 : i32 to index
        %get3A_444 = tpu.vector_load %arg7[%get3A_441, %get3A_442, %get3A_443] {strides = array<i32>} : memref<2x64x512xf32, #tpu.memory_space<vmem>>, vector<1x1x16xf32>,
        %get3A_445 = vector.shape_cast %get3A_444 : vector<1x1x16xf32> to vector<16xf32>
        %get3A_446 = arith.constant 14 : i32
        %get3A_447 = arith.index_cast %get3A_446 : i32 to index
        %get3A_448 = arith.constant 0 : index
        %get3A_449 = tpu.vector_load %arg6[%get3A_447, %get3A_448] {strides = array<i32>} : memref<64x16xf32, #tpu.memory_space<vmem>>, vector<1x16xf32>,
        %get3A_450 = vector.shape_cast %get3A_449 : vector<1x16xf32> to vector<16xf32>
        %mul3A_451 = arith.mulf %get3A_445, %get3A_450 : vector<16xf32>
        %add3A_452 = arith.addf %add3A_438, %mul3A_451 : vector<16xf32>
        %get3A_453 = arith.constant 1 : i32
        %get3A_454 = arith.constant 15 : i32
        %get3A_455 = arith.index_cast %get3A_453 : i32 to index
        %get3A_456 = arith.index_cast %get3A_454 : i32 to index
        %get3A_457 = arith.index_cast %mul3A_238 : i32 to index
        %get3A_458 = tpu.vector_load %arg7[%get3A_455, %get3A_456, %get3A_457] {strides = array<i32>} : memref<2x64x512xf32, #tpu.memory_space<vmem>>, vector<1x1x16xf32>,
        %get3A_459 = vector.shape_cast %get3A_458 : vector<1x1x16xf32> to vector<16xf32>
        %get3A_460 = arith.constant 15 : i32
        %get3A_461 = arith.index_cast %get3A_460 : i32 to index
        %get3A_462 = arith.constant 0 : index
        %get3A_463 = tpu.vector_load %arg6[%get3A_461, %get3A_462] {strides = array<i32>} : memref<64x16xf32, #tpu.memory_space<vmem>>, vector<1x16xf32>,
        %get3A_464 = vector.shape_cast %get3A_463 : vector<1x16xf32> to vector<16xf32>
        %mul3A_465 = arith.mulf %get3A_459, %get3A_464 : vector<16xf32>
        %add3A_466 = arith.addf %add3A_452, %mul3A_465 : vector<16xf32>
        %get3A_467 = arith.constant 1 : i32
        %get3A_468 = arith.constant 16 : i32
        %get3A_469 = arith.index_cast %get3A_467 : i32 to index
        %get3A_470 = arith.index_cast %get3A_468 : i32 to index
        %get3A_471 = arith.index_cast %mul3A_238 : i32 to index
        %get3A_472 = tpu.vector_load %arg7[%get3A_469, %get3A_470, %get3A_471] {strides = array<i32>} : memref<2x64x512xf32, #tpu.memory_space<vmem>>, vector<1x1x16xf32>,
        %get3A_473 = vector.shape_cast %get3A_472 : vector<1x1x16xf32> to vector<16xf32>
        %get3A_474 = arith.constant 16 : i32
        %get3A_475 = arith.index_cast %get3A_474 : i32 to index
        %get3A_476 = arith.constant 0 : index
        %get3A_477 = tpu.vector_load %arg6[%get3A_475, %get3A_476] {strides = array<i32>} : memref<64x16xf32, #tpu.memory_space<vmem>>, vector<1x16xf32>,
        %get3A_478 = vector.shape_cast %get3A_477 : vector<1x16xf32> to vector<16xf32>
        %mul3A_479 = arith.mulf %get3A_473, %get3A_478 : vector<16xf32>
        %add3A_480 = arith.addf %add3A_466, %mul3A_479 : vector<16xf32>
        %get3A_481 = arith.constant 1 : i32
        %get3A_482 = arith.constant 17 : i32
        %get3A_483 = arith.index_cast %get3A_481 : i32 to index
        %get3A_484 = arith.index_cast %get3A_482 : i32 to index
        %get3A_485 = arith.index_cast %mul3A_238 : i32 to index
        %get3A_486 = tpu.vector_load %arg7[%get3A_483, %get3A_484, %get3A_485] {strides = array<i32>} : memref<2x64x512xf32, #tpu.memory_space<vmem>>, vector<1x1x16xf32>,
        %get3A_487 = vector.shape_cast %get3A_486 : vector<1x1x16xf32> to vector<16xf32>
        %get3A_488 = arith.constant 17 : i32
        %get3A_489 = arith.index_cast %get3A_488 : i32 to index
        %get3A_490 = arith.constant 0 : index
        %get3A_491 = tpu.vector_load %arg6[%get3A_489, %get3A_490] {strides = array<i32>} : memref<64x16xf32, #tpu.memory_space<vmem>>, vector<1x16xf32>,
        %get3A_492 = vector.shape_cast %get3A_491 : vector<1x16xf32> to vector<16xf32>
        %mul3A_493 = arith.mulf %get3A_487, %get3A_492 : vector<16xf32>
        %add3A_494 = arith.addf %add3A_480, %mul3A_493 : vector<16xf32>
        %get3A_495 = arith.constant 1 : i32
        %get3A_496 = arith.constant 18 : i32
        %get3A_497 = arith.index_cast %get3A_495 : i32 to index
        %get3A_498 = arith.index_cast %get3A_496 : i32 to index
        %get3A_499 = arith.index_cast %mul3A_238 : i32 to index
        %get3A_500 = tpu.vector_load %arg7[%get3A_497, %get3A_498, %get3A_499] {strides = array<i32>} : memref<2x64x512xf32, #tpu.memory_space<vmem>>, vector<1x1x16xf32>,
        %get3A_501 = vector.shape_cast %get3A_500 : vector<1x1x16xf32> to vector<16xf32>
        %get3A_502 = arith.constant 18 : i32
        %get3A_503 = arith.index_cast %get3A_502 : i32 to index
        %get3A_504 = arith.constant 0 : index
        %get3A_505 = tpu.vector_load %arg6[%get3A_503, %get3A_504] {strides = array<i32>} : memref<64x16xf32, #tpu.memory_space<vmem>>, vector<1x16xf32>,
        %get3A_506 = vector.shape_cast %get3A_505 : vector<1x16xf32> to vector<16xf32>
        %mul3A_507 = arith.mulf %get3A_501, %get3A_506 : vector<16xf32>
        %add3A_508 = arith.addf %add3A_494, %mul3A_507 : vector<16xf32>
        %get3A_509 = arith.constant 1 : i32
        %get3A_510 = arith.constant 19 : i32
        %get3A_511 = arith.index_cast %get3A_509 : i32 to index
        %get3A_512 = arith.index_cast %get3A_510 : i32 to index
        %get3A_513 = arith.index_cast %mul3A_238 : i32 to index
        %get3A_514 = tpu.vector_load %arg7[%get3A_511, %get3A_512, %get3A_513] {strides = array<i32>} : memref<2x64x512xf32, #tpu.memory_space<vmem>>, vector<1x1x16xf32>,
        %get3A_515 = vector.shape_cast %get3A_514 : vector<1x1x16xf32> to vector<16xf32>
        %get3A_516 = arith.constant 19 : i32
        %get3A_517 = arith.index_cast %get3A_516 : i32 to index
        %get3A_518 = arith.constant 0 : index
        %get3A_519 = tpu.vector_load %arg6[%get3A_517, %get3A_518] {strides = array<i32>} : memref<64x16xf32, #tpu.memory_space<vmem>>, vector<1x16xf32>,
        %get3A_520 = vector.shape_cast %get3A_519 : vector<1x16xf32> to vector<16xf32>
        %mul3A_521 = arith.mulf %get3A_515, %get3A_520 : vector<16xf32>
        %add3A_522 = arith.addf %add3A_508, %mul3A_521 : vector<16xf32>
        %get3A_523 = arith.constant 1 : i32
        %get3A_524 = arith.constant 20 : i32
        %get3A_525 = arith.index_cast %get3A_523 : i32 to index
        %get3A_526 = arith.index_cast %get3A_524 : i32 to index
        %get3A_527 = arith.index_cast %mul3A_238 : i32 to index
        %get3A_528 = tpu.vector_load %arg7[%get3A_525, %get3A_526, %get3A_527] {strides = array<i32>} : memref<2x64x512xf32, #tpu.memory_space<vmem>>, vector<1x1x16xf32>,
        %get3A_529 = vector.shape_cast %get3A_528 : vector<1x1x16xf32> to vector<16xf32>
        %get3A_530 = arith.constant 20 : i32
        %get3A_531 = arith.index_cast %get3A_530 : i32 to index
        %get3A_532 = arith.constant 0 : index
        %get3A_533 = tpu.vector_load %arg6[%get3A_531, %get3A_532] {strides = array<i32>} : memref<64x16xf32, #tpu.memory_space<vmem>>, vector<1x16xf32>,
        %get3A_534 = vector.shape_cast %get3A_533 : vector<1x16xf32> to vector<16xf32>
        %mul3A_535 = arith.mulf %get3A_529, %get3A_534 : vector<16xf32>
        %add3A_536 = arith.addf %add3A_522, %mul3A_535 : vector<16xf32>
        %get3A_537 = arith.constant 1 : i32
        %get3A_538 = arith.constant 21 : i32
        %get3A_539 = arith.index_cast %get3A_537 : i32 to index
        %get3A_540 = arith.index_cast %get3A_538 : i32 to index
        %get3A_541 = arith.index_cast %mul3A_238 : i32 to index
        %get3A_542 = tpu.vector_load %arg7[%get3A_539, %get3A_540, %get3A_541] {strides = array<i32>} : memref<2x64x512xf32, #tpu.memory_space<vmem>>, vector<1x1x16xf32>,
        %get3A_543 = vector.shape_cast %get3A_542 : vector<1x1x16xf32> to vector<16xf32>
        %get3A_544 = arith.constant 21 : i32
        %get3A_545 = arith.index_cast %get3A_544 : i32 to index
        %get3A_546 = arith.constant 0 : index
        %get3A_547 = tpu.vector_load %arg6[%get3A_545, %get3A_546] {strides = array<i32>} : memref<64x16xf32, #tpu.memory_space<vmem>>, vector<1x16xf32>,
        %get3A_548 = vector.shape_cast %get3A_547 : vector<1x16xf32> to vector<16xf32>
        %mul3A_549 = arith.mulf %get3A_543, %get3A_548 : vector<16xf32>
        %add3A_550 = arith.addf %add3A_536, %mul3A_549 : vector<16xf32>
        %get3A_551 = arith.constant 1 : i32
        %get3A_552 = arith.constant 22 : i32
        %get3A_553 = arith.index_cast %get3A_551 : i32 to index
        %get3A_554 = arith.index_cast %get3A_552 : i32 to index
        %get3A_555 = arith.index_cast %mul3A_238 : i32 to index
        %get3A_556 = tpu.vector_load %arg7[%get3A_553, %get3A_554, %get3A_555] {strides = array<i32>} : memref<2x64x512xf32, #tpu.memory_space<vmem>>, vector<1x1x16xf32>,
        %get3A_557 = vector.shape_cast %get3A_556 : vector<1x1x16xf32> to vector<16xf32>
        %get3A_558 = arith.constant 22 : i32
        %get3A_559 = arith.index_cast %get3A_558 : i32 to index
        %get3A_560 = arith.constant 0 : index
        %get3A_561 = tpu.vector_load %arg6[%get3A_559, %get3A_560] {strides = array<i32>} : memref<64x16xf32, #tpu.memory_space<vmem>>, vector<1x16xf32>,
        %get3A_562 = vector.shape_cast %get3A_561 : vector<1x16xf32> to vector<16xf32>
        %mul3A_563 = arith.mulf %get3A_557, %get3A_562 : vector<16xf32>
        %add3A_564 = arith.addf %add3A_550, %mul3A_563 : vector<16xf32>
        %get3A_565 = arith.constant 1 : i32
        %get3A_566 = arith.constant 23 : i32
        %get3A_567 = arith.index_cast %get3A_565 : i32 to index
        %get3A_568 = arith.index_cast %get3A_566 : i32 to index
        %get3A_569 = arith.index_cast %mul3A_238 : i32 to index
        %get3A_570 = tpu.vector_load %arg7[%get3A_567, %get3A_568, %get3A_569] {strides = array<i32>} : memref<2x64x512xf32, #tpu.memory_space<vmem>>, vector<1x1x16xf32>,
        %get3A_571 = vector.shape_cast %get3A_570 : vector<1x1x16xf32> to vector<16xf32>
        %get3A_572 = arith.constant 23 : i32
        %get3A_573 = arith.index_cast %get3A_572 : i32 to index
        %get3A_574 = arith.constant 0 : index
        %get3A_575 = tpu.vector_load %arg6[%get3A_573, %get3A_574] {strides = array<i32>} : memref<64x16xf32, #tpu.memory_space<vmem>>, vector<1x16xf32>,
        %get3A_576 = vector.shape_cast %get3A_575 : vector<1x16xf32> to vector<16xf32>
        %mul3A_577 = arith.mulf %get3A_571, %get3A_576 : vector<16xf32>
        %add3A_578 = arith.addf %add3A_564, %mul3A_577 : vector<16xf32>
        %get3A_579 = arith.constant 1 : i32
        %get3A_580 = arith.constant 24 : i32
        %get3A_581 = arith.index_cast %get3A_579 : i32 to index
        %get3A_582 = arith.index_cast %get3A_580 : i32 to index
        %get3A_583 = arith.index_cast %mul3A_238 : i32 to index
        %get3A_584 = tpu.vector_load %arg7[%get3A_581, %get3A_582, %get3A_583] {strides = array<i32>} : memref<2x64x512xf32, #tpu.memory_space<vmem>>, vector<1x1x16xf32>,
        %get3A_585 = vector.shape_cast %get3A_584 : vector<1x1x16xf32> to vector<16xf32>
        %get3A_586 = arith.constant 24 : i32
        %get3A_587 = arith.index_cast %get3A_586 : i32 to index
        %get3A_588 = arith.constant 0 : index
        %get3A_589 = tpu.vector_load %arg6[%get3A_587, %get3A_588] {strides = array<i32>} : memref<64x16xf32, #tpu.memory_space<vmem>>, vector<1x16xf32>,
        %get3A_590 = vector.shape_cast %get3A_589 : vector<1x16xf32> to vector<16xf32>
        %mul3A_591 = arith.mulf %get3A_585, %get3A_590 : vector<16xf32>
        %add3A_592 = arith.addf %add3A_578, %mul3A_591 : vector<16xf32>
        %get3A_593 = arith.constant 1 : i32
        %get3A_594 = arith.constant 25 : i32
        %get3A_595 = arith.index_cast %get3A_593 : i32 to index
        %get3A_596 = arith.index_cast %get3A_594 : i32 to index
        %get3A_597 = arith.index_cast %mul3A_238 : i32 to index
        %get3A_598 = tpu.vector_load %arg7[%get3A_595, %get3A_596, %get3A_597] {strides = array<i32>} : memref<2x64x512xf32, #tpu.memory_space<vmem>>, vector<1x1x16xf32>,
        %get3A_599 = vector.shape_cast %get3A_598 : vector<1x1x16xf32> to vector<16xf32>
        %get3A_600 = arith.constant 25 : i32
        %get3A_601 = arith.index_cast %get3A_600 : i32 to index
        %get3A_602 = arith.constant 0 : index
        %get3A_603 = tpu.vector_load %arg6[%get3A_601, %get3A_602] {strides = array<i32>} : memref<64x16xf32, #tpu.memory_space<vmem>>, vector<1x16xf32>,
        %get3A_604 = vector.shape_cast %get3A_603 : vector<1x16xf32> to vector<16xf32>
        %mul3A_605 = arith.mulf %get3A_599, %get3A_604 : vector<16xf32>
        %add3A_606 = arith.addf %add3A_592, %mul3A_605 : vector<16xf32>
        %get3A_607 = arith.constant 1 : i32
        %get3A_608 = arith.constant 26 : i32
        %get3A_609 = arith.index_cast %get3A_607 : i32 to index
        %get3A_610 = arith.index_cast %get3A_608 : i32 to index
        %get3A_611 = arith.index_cast %mul3A_238 : i32 to index
        %get3A_612 = tpu.vector_load %arg7[%get3A_609, %get3A_610, %get3A_611] {strides = array<i32>} : memref<2x64x512xf32, #tpu.memory_space<vmem>>, vector<1x1x16xf32>,
        %get3A_613 = vector.shape_cast %get3A_612 : vector<1x1x16xf32> to vector<16xf32>
        %get3A_614 = arith.constant 26 : i32
        %get3A_615 = arith.index_cast %get3A_614 : i32 to index
        %get3A_616 = arith.constant 0 : index
        %get3A_617 = tpu.vector_load %arg6[%get3A_615, %get3A_616] {strides = array<i32>} : memref<64x16xf32, #tpu.memory_space<vmem>>, vector<1x16xf32>,
        %get3A_618 = vector.shape_cast %get3A_617 : vector<1x16xf32> to vector<16xf32>
        %mul3A_619 = arith.mulf %get3A_613, %get3A_618 : vector<16xf32>
        %add3A_620 = arith.addf %add3A_606, %mul3A_619 : vector<16xf32>
        %get3A_621 = arith.constant 1 : i32
        %get3A_622 = arith.constant 27 : i32
        %get3A_623 = arith.index_cast %get3A_621 : i32 to index
        %get3A_624 = arith.index_cast %get3A_622 : i32 to index
        %get3A_625 = arith.index_cast %mul3A_238 : i32 to index
        %get3A_626 = tpu.vector_load %arg7[%get3A_623, %get3A_624, %get3A_625] {strides = array<i32>} : memref<2x64x512xf32, #tpu.memory_space<vmem>>, vector<1x1x16xf32>,
        %get3A_627 = vector.shape_cast %get3A_626 : vector<1x1x16xf32> to vector<16xf32>
        %get3A_628 = arith.constant 27 : i32
        %get3A_629 = arith.index_cast %get3A_628 : i32 to index
        %get3A_630 = arith.constant 0 : index
        %get3A_631 = tpu.vector_load %arg6[%get3A_629, %get3A_630] {strides = array<i32>} : memref<64x16xf32, #tpu.memory_space<vmem>>, vector<1x16xf32>,
        %get3A_632 = vector.shape_cast %get3A_631 : vector<1x16xf32> to vector<16xf32>
        %mul3A_633 = arith.mulf %get3A_627, %get3A_632 : vector<16xf32>
        %add3A_634 = arith.addf %add3A_620, %mul3A_633 : vector<16xf32>
        %get3A_635 = arith.constant 1 : i32
        %get3A_636 = arith.constant 28 : i32
        %get3A_637 = arith.index_cast %get3A_635 : i32 to index
        %get3A_638 = arith.index_cast %get3A_636 : i32 to index
        %get3A_639 = arith.index_cast %mul3A_238 : i32 to index
        %get3A_640 = tpu.vector_load %arg7[%get3A_637, %get3A_638, %get3A_639] {strides = array<i32>} : memref<2x64x512xf32, #tpu.memory_space<vmem>>, vector<1x1x16xf32>,
        %get3A_641 = vector.shape_cast %get3A_640 : vector<1x1x16xf32> to vector<16xf32>
        %get3A_642 = arith.constant 28 : i32
        %get3A_643 = arith.index_cast %get3A_642 : i32 to index
        %get3A_644 = arith.constant 0 : index
        %get3A_645 = tpu.vector_load %arg6[%get3A_643, %get3A_644] {strides = array<i32>} : memref<64x16xf32, #tpu.memory_space<vmem>>, vector<1x16xf32>,
        %get3A_646 = vector.shape_cast %get3A_645 : vector<1x16xf32> to vector<16xf32>
        %mul3A_647 = arith.mulf %get3A_641, %get3A_646 : vector<16xf32>
        %add3A_648 = arith.addf %add3A_634, %mul3A_647 : vector<16xf32>
        %get3A_649 = arith.constant 1 : i32
        %get3A_650 = arith.constant 29 : i32
        %get3A_651 = arith.index_cast %get3A_649 : i32 to index
        %get3A_652 = arith.index_cast %get3A_650 : i32 to index
        %get3A_653 = arith.index_cast %mul3A_238 : i32 to index
        %get3A_654 = tpu.vector_load %arg7[%get3A_651, %get3A_652, %get3A_653] {strides = array<i32>} : memref<2x64x512xf32, #tpu.memory_space<vmem>>, vector<1x1x16xf32>,
        %get3A_655 = vector.shape_cast %get3A_654 : vector<1x1x16xf32> to vector<16xf32>
        %get3A_656 = arith.constant 29 : i32
        %get3A_657 = arith.index_cast %get3A_656 : i32 to index
        %get3A_658 = arith.constant 0 : index
        %get3A_659 = tpu.vector_load %arg6[%get3A_657, %get3A_658] {strides = array<i32>} : memref<64x16xf32, #tpu.memory_space<vmem>>, vector<1x16xf32>,
        %get3A_660 = vector.shape_cast %get3A_659 : vector<1x16xf32> to vector<16xf32>
        %mul3A_661 = arith.mulf %get3A_655, %get3A_660 : vector<16xf32>
        %add3A_662 = arith.addf %add3A_648, %mul3A_661 : vector<16xf32>
        %get3A_663 = arith.constant 1 : i32
        %get3A_664 = arith.constant 30 : i32
        %get3A_665 = arith.index_cast %get3A_663 : i32 to index
        %get3A_666 = arith.index_cast %get3A_664 : i32 to index
        %get3A_667 = arith.index_cast %mul3A_238 : i32 to index
        %get3A_668 = tpu.vector_load %arg7[%get3A_665, %get3A_666, %get3A_667] {strides = array<i32>} : memref<2x64x512xf32, #tpu.memory_space<vmem>>, vector<1x1x16xf32>,
        %get3A_669 = vector.shape_cast %get3A_668 : vector<1x1x16xf32> to vector<16xf32>
        %get3A_670 = arith.constant 30 : i32
        %get3A_671 = arith.index_cast %get3A_670 : i32 to index
        %get3A_672 = arith.constant 0 : index
        %get3A_673 = tpu.vector_load %arg6[%get3A_671, %get3A_672] {strides = array<i32>} : memref<64x16xf32, #tpu.memory_space<vmem>>, vector<1x16xf32>,
        %get3A_674 = vector.shape_cast %get3A_673 : vector<1x16xf32> to vector<16xf32>
        %mul3A_675 = arith.mulf %get3A_669, %get3A_674 : vector<16xf32>
        %add3A_676 = arith.addf %add3A_662, %mul3A_675 : vector<16xf32>
        %get3A_677 = arith.constant 1 : i32
        %get3A_678 = arith.constant 31 : i32
        %get3A_679 = arith.index_cast %get3A_677 : i32 to index
        %get3A_680 = arith.index_cast %get3A_678 : i32 to index
        %get3A_681 = arith.index_cast %mul3A_238 : i32 to index
        %get3A_682 = tpu.vector_load %arg7[%get3A_679, %get3A_680, %get3A_681] {strides = array<i32>} : memref<2x64x512xf32, #tpu.memory_space<vmem>>, vector<1x1x16xf32>,
        %get3A_683 = vector.shape_cast %get3A_682 : vector<1x1x16xf32> to vector<16xf32>
        %get3A_684 = arith.constant 31 : i32
        %get3A_685 = arith.index_cast %get3A_684 : i32 to index
        %get3A_686 = arith.constant 0 : index
        %get3A_687 = tpu.vector_load %arg6[%get3A_685, %get3A_686] {strides = array<i32>} : memref<64x16xf32, #tpu.memory_space<vmem>>, vector<1x16xf32>,
        %get3A_688 = vector.shape_cast %get3A_687 : vector<1x16xf32> to vector<16xf32>
        %mul3A_689 = arith.mulf %get3A_683, %get3A_688 : vector<16xf32>
        %add3A_690 = arith.addf %add3A_676, %mul3A_689 : vector<16xf32>
        %get3A_691 = arith.constant 1 : i32
        %get3A_692 = arith.constant 32 : i32
        %get3A_693 = arith.index_cast %get3A_691 : i32 to index
        %get3A_694 = arith.index_cast %get3A_692 : i32 to index
        %get3A_695 = arith.index_cast %mul3A_238 : i32 to index
        %get3A_696 = tpu.vector_load %arg7[%get3A_693, %get3A_694, %get3A_695] {strides = array<i32>} : memref<2x64x512xf32, #tpu.memory_space<vmem>>, vector<1x1x16xf32>,
        %get3A_697 = vector.shape_cast %get3A_696 : vector<1x1x16xf32> to vector<16xf32>
        %get3A_698 = arith.constant 32 : i32
        %get3A_699 = arith.index_cast %get3A_698 : i32 to index
        %get3A_700 = arith.constant 0 : index
        %get3A_701 = tpu.vector_load %arg6[%get3A_699, %get3A_700] {strides = array<i32>} : memref<64x16xf32, #tpu.memory_space<vmem>>, vector<1x16xf32>,
        %get3A_702 = vector.shape_cast %get3A_701 : vector<1x16xf32> to vector<16xf32>
        %mul3A_703 = arith.mulf %get3A_697, %get3A_702 : vector<16xf32>
        %add3A_704 = arith.addf %add3A_690, %mul3A_703 : vector<16xf32>
        %get3A_705 = arith.constant 1 : i32
        %get3A_706 = arith.constant 33 : i32
        %get3A_707 = arith.index_cast %get3A_705 : i32 to index
        %get3A_708 = arith.index_cast %get3A_706 : i32 to index
        %get3A_709 = arith.index_cast %mul3A_238 : i32 to index
        %get3A_710 = tpu.vector_load %arg7[%get3A_707, %get3A_708, %get3A_709] {strides = array<i32>} : memref<2x64x512xf32, #tpu.memory_space<vmem>>, vector<1x1x16xf32>,
        %get3A_711 = vector.shape_cast %get3A_710 : vector<1x1x16xf32> to vector<16xf32>
        %get3A_712 = arith.constant 33 : i32
        %get3A_713 = arith.index_cast %get3A_712 : i32 to index
        %get3A_714 = arith.constant 0 : index
        %get3A_715 = tpu.vector_load %arg6[%get3A_713, %get3A_714] {strides = array<i32>} : memref<64x16xf32, #tpu.memory_space<vmem>>, vector<1x16xf32>,
        %get3A_716 = vector.shape_cast %get3A_715 : vector<1x16xf32> to vector<16xf32>
        %mul3A_717 = arith.mulf %get3A_711, %get3A_716 : vector<16xf32>
        %add3A_718 = arith.addf %add3A_704, %mul3A_717 : vector<16xf32>
        %get3A_719 = arith.constant 1 : i32
        %get3A_720 = arith.constant 34 : i32
        %get3A_721 = arith.index_cast %get3A_719 : i32 to index
        %get3A_722 = arith.index_cast %get3A_720 : i32 to index
        %get3A_723 = arith.index_cast %mul3A_238 : i32 to index
        %get3A_724 = tpu.vector_load %arg7[%get3A_721, %get3A_722, %get3A_723] {strides = array<i32>} : memref<2x64x512xf32, #tpu.memory_space<vmem>>, vector<1x1x16xf32>,
        %get3A_725 = vector.shape_cast %get3A_724 : vector<1x1x16xf32> to vector<16xf32>
        %get3A_726 = arith.constant 34 : i32
        %get3A_727 = arith.index_cast %get3A_726 : i32 to index
        %get3A_728 = arith.constant 0 : index
        %get3A_729 = tpu.vector_load %arg6[%get3A_727, %get3A_728] {strides = array<i32>} : memref<64x16xf32, #tpu.memory_space<vmem>>, vector<1x16xf32>,
        %get3A_730 = vector.shape_cast %get3A_729 : vector<1x16xf32> to vector<16xf32>
        %mul3A_731 = arith.mulf %get3A_725, %get3A_730 : vector<16xf32>
        %add3A_732 = arith.addf %add3A_718, %mul3A_731 : vector<16xf32>
        %get3A_733 = arith.constant 1 : i32
        %get3A_734 = arith.constant 35 : i32
        %get3A_735 = arith.index_cast %get3A_733 : i32 to index
        %get3A_736 = arith.index_cast %get3A_734 : i32 to index
        %get3A_737 = arith.index_cast %mul3A_238 : i32 to index
        %get3A_738 = tpu.vector_load %arg7[%get3A_735, %get3A_736, %get3A_737] {strides = array<i32>} : memref<2x64x512xf32, #tpu.memory_space<vmem>>, vector<1x1x16xf32>,
        %get3A_739 = vector.shape_cast %get3A_738 : vector<1x1x16xf32> to vector<16xf32>
        %get3A_740 = arith.constant 35 : i32
        %get3A_741 = arith.index_cast %get3A_740 : i32 to index
        %get3A_742 = arith.constant 0 : index
        %get3A_743 = tpu.vector_load %arg6[%get3A_741, %get3A_742] {strides = array<i32>} : memref<64x16xf32, #tpu.memory_space<vmem>>, vector<1x16xf32>,
        %get3A_744 = vector.shape_cast %get3A_743 : vector<1x16xf32> to vector<16xf32>
        %mul3A_745 = arith.mulf %get3A_739, %get3A_744 : vector<16xf32>
        %add3A_746 = arith.addf %add3A_732, %mul3A_745 : vector<16xf32>
        %get3A_747 = arith.constant 1 : i32
        %get3A_748 = arith.constant 36 : i32
        %get3A_749 = arith.index_cast %get3A_747 : i32 to index
        %get3A_750 = arith.index_cast %get3A_748 : i32 to index
        %get3A_751 = arith.index_cast %mul3A_238 : i32 to index
        %get3A_752 = tpu.vector_load %arg7[%get3A_749, %get3A_750, %get3A_751] {strides = array<i32>} : memref<2x64x512xf32, #tpu.memory_space<vmem>>, vector<1x1x16xf32>,
        %get3A_753 = vector.shape_cast %get3A_752 : vector<1x1x16xf32> to vector<16xf32>
        %get3A_754 = arith.constant 36 : i32
        %get3A_755 = arith.index_cast %get3A_754 : i32 to index
        %get3A_756 = arith.constant 0 : index
        %get3A_757 = tpu.vector_load %arg6[%get3A_755, %get3A_756] {strides = array<i32>} : memref<64x16xf32, #tpu.memory_space<vmem>>, vector<1x16xf32>,
        %get3A_758 = vector.shape_cast %get3A_757 : vector<1x16xf32> to vector<16xf32>
        %mul3A_759 = arith.mulf %get3A_753, %get3A_758 : vector<16xf32>
        %add3A_760 = arith.addf %add3A_746, %mul3A_759 : vector<16xf32>
        %get3A_761 = arith.constant 1 : i32
        %get3A_762 = arith.constant 37 : i32
        %get3A_763 = arith.index_cast %get3A_761 : i32 to index
        %get3A_764 = arith.index_cast %get3A_762 : i32 to index
        %get3A_765 = arith.index_cast %mul3A_238 : i32 to index
        %get3A_766 = tpu.vector_load %arg7[%get3A_763, %get3A_764, %get3A_765] {strides = array<i32>} : memref<2x64x512xf32, #tpu.memory_space<vmem>>, vector<1x1x16xf32>,
        %get3A_767 = vector.shape_cast %get3A_766 : vector<1x1x16xf32> to vector<16xf32>
        %get3A_768 = arith.constant 37 : i32
        %get3A_769 = arith.index_cast %get3A_768 : i32 to index
        %get3A_770 = arith.constant 0 : index
        %get3A_771 = tpu.vector_load %arg6[%get3A_769, %get3A_770] {strides = array<i32>} : memref<64x16xf32, #tpu.memory_space<vmem>>, vector<1x16xf32>,
        %get3A_772 = vector.shape_cast %get3A_771 : vector<1x16xf32> to vector<16xf32>
        %mul3A_773 = arith.mulf %get3A_767, %get3A_772 : vector<16xf32>
        %add3A_774 = arith.addf %add3A_760, %mul3A_773 : vector<16xf32>
        %get3A_775 = arith.constant 1 : i32
        %get3A_776 = arith.constant 38 : i32
        %get3A_777 = arith.index_cast %get3A_775 : i32 to index
        %get3A_778 = arith.index_cast %get3A_776 : i32 to index
        %get3A_779 = arith.index_cast %mul3A_238 : i32 to index
        %get3A_780 = tpu.vector_load %arg7[%get3A_777, %get3A_778, %get3A_779] {strides = array<i32>} : memref<2x64x512xf32, #tpu.memory_space<vmem>>, vector<1x1x16xf32>,
        %get3A_781 = vector.shape_cast %get3A_780 : vector<1x1x16xf32> to vector<16xf32>
        %get3A_782 = arith.constant 38 : i32
        %get3A_783 = arith.index_cast %get3A_782 : i32 to index
        %get3A_784 = arith.constant 0 : index
        %get3A_785 = tpu.vector_load %arg6[%get3A_783, %get3A_784] {strides = array<i32>} : memref<64x16xf32, #tpu.memory_space<vmem>>, vector<1x16xf32>,
        %get3A_786 = vector.shape_cast %get3A_785 : vector<1x16xf32> to vector<16xf32>
        %mul3A_787 = arith.mulf %get3A_781, %get3A_786 : vector<16xf32>
        %add3A_788 = arith.addf %add3A_774, %mul3A_787 : vector<16xf32>
        %get3A_789 = arith.constant 1 : i32
        %get3A_790 = arith.constant 39 : i32
        %get3A_791 = arith.index_cast %get3A_789 : i32 to index
        %get3A_792 = arith.index_cast %get3A_790 : i32 to index
        %get3A_793 = arith.index_cast %mul3A_238 : i32 to index
        %get3A_794 = tpu.vector_load %arg7[%get3A_791, %get3A_792, %get3A_793] {strides = array<i32>} : memref<2x64x512xf32, #tpu.memory_space<vmem>>, vector<1x1x16xf32>,
        %get3A_795 = vector.shape_cast %get3A_794 : vector<1x1x16xf32> to vector<16xf32>
        %get3A_796 = arith.constant 39 : i32
        %get3A_797 = arith.index_cast %get3A_796 : i32 to index
        %get3A_798 = arith.constant 0 : index
        %get3A_799 = tpu.vector_load %arg6[%get3A_797, %get3A_798] {strides = array<i32>} : memref<64x16xf32, #tpu.memory_space<vmem>>, vector<1x16xf32>,
        %get3A_800 = vector.shape_cast %get3A_799 : vector<1x16xf32> to vector<16xf32>
        %mul3A_801 = arith.mulf %get3A_795, %get3A_800 : vector<16xf32>
        %add3A_802 = arith.addf %add3A_788, %mul3A_801 : vector<16xf32>
        %get3A_803 = arith.constant 1 : i32
        %get3A_804 = arith.constant 40 : i32
        %get3A_805 = arith.index_cast %get3A_803 : i32 to index
        %get3A_806 = arith.index_cast %get3A_804 : i32 to index
        %get3A_807 = arith.index_cast %mul3A_238 : i32 to index
        %get3A_808 = tpu.vector_load %arg7[%get3A_805, %get3A_806, %get3A_807] {strides = array<i32>} : memref<2x64x512xf32, #tpu.memory_space<vmem>>, vector<1x1x16xf32>,
        %get3A_809 = vector.shape_cast %get3A_808 : vector<1x1x16xf32> to vector<16xf32>
        %get3A_810 = arith.constant 40 : i32
        %get3A_811 = arith.index_cast %get3A_810 : i32 to index
        %get3A_812 = arith.constant 0 : index
        %get3A_813 = tpu.vector_load %arg6[%get3A_811, %get3A_812] {strides = array<i32>} : memref<64x16xf32, #tpu.memory_space<vmem>>, vector<1x16xf32>,
        %get3A_814 = vector.shape_cast %get3A_813 : vector<1x16xf32> to vector<16xf32>
        %mul3A_815 = arith.mulf %get3A_809, %get3A_814 : vector<16xf32>
        %add3A_816 = arith.addf %add3A_802, %mul3A_815 : vector<16xf32>
        %get3A_817 = arith.constant 1 : i32
        %get3A_818 = arith.constant 41 : i32
        %get3A_819 = arith.index_cast %get3A_817 : i32 to index
        %get3A_820 = arith.index_cast %get3A_818 : i32 to index
        %get3A_821 = arith.index_cast %mul3A_238 : i32 to index
        %get3A_822 = tpu.vector_load %arg7[%get3A_819, %get3A_820, %get3A_821] {strides = array<i32>} : memref<2x64x512xf32, #tpu.memory_space<vmem>>, vector<1x1x16xf32>,
        %get3A_823 = vector.shape_cast %get3A_822 : vector<1x1x16xf32> to vector<16xf32>
        %get3A_824 = arith.constant 41 : i32
        %get3A_825 = arith.index_cast %get3A_824 : i32 to index
        %get3A_826 = arith.constant 0 : index
        %get3A_827 = tpu.vector_load %arg6[%get3A_825, %get3A_826] {strides = array<i32>} : memref<64x16xf32, #tpu.memory_space<vmem>>, vector<1x16xf32>,
        %get3A_828 = vector.shape_cast %get3A_827 : vector<1x16xf32> to vector<16xf32>
        %mul3A_829 = arith.mulf %get3A_823, %get3A_828 : vector<16xf32>
        %add3A_830 = arith.addf %add3A_816, %mul3A_829 : vector<16xf32>
        %get3A_831 = arith.constant 1 : i32
        %get3A_832 = arith.constant 42 : i32
        %get3A_833 = arith.index_cast %get3A_831 : i32 to index
        %get3A_834 = arith.index_cast %get3A_832 : i32 to index
        %get3A_835 = arith.index_cast %mul3A_238 : i32 to index
        %get3A_836 = tpu.vector_load %arg7[%get3A_833, %get3A_834, %get3A_835] {strides = array<i32>} : memref<2x64x512xf32, #tpu.memory_space<vmem>>, vector<1x1x16xf32>,
        %get3A_837 = vector.shape_cast %get3A_836 : vector<1x1x16xf32> to vector<16xf32>
        %get3A_838 = arith.constant 42 : i32
        %get3A_839 = arith.index_cast %get3A_838 : i32 to index
        %get3A_840 = arith.constant 0 : index
        %get3A_841 = tpu.vector_load %arg6[%get3A_839, %get3A_840] {strides = array<i32>} : memref<64x16xf32, #tpu.memory_space<vmem>>, vector<1x16xf32>,
        %get3A_842 = vector.shape_cast %get3A_841 : vector<1x16xf32> to vector<16xf32>
        %mul3A_843 = arith.mulf %get3A_837, %get3A_842 : vector<16xf32>
        %add3A_844 = arith.addf %add3A_830, %mul3A_843 : vector<16xf32>
        %get3A_845 = arith.constant 1 : i32
        %get3A_846 = arith.constant 43 : i32
        %get3A_847 = arith.index_cast %get3A_845 : i32 to index
        %get3A_848 = arith.index_cast %get3A_846 : i32 to index
        %get3A_849 = arith.index_cast %mul3A_238 : i32 to index
        %get3A_850 = tpu.vector_load %arg7[%get3A_847, %get3A_848, %get3A_849] {strides = array<i32>} : memref<2x64x512xf32, #tpu.memory_space<vmem>>, vector<1x1x16xf32>,
        %get3A_851 = vector.shape_cast %get3A_850 : vector<1x1x16xf32> to vector<16xf32>
        %get3A_852 = arith.constant 43 : i32
        %get3A_853 = arith.index_cast %get3A_852 : i32 to index
        %get3A_854 = arith.constant 0 : index
        %get3A_855 = tpu.vector_load %arg6[%get3A_853, %get3A_854] {strides = array<i32>} : memref<64x16xf32, #tpu.memory_space<vmem>>, vector<1x16xf32>,
        %get3A_856 = vector.shape_cast %get3A_855 : vector<1x16xf32> to vector<16xf32>
        %mul3A_857 = arith.mulf %get3A_851, %get3A_856 : vector<16xf32>
        %add3A_858 = arith.addf %add3A_844, %mul3A_857 : vector<16xf32>
        %get3A_859 = arith.constant 1 : i32
        %get3A_860 = arith.constant 44 : i32
        %get3A_861 = arith.index_cast %get3A_859 : i32 to index
        %get3A_862 = arith.index_cast %get3A_860 : i32 to index
        %get3A_863 = arith.index_cast %mul3A_238 : i32 to index
        %get3A_864 = tpu.vector_load %arg7[%get3A_861, %get3A_862, %get3A_863] {strides = array<i32>} : memref<2x64x512xf32, #tpu.memory_space<vmem>>, vector<1x1x16xf32>,
        %get3A_865 = vector.shape_cast %get3A_864 : vector<1x1x16xf32> to vector<16xf32>
        %get3A_866 = arith.constant 44 : i32
        %get3A_867 = arith.index_cast %get3A_866 : i32 to index
        %get3A_868 = arith.constant 0 : index
        %get3A_869 = tpu.vector_load %arg6[%get3A_867, %get3A_868] {strides = array<i32>} : memref<64x16xf32, #tpu.memory_space<vmem>>, vector<1x16xf32>,
        %get3A_870 = vector.shape_cast %get3A_869 : vector<1x16xf32> to vector<16xf32>
        %mul3A_871 = arith.mulf %get3A_865, %get3A_870 : vector<16xf32>
        %add3A_872 = arith.addf %add3A_858, %mul3A_871 : vector<16xf32>
        %get3A_873 = arith.constant 1 : i32
        %get3A_874 = arith.constant 45 : i32
        %get3A_875 = arith.index_cast %get3A_873 : i32 to index
        %get3A_876 = arith.index_cast %get3A_874 : i32 to index
        %get3A_877 = arith.index_cast %mul3A_238 : i32 to index
        %get3A_878 = tpu.vector_load %arg7[%get3A_875, %get3A_876, %get3A_877] {strides = array<i32>} : memref<2x64x512xf32, #tpu.memory_space<vmem>>, vector<1x1x16xf32>,
        %get3A_879 = vector.shape_cast %get3A_878 : vector<1x1x16xf32> to vector<16xf32>
        %get3A_880 = arith.constant 45 : i32
        %get3A_881 = arith.index_cast %get3A_880 : i32 to index
        %get3A_882 = arith.constant 0 : index
        %get3A_883 = tpu.vector_load %arg6[%get3A_881, %get3A_882] {strides = array<i32>} : memref<64x16xf32, #tpu.memory_space<vmem>>, vector<1x16xf32>,
        %get3A_884 = vector.shape_cast %get3A_883 : vector<1x16xf32> to vector<16xf32>
        %mul3A_885 = arith.mulf %get3A_879, %get3A_884 : vector<16xf32>
        %add3A_886 = arith.addf %add3A_872, %mul3A_885 : vector<16xf32>
        %get3A_887 = arith.constant 1 : i32
        %get3A_888 = arith.constant 46 : i32
        %get3A_889 = arith.index_cast %get3A_887 : i32 to index
        %get3A_890 = arith.index_cast %get3A_888 : i32 to index
        %get3A_891 = arith.index_cast %mul3A_238 : i32 to index
        %get3A_892 = tpu.vector_load %arg7[%get3A_889, %get3A_890, %get3A_891] {strides = array<i32>} : memref<2x64x512xf32, #tpu.memory_space<vmem>>, vector<1x1x16xf32>,
        %get3A_893 = vector.shape_cast %get3A_892 : vector<1x1x16xf32> to vector<16xf32>
        %get3A_894 = arith.constant 46 : i32
        %get3A_895 = arith.index_cast %get3A_894 : i32 to index
        %get3A_896 = arith.constant 0 : index
        %get3A_897 = tpu.vector_load %arg6[%get3A_895, %get3A_896] {strides = array<i32>} : memref<64x16xf32, #tpu.memory_space<vmem>>, vector<1x16xf32>,
        %get3A_898 = vector.shape_cast %get3A_897 : vector<1x16xf32> to vector<16xf32>
        %mul3A_899 = arith.mulf %get3A_893, %get3A_898 : vector<16xf32>
        %add3A_900 = arith.addf %add3A_886, %mul3A_899 : vector<16xf32>
        %get3A_901 = arith.constant 1 : i32
        %get3A_902 = arith.constant 47 : i32
        %get3A_903 = arith.index_cast %get3A_901 : i32 to index
        %get3A_904 = arith.index_cast %get3A_902 : i32 to index
        %get3A_905 = arith.index_cast %mul3A_238 : i32 to index
        %get3A_906 = tpu.vector_load %arg7[%get3A_903, %get3A_904, %get3A_905] {strides = array<i32>} : memref<2x64x512xf32, #tpu.memory_space<vmem>>, vector<1x1x16xf32>,
        %get3A_907 = vector.shape_cast %get3A_906 : vector<1x1x16xf32> to vector<16xf32>
        %get3A_908 = arith.constant 47 : i32
        %get3A_909 = arith.index_cast %get3A_908 : i32 to index
        %get3A_910 = arith.constant 0 : index
        %get3A_911 = tpu.vector_load %arg6[%get3A_909, %get3A_910] {strides = array<i32>} : memref<64x16xf32, #tpu.memory_space<vmem>>, vector<1x16xf32>,
        %get3A_912 = vector.shape_cast %get3A_911 : vector<1x16xf32> to vector<16xf32>
        %mul3A_913 = arith.mulf %get3A_907, %get3A_912 : vector<16xf32>
        %add3A_914 = arith.addf %add3A_900, %mul3A_913 : vector<16xf32>
        %get3A_915 = arith.constant 1 : i32
        %get3A_916 = arith.constant 48 : i32
        %get3A_917 = arith.index_cast %get3A_915 : i32 to index
        %get3A_918 = arith.index_cast %get3A_916 : i32 to index
        %get3A_919 = arith.index_cast %mul3A_238 : i32 to index
        %get3A_920 = tpu.vector_load %arg7[%get3A_917, %get3A_918, %get3A_919] {strides = array<i32>} : memref<2x64x512xf32, #tpu.memory_space<vmem>>, vector<1x1x16xf32>,
        %get3A_921 = vector.shape_cast %get3A_920 : vector<1x1x16xf32> to vector<16xf32>
        %get3A_922 = arith.constant 48 : i32
        %get3A_923 = arith.index_cast %get3A_922 : i32 to index
        %get3A_924 = arith.constant 0 : index
        %get3A_925 = tpu.vector_load %arg6[%get3A_923, %get3A_924] {strides = array<i32>} : memref<64x16xf32, #tpu.memory_space<vmem>>, vector<1x16xf32>,
        %get3A_926 = vector.shape_cast %get3A_925 : vector<1x16xf32> to vector<16xf32>
        %mul3A_927 = arith.mulf %get3A_921, %get3A_926 : vector<16xf32>
        %add3A_928 = arith.addf %add3A_914, %mul3A_927 : vector<16xf32>
        %get3A_929 = arith.constant 1 : i32
        %get3A_930 = arith.constant 49 : i32
        %get3A_931 = arith.index_cast %get3A_929 : i32 to index
        %get3A_932 = arith.index_cast %get3A_930 : i32 to index
        %get3A_933 = arith.index_cast %mul3A_238 : i32 to index
        %get3A_934 = tpu.vector_load %arg7[%get3A_931, %get3A_932, %get3A_933] {strides = array<i32>} : memref<2x64x512xf32, #tpu.memory_space<vmem>>, vector<1x1x16xf32>,
        %get3A_935 = vector.shape_cast %get3A_934 : vector<1x1x16xf32> to vector<16xf32>
        %get3A_936 = arith.constant 49 : i32
        %get3A_937 = arith.index_cast %get3A_936 : i32 to index
        %get3A_938 = arith.constant 0 : index
        %get3A_939 = tpu.vector_load %arg6[%get3A_937, %get3A_938] {strides = array<i32>} : memref<64x16xf32, #tpu.memory_space<vmem>>, vector<1x16xf32>,
        %get3A_940 = vector.shape_cast %get3A_939 : vector<1x16xf32> to vector<16xf32>
        %mul3A_941 = arith.mulf %get3A_935, %get3A_940 : vector<16xf32>
        %add3A_942 = arith.addf %add3A_928, %mul3A_941 : vector<16xf32>
        %get3A_943 = arith.constant 1 : i32
        %get3A_944 = arith.constant 50 : i32
        %get3A_945 = arith.index_cast %get3A_943 : i32 to index
        %get3A_946 = arith.index_cast %get3A_944 : i32 to index
        %get3A_947 = arith.index_cast %mul3A_238 : i32 to index
        %get3A_948 = tpu.vector_load %arg7[%get3A_945, %get3A_946, %get3A_947] {strides = array<i32>} : memref<2x64x512xf32, #tpu.memory_space<vmem>>, vector<1x1x16xf32>,
        %get3A_949 = vector.shape_cast %get3A_948 : vector<1x1x16xf32> to vector<16xf32>
        %get3A_950 = arith.constant 50 : i32
        %get3A_951 = arith.index_cast %get3A_950 : i32 to index
        %get3A_952 = arith.constant 0 : index
        %get3A_953 = tpu.vector_load %arg6[%get3A_951, %get3A_952] {strides = array<i32>} : memref<64x16xf32, #tpu.memory_space<vmem>>, vector<1x16xf32>,
        %get3A_954 = vector.shape_cast %get3A_953 : vector<1x16xf32> to vector<16xf32>
        %mul3A_955 = arith.mulf %get3A_949, %get3A_954 : vector<16xf32>
        %add3A_956 = arith.addf %add3A_942, %mul3A_955 : vector<16xf32>
        %get3A_957 = arith.constant 1 : i32
        %get3A_958 = arith.constant 51 : i32
        %get3A_959 = arith.index_cast %get3A_957 : i32 to index
        %get3A_960 = arith.index_cast %get3A_958 : i32 to index
        %get3A_961 = arith.index_cast %mul3A_238 : i32 to index
        %get3A_962 = tpu.vector_load %arg7[%get3A_959, %get3A_960, %get3A_961] {strides = array<i32>} : memref<2x64x512xf32, #tpu.memory_space<vmem>>, vector<1x1x16xf32>,
        %get3A_963 = vector.shape_cast %get3A_962 : vector<1x1x16xf32> to vector<16xf32>
        %get3A_964 = arith.constant 51 : i32
        %get3A_965 = arith.index_cast %get3A_964 : i32 to index
        %get3A_966 = arith.constant 0 : index
        %get3A_967 = tpu.vector_load %arg6[%get3A_965, %get3A_966] {strides = array<i32>} : memref<64x16xf32, #tpu.memory_space<vmem>>, vector<1x16xf32>,
        %get3A_968 = vector.shape_cast %get3A_967 : vector<1x16xf32> to vector<16xf32>
        %mul3A_969 = arith.mulf %get3A_963, %get3A_968 : vector<16xf32>
        %add3A_970 = arith.addf %add3A_956, %mul3A_969 : vector<16xf32>
        %get3A_971 = arith.constant 1 : i32
        %get3A_972 = arith.constant 52 : i32
        %get3A_973 = arith.index_cast %get3A_971 : i32 to index
        %get3A_974 = arith.index_cast %get3A_972 : i32 to index
        %get3A_975 = arith.index_cast %mul3A_238 : i32 to index
        %get3A_976 = tpu.vector_load %arg7[%get3A_973, %get3A_974, %get3A_975] {strides = array<i32>} : memref<2x64x512xf32, #tpu.memory_space<vmem>>, vector<1x1x16xf32>,
        %get3A_977 = vector.shape_cast %get3A_976 : vector<1x1x16xf32> to vector<16xf32>
        %get3A_978 = arith.constant 52 : i32
        %get3A_979 = arith.index_cast %get3A_978 : i32 to index
        %get3A_980 = arith.constant 0 : index
        %get3A_981 = tpu.vector_load %arg6[%get3A_979, %get3A_980] {strides = array<i32>} : memref<64x16xf32, #tpu.memory_space<vmem>>, vector<1x16xf32>,
        %get3A_982 = vector.shape_cast %get3A_981 : vector<1x16xf32> to vector<16xf32>
        %mul3A_983 = arith.mulf %get3A_977, %get3A_982 : vector<16xf32>
        %add3A_984 = arith.addf %add3A_970, %mul3A_983 : vector<16xf32>
        %get3A_985 = arith.constant 1 : i32
        %get3A_986 = arith.constant 53 : i32
        %get3A_987 = arith.index_cast %get3A_985 : i32 to index
        %get3A_988 = arith.index_cast %get3A_986 : i32 to index
        %get3A_989 = arith.index_cast %mul3A_238 : i32 to index
        %get3A_990 = tpu.vector_load %arg7[%get3A_987, %get3A_988, %get3A_989] {strides = array<i32>} : memref<2x64x512xf32, #tpu.memory_space<vmem>>, vector<1x1x16xf32>,
        %get3A_991 = vector.shape_cast %get3A_990 : vector<1x1x16xf32> to vector<16xf32>
        %get3A_992 = arith.constant 53 : i32
        %get3A_993 = arith.index_cast %get3A_992 : i32 to index
        %get3A_994 = arith.constant 0 : index
        %get3A_995 = tpu.vector_load %arg6[%get3A_993, %get3A_994] {strides = array<i32>} : memref<64x16xf32, #tpu.memory_space<vmem>>, vector<1x16xf32>,
        %get3A_996 = vector.shape_cast %get3A_995 : vector<1x16xf32> to vector<16xf32>
        %mul3A_997 = arith.mulf %get3A_991, %get3A_996 : vector<16xf32>
        %add3A_998 = arith.addf %add3A_984, %mul3A_997 : vector<16xf32>
        %get3A_999 = arith.constant 1 : i32
        %get3A_1000 = arith.constant 54 : i32
        %get3A_1001 = arith.index_cast %get3A_999 : i32 to index
        %get3A_1002 = arith.index_cast %get3A_1000 : i32 to index
        %get3A_1003 = arith.index_cast %mul3A_238 : i32 to index
        %get3A_1004 = tpu.vector_load %arg7[%get3A_1001, %get3A_1002, %get3A_1003] {strides = array<i32>} : memref<2x64x512xf32, #tpu.memory_space<vmem>>, vector<1x1x16xf32>,
        %get3A_1005 = vector.shape_cast %get3A_1004 : vector<1x1x16xf32> to vector<16xf32>
        %get3A_1006 = arith.constant 54 : i32
        %get3A_1007 = arith.index_cast %get3A_1006 : i32 to index
        %get3A_1008 = arith.constant 0 : index
        %get3A_1009 = tpu.vector_load %arg6[%get3A_1007, %get3A_1008] {strides = array<i32>} : memref<64x16xf32, #tpu.memory_space<vmem>>, vector<1x16xf32>,
        %get3A_1010 = vector.shape_cast %get3A_1009 : vector<1x16xf32> to vector<16xf32>
        %mul3A_1011 = arith.mulf %get3A_1005, %get3A_1010 : vector<16xf32>
        %add3A_1012 = arith.addf %add3A_998, %mul3A_1011 : vector<16xf32>
        %get3A_1013 = arith.constant 1 : i32
        %get3A_1014 = arith.constant 55 : i32
        %get3A_1015 = arith.index_cast %get3A_1013 : i32 to index
        %get3A_1016 = arith.index_cast %get3A_1014 : i32 to index
        %get3A_1017 = arith.index_cast %mul3A_238 : i32 to index
        %get3A_1018 = tpu.vector_load %arg7[%get3A_1015, %get3A_1016, %get3A_1017] {strides = array<i32>} : memref<2x64x512xf32, #tpu.memory_space<vmem>>, vector<1x1x16xf32>,
        %get3A_1019 = vector.shape_cast %get3A_1018 : vector<1x1x16xf32> to vector<16xf32>
        %get3A_1020 = arith.constant 55 : i32
        %get3A_1021 = arith.index_cast %get3A_1020 : i32 to index
        %get3A_1022 = arith.constant 0 : index
        %get3A_1023 = tpu.vector_load %arg6[%get3A_1021, %get3A_1022] {strides = array<i32>} : memref<64x16xf32, #tpu.memory_space<vmem>>, vector<1x16xf32>,
        %get3A_1024 = vector.shape_cast %get3A_1023 : vector<1x16xf32> to vector<16xf32>
        %mul3A_1025 = arith.mulf %get3A_1019, %get3A_1024 : vector<16xf32>
        %add3A_1026 = arith.addf %add3A_1012, %mul3A_1025 : vector<16xf32>
        %get3A_1027 = arith.constant 1 : i32
        %get3A_1028 = arith.constant 56 : i32
        %get3A_1029 = arith.index_cast %get3A_1027 : i32 to index
        %get3A_1030 = arith.index_cast %get3A_1028 : i32 to index
        %get3A_1031 = arith.index_cast %mul3A_238 : i32 to index
        %get3A_1032 = tpu.vector_load %arg7[%get3A_1029, %get3A_1030, %get3A_1031] {strides = array<i32>} : memref<2x64x512xf32, #tpu.memory_space<vmem>>, vector<1x1x16xf32>,
        %get3A_1033 = vector.shape_cast %get3A_1032 : vector<1x1x16xf32> to vector<16xf32>
        %get3A_1034 = arith.constant 56 : i32
        %get3A_1035 = arith.index_cast %get3A_1034 : i32 to index
        %get3A_1036 = arith.constant 0 : index
        %get3A_1037 = tpu.vector_load %arg6[%get3A_1035, %get3A_1036] {strides = array<i32>} : memref<64x16xf32, #tpu.memory_space<vmem>>, vector<1x16xf32>,
        %get3A_1038 = vector.shape_cast %get3A_1037 : vector<1x16xf32> to vector<16xf32>
        %mul3A_1039 = arith.mulf %get3A_1033, %get3A_1038 : vector<16xf32>
        %add3A_1040 = arith.addf %add3A_1026, %mul3A_1039 : vector<16xf32>
        %get3A_1041 = arith.constant 1 : i32
        %get3A_1042 = arith.constant 57 : i32
        %get3A_1043 = arith.index_cast %get3A_1041 : i32 to index
        %get3A_1044 = arith.index_cast %get3A_1042 : i32 to index
        %get3A_1045 = arith.index_cast %mul3A_238 : i32 to index
        %get3A_1046 = tpu.vector_load %arg7[%get3A_1043, %get3A_1044, %get3A_1045] {strides = array<i32>} : memref<2x64x512xf32, #tpu.memory_space<vmem>>, vector<1x1x16xf32>,
        %get3A_1047 = vector.shape_cast %get3A_1046 : vector<1x1x16xf32> to vector<16xf32>
        %get3A_1048 = arith.constant 57 : i32
        %get3A_1049 = arith.index_cast %get3A_1048 : i32 to index
        %get3A_1050 = arith.constant 0 : index
        %get3A_1051 = tpu.vector_load %arg6[%get3A_1049, %get3A_1050] {strides = array<i32>} : memref<64x16xf32, #tpu.memory_space<vmem>>, vector<1x16xf32>,
        %get3A_1052 = vector.shape_cast %get3A_1051 : vector<1x16xf32> to vector<16xf32>
        %mul3A_1053 = arith.mulf %get3A_1047, %get3A_1052 : vector<16xf32>
        %add3A_1054 = arith.addf %add3A_1040, %mul3A_1053 : vector<16xf32>
        %get3A_1055 = arith.constant 1 : i32
        %get3A_1056 = arith.constant 58 : i32
        %get3A_1057 = arith.index_cast %get3A_1055 : i32 to index
        %get3A_1058 = arith.index_cast %get3A_1056 : i32 to index
        %get3A_1059 = arith.index_cast %mul3A_238 : i32 to index
        %get3A_1060 = tpu.vector_load %arg7[%get3A_1057, %get3A_1058, %get3A_1059] {strides = array<i32>} : memref<2x64x512xf32, #tpu.memory_space<vmem>>, vector<1x1x16xf32>,
        %get3A_1061 = vector.shape_cast %get3A_1060 : vector<1x1x16xf32> to vector<16xf32>
        %get3A_1062 = arith.constant 58 : i32
        %get3A_1063 = arith.index_cast %get3A_1062 : i32 to index
        %get3A_1064 = arith.constant 0 : index
        %get3A_1065 = tpu.vector_load %arg6[%get3A_1063, %get3A_1064] {strides = array<i32>} : memref<64x16xf32, #tpu.memory_space<vmem>>, vector<1x16xf32>,
        %get3A_1066 = vector.shape_cast %get3A_1065 : vector<1x16xf32> to vector<16xf32>
        %mul3A_1067 = arith.mulf %get3A_1061, %get3A_1066 : vector<16xf32>
        %add3A_1068 = arith.addf %add3A_1054, %mul3A_1067 : vector<16xf32>
        %get3A_1069 = arith.constant 1 : i32
        %get3A_1070 = arith.constant 59 : i32
        %get3A_1071 = arith.index_cast %get3A_1069 : i32 to index
        %get3A_1072 = arith.index_cast %get3A_1070 : i32 to index
        %get3A_1073 = arith.index_cast %mul3A_238 : i32 to index
        %get3A_1074 = tpu.vector_load %arg7[%get3A_1071, %get3A_1072, %get3A_1073] {strides = array<i32>} : memref<2x64x512xf32, #tpu.memory_space<vmem>>, vector<1x1x16xf32>,
        %get3A_1075 = vector.shape_cast %get3A_1074 : vector<1x1x16xf32> to vector<16xf32>
        %get3A_1076 = arith.constant 59 : i32
        %get3A_1077 = arith.index_cast %get3A_1076 : i32 to index
        %get3A_1078 = arith.constant 0 : index
        %get3A_1079 = tpu.vector_load %arg6[%get3A_1077, %get3A_1078] {strides = array<i32>} : memref<64x16xf32, #tpu.memory_space<vmem>>, vector<1x16xf32>,
        %get3A_1080 = vector.shape_cast %get3A_1079 : vector<1x16xf32> to vector<16xf32>
        %mul3A_1081 = arith.mulf %get3A_1075, %get3A_1080 : vector<16xf32>
        %add3A_1082 = arith.addf %add3A_1068, %mul3A_1081 : vector<16xf32>
        %get3A_1083 = arith.constant 1 : i32
        %get3A_1084 = arith.constant 60 : i32
        %get3A_1085 = arith.index_cast %get3A_1083 : i32 to index
        %get3A_1086 = arith.index_cast %get3A_1084 : i32 to index
        %get3A_1087 = arith.index_cast %mul3A_238 : i32 to index
        %get3A_1088 = tpu.vector_load %arg7[%get3A_1085, %get3A_1086, %get3A_1087] {strides = array<i32>} : memref<2x64x512xf32, #tpu.memory_space<vmem>>, vector<1x1x16xf32>,
        %get3A_1089 = vector.shape_cast %get3A_1088 : vector<1x1x16xf32> to vector<16xf32>
        %get3A_1090 = arith.constant 60 : i32
        %get3A_1091 = arith.index_cast %get3A_1090 : i32 to index
        %get3A_1092 = arith.constant 0 : index
        %get3A_1093 = tpu.vector_load %arg6[%get3A_1091, %get3A_1092] {strides = array<i32>} : memref<64x16xf32, #tpu.memory_space<vmem>>, vector<1x16xf32>,
        %get3A_1094 = vector.shape_cast %get3A_1093 : vector<1x16xf32> to vector<16xf32>
        %mul3A_1095 = arith.mulf %get3A_1089, %get3A_1094 : vector<16xf32>
        %add3A_1096 = arith.addf %add3A_1082, %mul3A_1095 : vector<16xf32>
        %get3A_1097 = arith.constant 1 : i32
        %get3A_1098 = arith.constant 61 : i32
        %get3A_1099 = arith.index_cast %get3A_1097 : i32 to index
        %get3A_1100 = arith.index_cast %get3A_1098 : i32 to index
        %get3A_1101 = arith.index_cast %mul3A_238 : i32 to index
        %get3A_1102 = tpu.vector_load %arg7[%get3A_1099, %get3A_1100, %get3A_1101] {strides = array<i32>} : memref<2x64x512xf32, #tpu.memory_space<vmem>>, vector<1x1x16xf32>,
        %get3A_1103 = vector.shape_cast %get3A_1102 : vector<1x1x16xf32> to vector<16xf32>
        %get3A_1104 = arith.constant 61 : i32
        %get3A_1105 = arith.index_cast %get3A_1104 : i32 to index
        %get3A_1106 = arith.constant 0 : index
        %get3A_1107 = tpu.vector_load %arg6[%get3A_1105, %get3A_1106] {strides = array<i32>} : memref<64x16xf32, #tpu.memory_space<vmem>>, vector<1x16xf32>,
        %get3A_1108 = vector.shape_cast %get3A_1107 : vector<1x16xf32> to vector<16xf32>
        %mul3A_1109 = arith.mulf %get3A_1103, %get3A_1108 : vector<16xf32>
        %add3A_1110 = arith.addf %add3A_1096, %mul3A_1109 : vector<16xf32>
        %get3A_1111 = arith.constant 1 : i32
        %get3A_1112 = arith.constant 62 : i32
        %get3A_1113 = arith.index_cast %get3A_1111 : i32 to index
        %get3A_1114 = arith.index_cast %get3A_1112 : i32 to index
        %get3A_1115 = arith.index_cast %mul3A_238 : i32 to index
        %get3A_1116 = tpu.vector_load %arg7[%get3A_1113, %get3A_1114, %get3A_1115] {strides = array<i32>} : memref<2x64x512xf32, #tpu.memory_space<vmem>>, vector<1x1x16xf32>,
        %get3A_1117 = vector.shape_cast %get3A_1116 : vector<1x1x16xf32> to vector<16xf32>
        %get3A_1118 = arith.constant 62 : i32
        %get3A_1119 = arith.index_cast %get3A_1118 : i32 to index
        %get3A_1120 = arith.constant 0 : index
        %get3A_1121 = tpu.vector_load %arg6[%get3A_1119, %get3A_1120] {strides = array<i32>} : memref<64x16xf32, #tpu.memory_space<vmem>>, vector<1x16xf32>,
        %get3A_1122 = vector.shape_cast %get3A_1121 : vector<1x16xf32> to vector<16xf32>
        %mul3A_1123 = arith.mulf %get3A_1117, %get3A_1122 : vector<16xf32>
        %add3A_1124 = arith.addf %add3A_1110, %mul3A_1123 : vector<16xf32>
        %get3A_1125 = arith.constant 1 : i32
        %get3A_1126 = arith.constant 63 : i32
        %get3A_1127 = arith.index_cast %get3A_1125 : i32 to index
        %get3A_1128 = arith.index_cast %get3A_1126 : i32 to index
        %get3A_1129 = arith.index_cast %mul3A_238 : i32 to index
        %get3A_1130 = tpu.vector_load %arg7[%get3A_1127, %get3A_1128, %get3A_1129] {strides = array<i32>} : memref<2x64x512xf32, #tpu.memory_space<vmem>>, vector<1x1x16xf32>,
        %get3A_1131 = vector.shape_cast %get3A_1130 : vector<1x1x16xf32> to vector<16xf32>
        %get3A_1132 = arith.constant 63 : i32
        %get3A_1133 = arith.index_cast %get3A_1132 : i32 to index
        %get3A_1134 = arith.constant 0 : index
        %get3A_1135 = tpu.vector_load %arg6[%get3A_1133, %get3A_1134] {strides = array<i32>} : memref<64x16xf32, #tpu.memory_space<vmem>>, vector<1x16xf32>,
        %get3A_1136 = vector.shape_cast %get3A_1135 : vector<1x16xf32> to vector<16xf32>
        %mul3A_1137 = arith.mulf %get3A_1131, %get3A_1136 : vector<16xf32>
        %add3A_1138 = arith.addf %add3A_1124, %mul3A_1137 : vector<16xf32>
        %swap3A = arith.constant 1 : i32
        %swap3A_1139 = arith.index_cast %swap3A : i32 to index
        %swap3A_1140 = arith.index_cast %mul3A_238 : i32 to index
        %swap3A_1141 = tpu.vector_load %arg9[%swap3A_1139, %swap3A_1140] {strides = array<i32>} : memref<2x512xf32, #tpu.memory_space<vmem>>, vector<1x16xf32>,
        %swap3A_1142 = vector.shape_cast %swap3A_1141 : vector<1x16xf32> to vector<16xf32>
        %swap3A_1143 = vector.shape_cast %add3A_1138 : vector<16xf32> to vector<1x16xf32>
        tpu.vector_store %arg9[%swap3A_1139, %swap3A_1140], %swap3A_1143 {strides = array<i32>} : memref<2x512xf32, #tpu.memory_space<vmem>>, vector<1x16xf32>,
      }
      %scan3A_209 = arith.constant 32 : i32
      %mul3A_210 = arith.constant 512 : i32
      %mul3A_211 = arith.muli %add3A_167, %mul3A_210 : i32
      %add3A_212 = arith.addi %mul3A_2, %mul3A_211 : i32
      %dma_start3A_213 = arith.constant 1 : i32
      %dma_start3A_214 = arith.constant 1 : i32
      %dma_start3A_215 = arith.constant 0 : i32
      %dma_start3A_216 = tpu.memref_slice %arg9[%dma_start3A_213, %dma_start3A_215] : memref<2x512xf32, #tpu.memory_space<vmem>> -> memref<1x512xf32, #tpu.memory_space<vmem>>
      %dma_start3A_217 = tpu.memref_squeeze %dma_start3A_216 : memref<1x512xf32, #tpu.memory_space<vmem>> -> memref<512xf32, #tpu.memory_space<vmem>>
      %dma_start3A_218 = tpu.memref_slice %arg5[%add3A_212] : memref<425984xf32, #tpu.memory_space<hbm>> -> memref<512xf32, #tpu.memory_space<hbm>>
      %dma_start3A_219 = tpu.memref_slice %arg12[%dma_start3A_214] : memref<2x!tpu.dma_semaphore, #tpu.memory_space<semaphore_mem>> -> memref<1x!tpu.dma_semaphore, #tpu.memory_space<semaphore_mem>>
      %dma_start3A_220 = tpu.memref_squeeze %dma_start3A_219 : memref<1x!tpu.dma_semaphore, #tpu.memory_space<semaphore_mem>> -> memref<!tpu.dma_semaphore, #tpu.memory_space<semaphore_mem>>
      %dma_start3A_221 = tpu.memref_slice %arg5[%add3A_212] : memref<425984xf32, #tpu.memory_space<hbm>> -> memref<512xf32, #tpu.memory_space<hbm>>
      %dma_start3A_222 = arith.constant 0 : i32
      %dma_start3A_223 = tpu.memref_slice %arg9[%dma_start3A_213, %dma_start3A_222] : memref<2x512xf32, #tpu.memory_space<vmem>> -> memref<1x512xf32, #tpu.memory_space<vmem>>
      %dma_start3A_224 = tpu.memref_squeeze %dma_start3A_223 : memref<1x512xf32, #tpu.memory_space<vmem>> -> memref<512xf32, #tpu.memory_space<vmem>>
      tpu.enqueue_dma source(%dma_start3A_224 : memref<512xf32, #tpu.memory_space<vmem>>) target(%dma_start3A_221 : memref<512xf32, #tpu.memory_space<hbm>>) target_semaphore(%dma_start3A_220 : memref<!tpu.dma_semaphore, #tpu.memory_space<semaphore_mem>>)
      %add3A_225 = arith.constant 2 : i32
      %add3A_226 = arith.addi %add3A_167, %add3A_225 : i32
      %lt3A_227 = arith.constant 26 : i32
      %lt3A_228 = arith.cmpi slt, %add3A_226, %lt3A_227 : i32
      %convert_element_type3A_229 = arith.extui %lt3A_228 : i1 to i32
      %cond3A_230 = arith.constant 0 : i32
      %cond3A_231 = arith.cmpi ne, %convert_element_type3A_229, %cond3A_230 : i32
      scf.if %cond3A_231 {
        %add3A_232 = arith.constant 2 : i32
        %add3A_233 = arith.addi %add3A_167, %add3A_232 : i32
        %mul3A_234 = arith.constant 512 : i32
        %mul3A_235 = arith.muli %add3A_233, %mul3A_234 : i32
        %add3A_236 = arith.addi %add3A_4, %mul3A_235 : i32
        %dma_start3A_237 = arith.constant 1 : i32
        %dma_start3A_238 = arith.constant 1 : i32
        %dma_start3A_239 = arith.constant 0 : i32
        %dma_start3A_240 = arith.constant 0 : i32
        %dma_start3A_241 = tpu.memref_slice %arg7[%dma_start3A_237, %dma_start3A_239, %dma_start3A_240] : memref<2x64x512xf32, #tpu.memory_space<vmem>> -> memref<1x64x512xf32, #tpu.memory_space<vmem>>
        %dma_start3A_242 = tpu.memref_squeeze %dma_start3A_241 : memref<1x64x512xf32, #tpu.memory_space<vmem>> -> memref<64x512xf32, #tpu.memory_space<vmem>>
        %dma_start3A_243 = arith.constant 0 : i32
        %dma_start3A_244 = tpu.memref_slice %arg3[%dma_start3A_243, %add3A_236] : memref<64x1000000xf32, #tpu.memory_space<hbm>> -> memref<64x512xf32, #tpu.memory_space<hbm>>
        %dma_start3A_245 = tpu.memref_slice %arg10[%dma_start3A_238] : memref<2x!tpu.dma_semaphore, #tpu.memory_space<semaphore_mem>> -> memref<1x!tpu.dma_semaphore, #tpu.memory_space<semaphore_mem>>
        %dma_start3A_246 = tpu.memref_squeeze %dma_start3A_245 : memref<1x!tpu.dma_semaphore, #tpu.memory_space<semaphore_mem>> -> memref<!tpu.dma_semaphore, #tpu.memory_space<semaphore_mem>>
        %dma_start3A_247 = arith.constant 0 : i32
        %dma_start3A_248 = arith.constant 0 : i32
        %dma_start3A_249 = tpu.memref_slice %arg7[%dma_start3A_237, %dma_start3A_247, %dma_start3A_248] : memref<2x64x512xf32, #tpu.memory_space<vmem>> -> memref<1x64x512xf32, #tpu.memory_space<vmem>>
        %dma_start3A_250 = tpu.memref_squeeze %dma_start3A_249 : memref<1x64x512xf32, #tpu.memory_space<vmem>> -> memref<64x512xf32, #tpu.memory_space<vmem>>
        %dma_start3A_251 = arith.constant 0 : i32
        %dma_start3A_252 = tpu.memref_slice %arg3[%dma_start3A_251, %add3A_236] : memref<64x1000000xf32, #tpu.memory_space<hbm>> -> memref<64x512xf32, #tpu.memory_space<hbm>>
        tpu.enqueue_dma source(%dma_start3A_252 : memref<64x512xf32, #tpu.memory_space<hbm>>) target(%dma_start3A_250 : memref<64x512xf32, #tpu.memory_space<vmem>>) target_semaphore(%dma_start3A_246 : memref<!tpu.dma_semaphore, #tpu.memory_space<semaphore_mem>>)
        %mul3A_253 = arith.constant 512 : i32
        %mul3A_254 = arith.muli %add3A_233, %mul3A_253 : i32
        %add3A_255 = arith.addi %add3A_4, %mul3A_254 : i32
        %dma_start3A_256 = arith.constant 1 : i32
        %dma_start3A_257 = arith.constant 1 : i32
        %dma_start3A_258 = arith.constant 0 : i32
        %dma_start3A_259 = tpu.memref_slice %arg8[%dma_start3A_256, %dma_start3A_258] : memref<2x512xf32, #tpu.memory_space<vmem>> -> memref<1x512xf32, #tpu.memory_space<vmem>>
        %dma_start3A_260 = tpu.memref_squeeze %dma_start3A_259 : memref<1x512xf32, #tpu.memory_space<vmem>> -> memref<512xf32, #tpu.memory_space<vmem>>
        %dma_start3A_261 = tpu.memref_slice %arg4[%add3A_255] : memref<1000000xf32, #tpu.memory_space<hbm>> -> memref<512xf32, #tpu.memory_space<hbm>>
        %dma_start3A_262 = tpu.memref_slice %arg11[%dma_start3A_257] : memref<2x!tpu.dma_semaphore, #tpu.memory_space<semaphore_mem>> -> memref<1x!tpu.dma_semaphore, #tpu.memory_space<semaphore_mem>>
        %dma_start3A_263 = tpu.memref_squeeze %dma_start3A_262 : memref<1x!tpu.dma_semaphore, #tpu.memory_space<semaphore_mem>> -> memref<!tpu.dma_semaphore, #tpu.memory_space<semaphore_mem>>
        %dma_start3A_264 = arith.constant 0 : i32
        %dma_start3A_265 = tpu.memref_slice %arg8[%dma_start3A_256, %dma_start3A_264] : memref<2x512xf32, #tpu.memory_space<vmem>> -> memref<1x512xf32, #tpu.memory_space<vmem>>
        %dma_start3A_266 = tpu.memref_squeeze %dma_start3A_265 : memref<1x512xf32, #tpu.memory_space<vmem>> -> memref<512xf32, #tpu.memory_space<vmem>>
        %dma_start3A_267 = tpu.memref_slice %arg4[%add3A_255] : memref<1000000xf32, #tpu.memory_space<hbm>> -> memref<512xf32, #tpu.memory_space<hbm>>
        tpu.enqueue_dma source(%dma_start3A_267 : memref<512xf32, #tpu.memory_space<hbm>>) target(%dma_start3A_266 : memref<512xf32, #tpu.memory_space<vmem>>) target_semaphore(%dma_start3A_263 : memref<!tpu.dma_semaphore, #tpu.memory_space<semaphore_mem>>)
      } else {
      }
    }
    %scan3A_71 = arith.constant 13 : i32
    %dma_wait3A = arith.constant 0 : i32
    %dma_wait3A_72 = arith.constant 0 : i32
    %dma_wait3A_73 = arith.constant 0 : i32
    %dma_wait3A_74 = tpu.memref_slice %arg9[%dma_wait3A, %dma_wait3A_73] : memref<2x512xf32, #tpu.memory_space<vmem>> -> memref<1x512xf32, #tpu.memory_space<vmem>>
    %dma_wait3A_75 = tpu.memref_squeeze %dma_wait3A_74 : memref<1x512xf32, #tpu.memory_space<vmem>> -> memref<512xf32, #tpu.memory_space<vmem>>
    %dma_wait3A_76 = arith.constant 0 : i32
    %dma_wait3A_77 = tpu.memref_slice %arg5[%dma_wait3A_76] : memref<425984xf32, #tpu.memory_space<hbm>> -> memref<512xf32, #tpu.memory_space<hbm>>
    %dma_wait3A_78 = tpu.memref_slice %arg12[%dma_wait3A_72] : memref<2x!tpu.dma_semaphore, #tpu.memory_space<semaphore_mem>> -> memref<1x!tpu.dma_semaphore, #tpu.memory_space<semaphore_mem>>
    %dma_wait3A_79 = tpu.memref_squeeze %dma_wait3A_78 : memref<1x!tpu.dma_semaphore, #tpu.memory_space<semaphore_mem>> -> memref<!tpu.dma_semaphore, #tpu.memory_space<semaphore_mem>>
    %dma_wait3A_80 = arith.constant 0 : i32
    %dma_wait3A_81 = tpu.memref_slice %arg5[%dma_wait3A_80] : memref<425984xf32, #tpu.memory_space<hbm>> -> memref<512xf32, #tpu.memory_space<hbm>>
    %dma_wait3A_82 = arith.constant 0 : i32
    %dma_wait3A_83 = tpu.memref_slice %arg9[%dma_wait3A, %dma_wait3A_82] : memref<2x512xf32, #tpu.memory_space<vmem>> -> memref<1x512xf32, #tpu.memory_space<vmem>>
    %dma_wait3A_84 = tpu.memref_squeeze %dma_wait3A_83 : memref<1x512xf32, #tpu.memory_space<vmem>> -> memref<512xf32, #tpu.memory_space<vmem>>
    tpu.wait_dma2 semaphore(%dma_wait3A_79 : memref<!tpu.dma_semaphore, #tpu.memory_space<semaphore_mem>>) src(%dma_wait3A_84 : memref<512xf32, #tpu.memory_space<vmem>>) dst(%dma_wait3A_81 : memref<512xf32, #tpu.memory_space<hbm>>)
    %dma_wait3A_85 = arith.constant 1 : i32
    %dma_wait3A_86 = arith.constant 1 : i32
    %dma_wait3A_87 = arith.constant 0 : i32
    %dma_wait3A_88 = tpu.memref_slice %arg9[%dma_wait3A_85, %dma_wait3A_87] : memref<2x512xf32, #tpu.memory_space<vmem>> -> memref<1x512xf32, #tpu.memory_space<vmem>>
    %dma_wait3A_89 = tpu.memref_squeeze %dma_wait3A_88 : memref<1x512xf32, #tpu.memory_space<vmem>> -> memref<512xf32, #tpu.memory_space<vmem>>
    %dma_wait3A_90 = arith.constant 0 : i32
    %dma_wait3A_91 = tpu.memref_slice %arg5[%dma_wait3A_90] : memref<425984xf32, #tpu.memory_space<hbm>> -> memref<512xf32, #tpu.memory_space<hbm>>
    %dma_wait3A_92 = tpu.memref_slice %arg12[%dma_wait3A_86] : memref<2x!tpu.dma_semaphore, #tpu.memory_space<semaphore_mem>> -> memref<1x!tpu.dma_semaphore, #tpu.memory_space<semaphore_mem>>
    %dma_wait3A_93 = tpu.memref_squeeze %dma_wait3A_92 : memref<1x!tpu.dma_semaphore, #tpu.memory_space<semaphore_mem>> -> memref<!tpu.dma_semaphore, #tpu.memory_space<semaphore_mem>>
    %dma_wait3A_94 = arith.constant 0 : i32
    %dma_wait3A_95 = tpu.memref_slice %arg5[%dma_wait3A_94] : memref<425984xf32, #tpu.memory_space<hbm>> -> memref<512xf32, #tpu.memory_space<hbm>>
    %dma_wait3A_96 = arith.constant 0 : i32
    %dma_wait3A_97 = tpu.memref_slice %arg9[%dma_wait3A_85, %dma_wait3A_96] : memref<2x512xf32, #tpu.memory_space<vmem>> -> memref<1x512xf32, #tpu.memory_space<vmem>>
    %dma_wait3A_98 = tpu.memref_squeeze %dma_wait3A_97 : memref<1x512xf32, #tpu.memory_space<vmem>> -> memref<512xf32, #tpu.memory_space<vmem>>
    tpu.wait_dma2 semaphore(%dma_wait3A_93 : memref<!tpu.dma_semaphore, #tpu.memory_space<semaphore_mem>>) src(%dma_wait3A_98 : memref<512xf32, #tpu.memory_space<vmem>>) dst(%dma_wait3A_95 : memref<512xf32, #tpu.memory_space<hbm>>)
    return
  }
}

module attributes {stable_mosaic.version = 14 : i64} {
  func.func @_gather_body(%arg0: i32, %arg1: memref<200xi32, #tpu.memory_space<smem>>, %arg2: memref<64x1000000xf32, #tpu.memory_space<hbm>>, %arg3: memref<64x1xf32, #tpu.memory_space<vmem>>, %arg4: memref<200x64x128xf32, #tpu.memory_space<vmem>>, %arg5: memref<!tpu.dma_semaphore, #tpu.memory_space<semaphore_mem>>) attributes {dimension_semantics = [#tpu.dimension_semantics<arbitrary>], iteration_bounds = array<i64: 1>, scalar_prefetch = 0 : i64, scratch_operands = 2 : i64, tpu.core_type = #tpu.core_type<tc>, window_params = [{transform_indices = @transform_0, window_bounds = array<i64: 200>}, {}, {pipeline_mode = #tpu.pipeline_mode<synchronous>, transform_indices = @transform_2, window_bounds = array<i64: 64, 1>}]} {
    %scan3A = arith.constant 0 : i32
    %scan3A_0 = arith.constant 200 : i32
    %scan3A_1 = arith.addi %scan3A, %scan3A_0 : i32
    %scan3A_2 = arith.constant 1 : i32
    scf.for %scan3A_20 = %scan3A to %scan3A_1 step %scan3A_2  : i32 {
      %get3A = arith.index_cast %scan3A_20 : i32 to index
      %get3A_21 = memref.load %arg1[%get3A] : memref<200xi32, #tpu.memory_space<smem>>
      %jit3A = arith.constant 128 : i32
      %div3A = arith.divsi %get3A_21, %jit3A : i32
      %sign3A = arith.constant 0 : i32
      %sign3A_22 = arith.cmpi sgt, %get3A_21, %sign3A : i32
      %sign3A_23 = arith.extui %sign3A_22 : i1 to i32
      %sign3A_24 = arith.constant 0 : i32
      %sign3A_25 = arith.cmpi slt, %get3A_21, %sign3A_24 : i32
      %sign3A_26 = arith.extui %sign3A_25 : i1 to i32
      %sign3A_27 = arith.subi %sign3A_23, %sign3A_26 : i32
      %sign3A_28 = arith.constant 0 : i32
      %sign3A_29 = arith.cmpi sgt, %jit3A, %sign3A_28 : i32
      %sign3A_30 = arith.extui %sign3A_29 : i1 to i32
      %sign3A_31 = arith.constant 0 : i32
      %sign3A_32 = arith.cmpi slt, %jit3A, %sign3A_31 : i32
      %sign3A_33 = arith.extui %sign3A_32 : i1 to i32
      %sign3A_34 = arith.subi %sign3A_30, %sign3A_33 : i32
      %ne3A = arith.cmpi ne, %sign3A_27, %sign3A_34 : i32
      %rem3A = arith.remsi %get3A_21, %jit3A : i32
      %ne3A_35 = arith.constant 0 : i32
      %ne3A_36 = arith.cmpi ne, %rem3A, %ne3A_35 : i32
      %and3A = arith.andi %ne3A, %ne3A_36 : i1
      %sub3A = arith.constant 1 : i32
      %sub3A_37 = arith.subi %div3A, %sub3A : i32
      %select_n3A = arith.select %and3A, %sub3A_37, %div3A : i32
      %mul3A = arith.constant 128 : i32
      %mul3A_38 = arith.muli %select_n3A, %mul3A : i32
      %dma_start3A = arith.constant 0 : i32
      %dma_start3A_39 = arith.constant 0 : i32
      %dma_start3A_40 = tpu.memref_slice %arg4[%scan3A_20, %dma_start3A, %dma_start3A_39] : memref<200x64x128xf32, #tpu.memory_space<vmem>> -> memref<1x64x128xf32, #tpu.memory_space<vmem>>
      %dma_start3A_41 = tpu.memref_squeeze %dma_start3A_40 : memref<1x64x128xf32, #tpu.memory_space<vmem>> -> memref<64x128xf32, #tpu.memory_space<vmem>>
      %dma_start3A_42 = arith.constant 0 : i32
      %dma_start3A_43 = tpu.memref_slice %arg2[%dma_start3A_42, %mul3A_38] : memref<64x1000000xf32, #tpu.memory_space<hbm>> -> memref<64x128xf32, #tpu.memory_space<hbm>>
      tpu.enqueue_dma source(%dma_start3A_43 : memref<64x128xf32, #tpu.memory_space<hbm>>) target(%dma_start3A_41 : memref<64x128xf32, #tpu.memory_space<vmem>>) target_semaphore(%arg5 : memref<!tpu.dma_semaphore, #tpu.memory_space<semaphore_mem>>)
    }
    %scan3A_3 = arith.constant 200 : i32
    %scan3A_4 = arith.constant 0 : i32
    %scan3A_5 = arith.constant 200 : i32
    %scan3A_6 = arith.addi %scan3A_4, %scan3A_5 : i32
    %scan3A_7 = arith.constant 1 : i32
    scf.for %scan3A_20 = %scan3A_4 to %scan3A_6 step %scan3A_7  : i32 {
      %dma_wait3A = arith.constant 0 : i32
      %dma_wait3A_21 = arith.constant 0 : i32
      %dma_wait3A_22 = tpu.memref_slice %arg4[%scan3A_20, %dma_wait3A, %dma_wait3A_21] : memref<200x64x128xf32, #tpu.memory_space<vmem>> -> memref<1x64x128xf32, #tpu.memory_space<vmem>>
      %dma_wait3A_23 = tpu.memref_squeeze %dma_wait3A_22 : memref<1x64x128xf32, #tpu.memory_space<vmem>> -> memref<64x128xf32, #tpu.memory_space<vmem>>
      %dma_wait3A_24 = arith.constant 0 : i32
      %dma_wait3A_25 = arith.constant 0 : i32
      %dma_wait3A_26 = tpu.memref_slice %arg2[%dma_wait3A_24, %dma_wait3A_25] : memref<64x1000000xf32, #tpu.memory_space<hbm>> -> memref<64x128xf32, #tpu.memory_space<hbm>>
      tpu.wait_dma2 semaphore(%arg5 : memref<!tpu.dma_semaphore, #tpu.memory_space<semaphore_mem>>) src(%dma_wait3A_26 : memref<64x128xf32, #tpu.memory_space<hbm>>) dst(%dma_wait3A_23 : memref<64x128xf32, #tpu.memory_space<vmem>>)
    }
    %scan3A_8 = arith.constant 200 : i32
    %iota3A = tpu.iota {dimensions = array<i32: 1>} : vector<64x128xi32>
    %broadcast_in_dim3A = arith.constant 0.000000e+00 : f32
    %broadcast_in_dim3A_9 = vector.broadcast %broadcast_in_dim3A : f32 to vector<64x128xf32>
    %scan3A_10 = arith.constant 0 : i32
    %scan3A_11 = arith.constant 200 : i32
    %scan3A_12 = arith.addi %scan3A_10, %scan3A_11 : i32
    %scan3A_13 = arith.constant 1 : i32
    %scan3A_14 = scf.for %scan3A_20 = %scan3A_10 to %scan3A_12 step %scan3A_13 iter_args(%scan3A_21 = %broadcast_in_dim3A_9) -> (vector<64x128xf32>)  : i32 {
      %get3A = arith.index_cast %scan3A_20 : i32 to index
      %get3A_22 = memref.load %arg1[%get3A] : memref<200xi32, #tpu.memory_space<smem>>
      %jit3A = arith.constant 128 : i32
      %eq3A = arith.constant 0 : i32
      %eq3A_23 = arith.cmpi eq, %jit3A, %eq3A : i32
      %jit3A_24 = arith.constant 1 : i32
      %select_n3A = arith.select %eq3A_23, %jit3A_24, %jit3A : i32
      %rem3A = arith.remsi %get3A_22, %select_n3A : i32
      %ne3A = arith.constant 0 : i32
      %ne3A_25 = arith.cmpi ne, %rem3A, %ne3A : i32
      %lt3A = arith.constant 0 : i32
      %lt3A_26 = arith.cmpi slt, %rem3A, %lt3A : i32
      %lt3A_27 = arith.constant 0 : i32
      %lt3A_28 = arith.cmpi slt, %select_n3A, %lt3A_27 : i32
      %ne3A_29 = arith.xori %lt3A_26, %lt3A_28 : i1
      %and3A = arith.andi %ne3A_29, %ne3A_25 : i1
      %add3A = arith.addi %rem3A, %select_n3A : i32
      %select_n3A_30 = arith.select %and3A, %add3A, %rem3A : i32
      %eq3A_31 = vector.broadcast %select_n3A_30 : i32 to vector<64x128xi32>
      %eq3A_32 = arith.cmpi eq, %iota3A, %eq3A_31 : vector<64x128xi32>
      %get3A_33 = arith.index_cast %scan3A_20 : i32 to index
      %get3A_34 = arith.constant 0 : index
      %get3A_35 = arith.constant 0 : index
      %get3A_36 = vector.load %arg4[%get3A_33, %get3A_34, %get3A_35] : memref<200x64x128xf32, #tpu.memory_space<vmem>>, vector<1x64x128xf32>
      %get3A_37 = vector.shape_cast %get3A_36 : vector<1x64x128xf32> to vector<64x128xf32>
      %jit3A_38 = arith.constant 0.000000e+00 : f32
      %broadcast_in_dim3A_39 = vector.broadcast %jit3A_38 : f32 to vector<64x128xf32>
      %select_n3A_40 = arith.select %eq3A_32, %get3A_37, %broadcast_in_dim3A_39 : vector<64x128xi1>, vector<64x128xf32>
      %add3A_41 = arith.addf %scan3A_21, %select_n3A_40 : vector<64x128xf32>
      scf.yield %add3A_41 : vector<64x128xf32>
    }
    %scan3A_15 = arith.constant 200 : i32
    %reduce_sum3A = arith.constant dense<0.000000e+00> : vector<64xf32>
    %reduce_sum3A_16 = vector.multi_reduction <add>, %scan3A_14, %reduce_sum3A [1] : vector<64x128xf32> to vector<64xf32>
    %broadcast_in_dim3A_17 = vector.shape_cast %reduce_sum3A_16 : vector<64xf32> to vector<64x1xf32>
    %swap3A = arith.constant 0 : index
    %swap3A_18 = arith.constant 0 : index
    %swap3A_19 = vector.load %arg3[%swap3A, %swap3A_18] : memref<64x1xf32, #tpu.memory_space<vmem>>, vector<64x1xf32>
    tpu.vector_store %arg3[%swap3A, %swap3A_18], %broadcast_in_dim3A_17 {strides = array<i32>} : memref<64x1xf32, #tpu.memory_space<vmem>>, vector<64x1xf32>,
    return
  }
  func.func @transform_0(%arg0: i32) -> i32 {
    %c0_i32 = arith.constant 0 : i32
    %c0_i32_0 = arith.constant 0 : i32
    return %c0_i32 : i32
  }
  func.func @transform_2(%arg0: i32) -> (i32, i32) {
    %c0_i32 = arith.constant 0 : i32
    %c0_i32_0 = arith.constant 0 : i32
    %c0_i32_1 = arith.constant 0 : i32
    return %c0_i32, %c0_i32_0 : i32, i32
  }
}

module attributes {stable_mosaic.version = 14 : i64} {
  func.func @_tc_body(%arg0: i32, %arg1: memref<64x1xf32, #tpu.memory_space<vmem>>, %arg2: memref<64x16384xf32, #tpu.memory_space<vmem>>, %arg3: memref<64x576xf32, #tpu.memory_space<vmem>>, %arg4: memref<1000000xf32, #tpu.memory_space<hbm>>, %arg5: memref<1x16384xf32, #tpu.memory_space<vmem>>, %arg6: memref<1x576xf32, #tpu.memory_space<vmem>>, %arg7: memref<573440xf32, #tpu.memory_space<vmem>>, %arg8: memref<576xf32, #tpu.memory_space<vmem>>, %arg9: memref<!tpu.dma_semaphore, #tpu.memory_space<semaphore_mem>>) attributes {dimension_semantics = [#tpu.dimension_semantics<arbitrary>], iteration_bounds = array<i64: 35>, scalar_prefetch = 0 : i64, scratch_operands = 3 : i64, tpu.core_type = #tpu.core_type<tc>, window_params = [{pipeline_mode = #tpu.pipeline_mode<synchronous>, transform_indices = @transform_0, window_bounds = array<i64: 64, 1>}, {transform_indices = @transform_1, window_bounds = array<i64: 64, 16384>}, {pipeline_mode = #tpu.pipeline_mode<synchronous>, transform_indices = @transform_2, window_bounds = array<i64: 64, 576>}, {}, {transform_indices = @transform_4, window_bounds = array<i64: 1, 16384>}, {pipeline_mode = #tpu.pipeline_mode<synchronous>, transform_indices = @transform_5, window_bounds = array<i64: 1, 576>}]} {
    %eq3A = arith.constant 0 : i32
    %eq3A_0 = arith.cmpi eq, %arg0, %eq3A : i32
    %convert_element_type3A = arith.extui %eq3A_0 : i1 to i32
    %cond3A = arith.constant 0 : i32
    %cond3A_1 = arith.cmpi ne, %convert_element_type3A, %cond3A : i32
    scf.if %cond3A_1 {
      %dma_start3A = arith.constant 0 : i32
      %dma_start3A_18 = tpu.memref_slice %arg4[%dma_start3A] : memref<1000000xf32, #tpu.memory_space<hbm>> -> memref<573440xf32, #tpu.memory_space<hbm>>
      tpu.enqueue_dma source(%dma_start3A_18 : memref<573440xf32, #tpu.memory_space<hbm>>) target(%arg7 : memref<573440xf32, #tpu.memory_space<vmem>>) target_semaphore(%arg9 : memref<!tpu.dma_semaphore, #tpu.memory_space<semaphore_mem>>)
      %dma_start3A_19 = arith.constant 999424 : i32
      %dma_start3A_20 = tpu.memref_slice %arg4[%dma_start3A_19] : memref<1000000xf32, #tpu.memory_space<hbm>> -> memref<576xf32, #tpu.memory_space<hbm>>
      tpu.enqueue_dma source(%dma_start3A_20 : memref<576xf32, #tpu.memory_space<hbm>>) target(%arg8 : memref<576xf32, #tpu.memory_space<vmem>>) target_semaphore(%arg9 : memref<!tpu.dma_semaphore, #tpu.memory_space<semaphore_mem>>)
      %dma_wait3A = arith.constant 0 : i32
      %dma_wait3A_21 = tpu.memref_slice %arg4[%dma_wait3A] : memref<1000000xf32, #tpu.memory_space<hbm>> -> memref<573440xf32, #tpu.memory_space<hbm>>
      tpu.wait_dma2 semaphore(%arg9 : memref<!tpu.dma_semaphore, #tpu.memory_space<semaphore_mem>>) src(%dma_wait3A_21 : memref<573440xf32, #tpu.memory_space<hbm>>) dst(%arg7 : memref<573440xf32, #tpu.memory_space<vmem>>)
      %dma_wait3A_22 = arith.constant 999424 : i32
      %dma_wait3A_23 = tpu.memref_slice %arg4[%dma_wait3A_22] : memref<1000000xf32, #tpu.memory_space<hbm>> -> memref<576xf32, #tpu.memory_space<hbm>>
      tpu.wait_dma2 semaphore(%arg9 : memref<!tpu.dma_semaphore, #tpu.memory_space<semaphore_mem>>) src(%dma_wait3A_23 : memref<576xf32, #tpu.memory_space<hbm>>) dst(%arg8 : memref<576xf32, #tpu.memory_space<vmem>>)
    } else {
    }
    %get3A = arith.constant 0 : index
    %get3A_2 = arith.constant 0 : index
    %get3A_3 = vector.load %arg1[%get3A, %get3A_2] : memref<64x1xf32, #tpu.memory_space<vmem>>, vector<64x1xf32>
    %mul3A = arith.constant 16384 : i32
    %mul3A_4 = arith.muli %arg0, %mul3A : i32
    %get3A_5 = arith.index_cast %mul3A_4 : i32 to index
    %get3A_6 = vector.load %arg7[%get3A_5] : memref<573440xf32, #tpu.memory_space<vmem>>, vector<16384xf32>
    %reshape3A = vector.shape_cast %get3A_6 : vector<16384xf32> to vector<1x16384xf32>
    %get3A_7 = arith.constant 0 : index
    %get3A_8 = arith.constant 0 : index
    %get3A_9 = vector.load %arg2[%get3A_7, %get3A_8] : memref<64x16384xf32, #tpu.memory_space<vmem>>, vector<64x16384xf32>
    %dot_general3A = arith.constant dense<0.000000e+00> : vector<1x16384xf32>
    %dot_general3A_10 = tpu.matmul %get3A_3, %get3A_9, %dot_general3A {dimension_numbers = #tpu.dot_dimension_numbers<[0], [0], [1], [1], [0, 1, 1, 1], [], []>, transpose_lhs_hint = false} : vector<64x1xf32>, vector<64x16384xf32>, vector<1x16384xf32> -> vector<1x16384xf32>
    %add3A = arith.addf %dot_general3A_10, %reshape3A : vector<1x16384xf32>
    %swap3A = arith.constant 0 : index
    %swap3A_11 = arith.constant 0 : index
    %swap3A_12 = vector.load %arg5[%swap3A, %swap3A_11] : memref<1x16384xf32, #tpu.memory_space<vmem>>, vector<1x16384xf32>
    tpu.vector_store %arg5[%swap3A, %swap3A_11], %add3A {strides = array<i32>} : memref<1x16384xf32, #tpu.memory_space<vmem>>, vector<1x16384xf32>,
    %eq3A_13 = arith.constant 34 : i32
    %eq3A_14 = arith.cmpi eq, %arg0, %eq3A_13 : i32
    %convert_element_type3A_15 = arith.extui %eq3A_14 : i1 to i32
    %cond3A_16 = arith.constant 0 : i32
    %cond3A_17 = arith.cmpi ne, %convert_element_type3A_15, %cond3A_16 : i32
    scf.if %cond3A_17 {
      %get3A_18 = arith.constant 0 : index
      %get3A_19 = arith.constant 0 : index
      %get3A_20 = vector.load %arg3[%get3A_18, %get3A_19] : memref<64x576xf32, #tpu.memory_space<vmem>>, vector<64x576xf32>
      %dot_general3A_21 = arith.constant dense<0.000000e+00> : vector<1x576xf32>
      %dot_general3A_22 = tpu.matmul %get3A_3, %get3A_20, %dot_general3A_21 {dimension_numbers = #tpu.dot_dimension_numbers<[0], [0], [1], [1], [0, 1, 1, 1], [], []>, transpose_lhs_hint = false} : vector<64x1xf32>, vector<64x576xf32>, vector<1x576xf32> -> vector<1x576xf32>
      %get3A_23 = arith.constant 0 : index
      %get3A_24 = vector.load %arg8[%get3A_23] : memref<576xf32, #tpu.memory_space<vmem>>, vector<576xf32>
      %reshape3A_25 = vector.shape_cast %get3A_24 : vector<576xf32> to vector<1x576xf32>
      %add3A_26 = arith.addf %dot_general3A_22, %reshape3A_25 : vector<1x576xf32>
      %swap3A_27 = arith.constant 0 : index
      %swap3A_28 = arith.constant 0 : index
      %swap3A_29 = vector.load %arg6[%swap3A_27, %swap3A_28] : memref<1x576xf32, #tpu.memory_space<vmem>>, vector<1x576xf32>
      tpu.vector_store %arg6[%swap3A_27, %swap3A_28], %add3A_26 {strides = array<i32>} : memref<1x576xf32, #tpu.memory_space<vmem>>, vector<1x576xf32>,
    } else {
    }
    return
  }
  func.func @transform_0(%arg0: i32) -> (i32, i32) {
    %c0_i32 = arith.constant 0 : i32
    %c0_i32_0 = arith.constant 0 : i32
    %c0_i32_1 = arith.constant 0 : i32
    return %c0_i32, %c0_i32_0 : i32, i32
  }
  func.func @transform_1(%arg0: i32) -> (i32, i32) {
    %c0_i32 = arith.constant 0 : i32
    %c0_i32_0 = arith.constant 0 : i32
    return %c0_i32, %arg0 : i32, i32
  }
  func.func @transform_2(%arg0: i32) -> (i32, i32) {
    %c0_i32 = arith.constant 0 : i32
    %c0_i32_0 = arith.constant 0 : i32
    %c0_i32_1 = arith.constant 0 : i32
    return %c0_i32, %c0_i32_0 : i32, i32
  }
  func.func @transform_4(%arg0: i32) -> (i32, i32) {
    %c0_i32 = arith.constant 0 : i32
    %c0_i32_0 = arith.constant 0 : i32
    return %c0_i32, %arg0 : i32, i32
  }
  func.func @transform_5(%arg0: i32) -> (i32, i32) {
    %c0_i32 = arith.constant 0 : i32
    %c0_i32_0 = arith.constant 0 : i32
    %c0_i32_1 = arith.constant 0 : i32
    return %c0_i32, %c0_i32_0 : i32, i32
  }
}

</mosaic_0001>

<sc_bundles>
// kernel: kernel.5.cloned.1.call-start
scs
__scs_entry_jumppad:
0x0: {  	(pc) =	sbr.rel $0x88, $3  }
0x1: {  	(tag) =	ssettag $0x0;
	lr =	simm.s32 $0x1  }
0x2: {  	[smem:$0x3F9D] =	sst lr;
	_ =	strace $0xD0000000  }
0x3: {  	_ = 	snop  }
0x4: {  	_ = 	snop  }
0x5: {  	_ = 	snop  }
0x6: {  	_ = 	snop  }
0x7: {  	_ = 	snop  }
__scs_overlays_trampoline_lowered:
0x8: {  	[smem:$0x3FAC] =	sst s0  }
0x9: {  	[smem:$0x3FAD] =	sst s1  }
0xa: {  	[smem:$0x3FAE] =	sst s2  }
0xb: {  	[smem:$0x3FAF] =	sst s3  }
0xc: {  	[smem:$0x3FB0] =	sst s4  }
0xd: {  	[smem:$0x3FB1] =	sst s5  }
0xe: {  	[smem:$0x3FB2] =	sst s6  }
0xf: {  	[smem:$0x3FB3] =	sst s7  }
0x10: {  	[smem:$0x3FB4] =	sst s8  }
0x11: {  	[smem:$0x3FB5] =	sst s9;
	s0 =	simm.s32 @!p0 $0x0  }
0x12: {  	s1 =	sld [smem:$0x3F9B];
	s0 =	simm.s32 @p0 $0x1  }
0x13: {  	[smem:$0x3FB6] =	sst s0;
	s0 =	simm.s32 @!p1 $0x0  }
0x14: {  	s2 =	sld [smem:$0x3F9A];
	s0 =	simm.s32 @p1 $0x1  }
0x15: {  	[smem:$0x3FB7] =	sst s0;
	s0 =	simm.s32 @!p2 $0x0  }
0x16: {  	s3 =	sld [smem:$0x3FDB];
	s0 =	simm.s32 @p2 $0x1  }
0x17: {  	s4 =	simm.s32 $0x1BF5;
	[smem:$0x3FB9] =	sst s0  }
0x18: {  	s0 =	sld [smem:$0x3F9C];
	_ =	swait.ge [sflag:s4], $0x0  }
0x19: {  	s7 =	sld [smem:$0x3F9D]  }
0x1a: {  	s8 =	sadd.s32 $0xFFFFE003, lr  }
0x1b: {  	s9 =	sadd.s32 $0xFFFFFEF7, lr;
	s5 =	simm.s32 $0xFFFFFFFF;
	p2 =	slt.u32 s8, $0xFFFFF086  }
0x1c: {  	p1 =	slt.u32 s9, $0xF7A;
	s5 =	simm.s32 @!p2 $0x0  }
0x1d: {  	s5 =	simm.s32 @p1 $0x1;
	p0 =	seq.s32 s7, s2  }
0x1e: {  	s7 =	smul.u32 @!p0 $0xF7A, s2;
	p2 =	seq.s32 @!p0 s5, $0x0  }
0x1f: {  	s9 =	smul.u32 $0xF7A, s1;
	s8 =	simm.s32 @!p0 $0x1BF5;
	p2 =	por !p2, p0  }
0x20: {  	[sflag:s8] =	ssyncset.s32 @!p0 $0xFFFFF086;
	s6 =	sadd.s32 @!p0 s3, s7;
	s7 =	simm.s32 @!p0 $0x108  }
0x21: {  	s3 =	sadd.s32 s3, s9;
	s6 =	sadd.s32 @!p0 $0x88, s6;
	s7 =	simm.s32 @p2 $0x1082  }
0x22: {  	[simem:s7], [sflag:s8] =	dma.local @!p0 [hbm:s6], $0xF7A  }
0x23: {  	s9 =	sor.u32 $0xD0000000, s2;
	s6 =	simm.s32 $0x108;
	_ =	swait.ge @!p0 [sflag:s8], $0x0  }
0x24: {  	s3 =	sadd.s32 $0x88, s3;
	s6 =	simm.s32 @!p1 $0x1082;
	[sflag:s4] =	ssyncset.s32 $0xFFFFF086  }
0x25: {  	[simem:s6], [sflag:s4] =	dma.local [hbm:s3], $0xF7A  }
0x26: {  	[smem:$0x3F9D] =	sst s1;
	(tag) =	ssettag s2;
	_ =	strace s9  }
0x27: {  	s1 =	sld [smem:$0x3FAD]  }
0x28: {  	s2 =	sld [smem:$0x3FAE]  }
0x29: {  	s4 =	sld [smem:$0x3FB0]  }
0x2a: {  	p0 =	seq.s32 s5, $0x0;
	s5 =	sld [smem:$0x3FB1]  }
0x2b: {  	s6 =	sld [smem:$0x3FB2]  }
0x2c: {  	s7 =	sld [smem:$0x3FB3]  }
0x2d: {  	s3 =	simm.s32 $0x108;
	s8 =	sld [smem:$0x3FB4]  }
0x2e: {  	s3 =	simm.s32 @!p0 $0x1082;
	s9 =	sld [smem:$0x3FB5]  }
0x2f: {  	lr =	sadd.s32 s0, s3;
	s0 =	sld [smem:$0x3FAC]  }
0x30: {  	s3 =	sld [smem:$0x3FAF]  }
0x31: {  	[smem:$0x3FB8] =	sst s10  }
0x32: {  	s10 =	sld [smem:$0x3FB6];
	_ =	sdelay $0x3  }
0x33: {  	p0 =	seq.s32 s10, $0x1;
	s10 =	sld [smem:$0x3FB8];
	_ =	sdelay $0x3  }
0x34: {  	[smem:$0x3FB8] =	sst s10  }
0x35: {  	s10 =	sld [smem:$0x3FB7];
	_ =	sdelay $0x3  }
0x36: {  	p1 =	seq.s32 s10, $0x1;
	s10 =	sld [smem:$0x3FB8];
	_ =	sdelay $0x3  }
0x37: {  	[smem:$0x3FB8] =	sst s10  }
0x38: {  	s10 =	sld [smem:$0x3FB9]  }
0x39: {  	_ = 	snop;
	(pc) =	sbr.ind lr, $3  }
0x3a: {  	_ = 	snop  }
0x3b: {  	_ = 	snop  }
0x3c: {  	p2 =	seq.s32 s10, $0x1;
	s10 =	sld [smem:$0x3FB8]  }
0x3d: {  	_ =	shalt  }
0x3e: {  	_ =	shalt  }
0x3f: {  	_ =	shalt  }
0x40: {  	_ =	shalt  }
0x41: {  	_ =	shalt  }
0x42: {  	_ =	shalt  }
0x43: {  	_ =	shalt  }
0x44: {  	_ =	shalt  }
0x45: {  	_ =	shalt  }
0x46: {  	_ =	shalt  }
0x47: {  	_ =	shalt  }
0x48: {  	_ =	shalt  }
0x49: {  	_ =	shalt  }
0x4a: {  	_ =	shalt  }
0x4b: {  	_ =	shalt  }
0x4c: {  	_ =	shalt  }
0x4d: {  	_ =	shalt  }
0x4e: {  	_ =	shalt  }
0x4f: {  	_ =	shalt  }
0x50: {  	_ =	shalt  }
0x51: {  	_ =	shalt  }
0x52: {  	_ =	shalt  }
0x53: {  	_ =	shalt  }
0x54: {  	_ =	shalt  }
0x55: {  	_ =	shalt  }
0x56: {  	_ =	shalt  }
0x57: {  	_ =	shalt  }
0x58: {  	_ =	shalt  }
0x59: {  	_ =	shalt  }
0x5a: {  	_ =	shalt  }
0x5b: {  	_ =	shalt  }
0x5c: {  	_ =	shalt  }
0x5d: {  	_ =	shalt  }
0x5e: {  	_ =	shalt  }
0x5f: {  	_ =	shalt  }
0x60: {  	_ =	shalt  }
0x61: {  	_ =	shalt  }
0x62: {  	_ =	shalt  }
0x63: {  	_ =	shalt  }
0x64: {  	_ =	shalt  }
0x65: {  	_ =	shalt  }
0x66: {  	_ =	shalt  }
0x67: {  	_ =	shalt  }
0x68: {  	_ =	shalt  }
0x69: {  	_ =	shalt  }
0x6a: {  	_ =	shalt  }
0x6b: {  	_ =	shalt  }
0x6c: {  	_ =	shalt  }
0x6d: {  	_ =	shalt  }
0x6e: {  	_ =	shalt  }
0x6f: {  	_ =	shalt  }
0x70: {  	_ =	shalt  }
0x71: {  	_ =	shalt  }
0x72: {  	_ =	shalt  }
0x73: {  	_ =	shalt  }
0x74: {  	_ =	shalt  }
0x75: {  	_ =	shalt  }
0x76: {  	_ =	shalt  }
0x77: {  	_ =	shalt  }
0x78: {  	_ =	shalt  }
0x79: {  	_ =	shalt  }
0x7a: {  	_ =	shalt  }
0x7b: {  	_ =	shalt  }
0x7c: {  	_ =	shalt  }
0x7d: {  	_ =	shalt  }
0x7e: {  	_ =	shalt  }
0x7f: {  	_ =	shalt  }
0x80: {  	_ =	shalt  }
0x81: {  	_ =	shalt  }
0x82: {  	_ =	shalt  }
0x83: {  	_ =	shalt  }
0x84: {  	_ =	shalt  }
0x85: {  	_ =	shalt  }
0x86: {  	_ =	shalt  }
0x87: {  	_ =	shalt  }
.Lfunc_end0:
.L_simem_size_0:
called_computation_lowered:
.L_overlay_start_0:
0x88: {  	s2 =	sld [smem:$0x3FD9]  }
0x89: {  	s3 =	sld [smem:$0x3FFE];
	_ =	sdelay $0x1  }
0x8a: {  	s1 =	srdreg.scid  }
0x8b: {  	s0 =	sand.u32 $0x1, s1  }
0x8c: {  	s17 =	sshll.u32 s0, $0xA;
	s2 =	sadd.s32 s3, s2  }
0x8d: {  	s2 =	sadd.s32 s2, s17  }
0x8e: {  	[smem:$0x3FC4] =	sst s2  }
0x8f: {  	_ = 	snop  }
0x90: {  	s2 =	sld [smem:$0x3FC7]  }
0x91: {  	s18 =	sld [smem:$0x3FC6];
	(tm) =	ssettm $0x1  }
0x92: {  	s4 =	sld [smem:$0x3FFB];
	_ =	sdelay $0x3  }
0x93: {  	_ =	strace s4  }
0x94: {  	s4 =	sld [smem:$0x3FFC];
	_ =	sdelay $0x3  }
0x95: {  	_ =	strace s4  }
0x96: {  	s4 =	sld [smem:$0x3FFD];
	_ =	sdelay $0x3  }
0x97: {  	_ =	strace s4  }
0x98: {  	_ =	strace $0x8FFFFFFF  }
0x99: {  	s19 =	sld [smem:$0x3FDB];
	_ =	sdelay $0x1  }
0x9a: {  	s5 =	simm.s32 $_scs_section_size  }
0x9b: {  	s6 =	simm.s32 $_size__tile_overlayer_lowered;
	s7 =	simm.s32 $_tile_overlayer_lowered  }
0x9c: {  	s22 =	simm.s32 $0x1BFF;
	s21 =	sshll.u32 s7, $0x1;
	s4 =	sadd.s32 s5, s19  }
0x9d: {  	s8 =	simm.s32 $0x0;
	s20 =	sshll.u32 s6, $0x1;
	s6 =	sadd.s32 s21, s4  }
0x9e: {  	[timem:s8], [sflag:s22] =	dma.local [hbm:s6], s20  }
0x9f: {  	_ =	swait.ge [sflag:s22], s20  }
0xa0: {  	s5 =	ssub.s32 $0x0, s20;
	[sflag:s22] =	ssyncset.done $0x0  }
0xa1: {  	[sflag:s22] =	ssyncadd.s32 s5;
	_ =	sdelay $0x1  }
0xa2: {  	s23 =	simm.s32 $0x1B8B  }
0xa3: {  	_ =	swait.ge [sflag:s23], $0x1  }
0xa4: {  	[sflag:s23] =	ssyncset.done $0x0  }
0xa5: {  	s25 =	simm.s32 $0x1B8E;
	s24 =	sld [smem:$0x3FFE];
	[sflag:s23] =	ssyncadd.s32 $0xFFFFFFFF  }
0xa6: {  	s26 =	simm.s32 $execute0_lowered;
	[smem:$0x3FD2] =	sst s25  }
0xa7: {  	s6 =	sshll.u32 s26, $0x1;
	_ =	strace $0x80000046;
	[dreg:$0x1] =	wrdreg $0xFFFFFFFF  }
0xa8: {  	s28 =	simm.s32 $_size_execute0_lowered;
	s4 =	sadd.s32 s4, s6;
	[dreg:$0x0] =	wrdreg $0x0  }
0xa9: {  	s6 =	sshll.u32 s28, $0x1;
	[dreg:$0x2] =	wrdreg s4  }
0xaa: {  	[dreg:$0x3] =	wrdreg s6  }
0xab: {  	[dreg:$0x4] =	wrdreg $0xC0  }
0xac: {  	_ =	task [dreg:s8], $0x5FFFF  }
0xad: {  	[dreg:$0x1] =	wrdreg $0xFFFFFFFF  }
0xae: {  	[dreg:$0x0] =	wrdreg $0x60  }
0xaf: {  	[dreg:$0x2] =	wrdreg s24  }
0xb0: {  	[dreg:$0x3] =	wrdreg s2  }
0xb1: {  	[dreg:$0x4] =	wrdreg s18  }
0xb2: {  	[dreg:$0x5] =	wrdreg $0x9  }
0xb3: {  	_ =	task.clear_ibuf [dreg:s8], $0x6FFFF;
	_ =	strace $0x90000046  }
0xb4: {  	s29 =	simm.s32 $0x9;
	_ =	strace $0x80000048  }
0xb5: {  	_ =	swait.ge [sflag:s29], $0x1  }
0xb6: {  	[sflag:s29] =	ssyncadd.s32 $0xFFFFFFFF  }
0xb7: {  	_ =	strace $0x90000048  }
0xb8: {  	_ =	sfence  }
0xb9: {  	s30 =	sld [smem:$0x0];
	_ =	sdelay $0x2  }
0xba: {  	s31 =	sshll.u32 s1, $0xD;
	s1 =	sshrl.u32 s1, $0x2  }
0xbb: {  	s3 =	sand.u32 $0x4000, s31;
	s1 =	sadd.s32 s1, s30  }
0xbc: {  	s0 =	sor.u32 s3, s0;
	s1 =	sshll.u32 s1, $0x11  }
0xbd: {  	s0 =	sor.u32 s1, s0  }
0xbe: {  	s0 =	sadd.s32 $0x8F2B, s0  }
0xbf: {  	[sflag:s0] =	ssyncadd.remote.s32 $0x1  }
0xc0: {  	_ =	sfence.sel $0xFFFF  }
0xc1: {  	[dreg:$0x0] =	wrdreg $0xFFFFFFFF;
	(pc) =	sbr.abs _section_cstart, $3  }
0xc2: {  	[dreg:$0x1] =	wrdreg $0xFFFFFFFF  }
0xc3: {  	_ =	task.clear_ibuf [dreg:s8], $0x2FFFF;
	_ =	strace $0x9FFFFFFF  }
0xc4: {  	(tm) =	ssettm $0x7FFFFFFF  }
0xc5: {  	_ =	shalt  }
tec
execute0_lowered:
.L_overlay_start_1:
0x0: {  	(tag) =	ssettag $0x1  }
0x1: {  	s0 =	rddreg [dreg:$0x0]  }
0x2: {  	s2 =	rddreg [dreg:$0x1]  }
0x3: {  	s1 =	srdreg.scid;
	s4 =	stileid.u32  }
0x4: {  	s3 =	rddreg [dreg:$0x2];
	s17 =	simm.s32 $0x1000;
	s18 =	simm.s32 $0x7A1400  }
0x5: {  	s19 =	simm.s32 $0x3;
	s20 =	simm.s32 $0x12400;
	s10 =	simm.s32 $0x12480  }
0x6: {  	s15 =	simm.s32 $0x12580;
	s16 =	simm.s32 $0x0;
	s1 =	sand.u32 $0x1, s1  }
0x7: {  	s5 =	sshll.u32 s4, $0x1;
	s4 =	simm.s32 $0x0;
	s6 =	sadd.s32 $0xA00, s0  }
0x8: {  	s7 =	sadd.s32 $0xE00, s0;
	s5 =	sor.u32 s1, s5;
	[smem:$0x7FF] =	sst s4  }
0x9: {  	s1 =	ssub.s32 $0x2, s1;
	s5 =	smul.u32 $0x3400, s5;
	_ =	strace $0x80000047  }
0xa: {  	[dreg:$0x4] =	wrdreg s6;
	s21 =	sshrl.u32 s1, $0x1;
	s6 =	simm.s32 $0x2  }
0xb: {  	s22 =	ssub.s32 s1, s21;
	s21 =	simm.s32 $0x12680;
	s23 =	sadd.s32 $0x8C000, s5  }
0xc: {  	s25 =	sadd.s32 $0x8C200, s5;
	s12 =	sadd.s32 $0x8C400, s5;
	s13 =	sor.u32 $0x200, s5  }
0xd: {  	s14 =	sadd.s32 $0x8C600, s5;
	s0 =	smax.u32 s22, $0x1;
	s22 =	simm.s32 $0x12500  }
0xe: {  	s24 =	sadd.s32 s2, s23;
	s1 =	sshrl.u32 s23, $0x3;
	[dreg:$0x9] =	wrdreg s0  }
0xf: {  	s26 =	sadd.s32 s2, s25;
	s28 =	sshrl.u32 s25, $0x3;
	[dreg:$0x5] =	wrdreg s24  }
0x10: {  	s8 =	sadd.s32 s3, s1;
	[dreg:$0x7] =	wrdreg s26;
	s1 =	sadd.s32 s3, s28  }
.Ltmp0:
0x11: {  	s0 =	simm.s32 $0x1;
	[dreg:$0x8] =	wrdreg s1;
	(pc) =	sbr.rel .LBB2_1-.Ltmp0, $4  }
0x12: {  	s23 =	simm.s32 $0x12780;
	s29 =	sadd.s32 $0x10, s8;
	[dreg:$0x6] =	wrdreg s8  }
0x13: {  	s24 =	simm.s32 $0x12600;
	s30 =	sadd.s32 $0x20, s8;
	[dreg:$0xa] =	wrdreg s29  }
0x14: {  	s26 =	simm.s32 $0x12700;
	s31 =	sadd.s32 $0x30, s8;
	[dreg:$0xb] =	wrdreg s30  }
0x15: {  	s1 =	simm.s32 $0x12380;
	s8 =	simm.s32 $0x4;
	[dreg:$0xc] =	wrdreg s31  }
.LBB2_8:
0x16: {  	s9 =	simm.s32 $0x5  }
0x17: {  	_ =	swait.ge [sflag:s9], $0x200  }
0x18: {  	[sflag:s9] =	ssyncset.done $0x0  }
0x19: {  	s11 =	simm.s32 $0x6;
	[sflag:s9] =	ssyncadd.s32 $0xFFFFFE00  }
0x1a: {  	_ =	swait.ge [sflag:s11], $0x200  }
0x1b: {  	s16 =	rddreg [dreg:$0xd]  }
0x1c: {  	s31 =	rddreg [dreg:$0x9];
	s16 =	sadd.s32 $0x1, s16  }
0x1d: {  	p0 =	sne.s32 s16, s31  }
.Ltmp1:
0x1e: {  	_ = 	snop;
	(pc) =	sbr.rel @!p0 .LBB2_9-.Ltmp1, $3  }
0x1f: {  	_ =	sdelay $0x1  }
0x20: {  	[sflag:s11] =	ssyncset.done $0x0  }
0x21: {  	[sflag:s11] =	ssyncadd.s32 $0xFFFFFE00  }
.LBB2_1:
0x22: {  	[dreg:$0xd] =	wrdreg s16  }
0x23: {  	s9 =	rddreg [dreg:$0x4];
	s16 =	simm.s32 $0x7  }
0x24: {  	[tilespmem:s4], [sflag:$0x7] =	stream.linear.gather [hbm4b:s9+s4], $0x2000, $0x38;
	[tilespmem:$0x12800] =	vst v63  }
0x25: {  	_ =	swait.ge [sflag:s16], $0x2000  }
0x26: {  	[sflag:s16] =	ssyncset.done $0x0  }
0x27: {  	s11 =	simm.s32 $0x2000;
	s25 =	rddreg [dreg:$0x5];
	[sflag:s16] =	ssyncadd.s32 $0xFFFFE000  }
0x28: {  	[tilespmem:s11], [sflag:$0x1] =	stream.strided.gather [hbm4b:s25+s17], $0x8000, s18, s17, $0x38;
	[tilespmem:$0x12800] =	vst v63  }
0x29: {  	s29 =	simm.s32 $0x12000;
	s28 =	rddreg [dreg:$0x6]  }
0x2a: {  	[tilespmem:s29], [sflag:$0x3] =	stream.linear.gather [hbm4b:s28+s4], $0x80, $0x38;
	[tilespmem:$0x12800] =	vst v63  }
0x2b: {  	s31 =	simm.s32 $0x12100;
	s30 =	rddreg [dreg:$0xa]  }
0x2c: {  	[tilespmem:s31], [sflag:$0x3] =	stream.linear.gather [hbm4b:s30+s4], $0x80, $0x38;
	[tilespmem:$0x12800] =	vst v63  }
0x2d: {  	s16 =	simm.s32 $0x12200;
	s11 =	rddreg [dreg:$0xb]  }
0x2e: {  	[tilespmem:s16], [sflag:$0x3] =	stream.linear.gather [hbm4b:s11+s4], $0x80, $0x38;
	[tilespmem:$0x12800] =	vst v63  }
0x2f: {  	s25 =	rddreg [dreg:$0xc];
	s28 =	simm.s32 $0x12300  }
0x30: {  	[tilespmem:s28], [sflag:$0x3] =	stream.linear.gather [hbm4b:s25+s4], $0x80, $0x38;
	[tilespmem:$0x12800] =	vst v63  }
0x31: {  	s29 =	rddreg [dreg:$0x7];
	s30 =	simm.s32 $0xA000  }
0x32: {  	[tilespmem:s30], [sflag:$0x2] =	stream.strided.gather [hbm4b:s29+s17], $0x8000, s18, s17, $0x38;
	[tilespmem:$0x12800] =	vst v63  }
0x33: {  	s31 =	rddreg [dreg:$0x8];
	s16 =	simm.s32 $0x12080  }
0x34: {  	[tilespmem:s16], [sflag:$0x4] =	stream.linear.gather [hbm4b:s31+s4], $0x80, $0x38;
	[tilespmem:$0x12800] =	vst v63  }
0x35: {  	s25 =	sadd.s32 $0x10, s31;
	s28 =	simm.s32 $0x12180  }
0x36: {  	[tilespmem:s28], [sflag:$0x4] =	stream.linear.gather [hbm4b:s25+s4], $0x80, $0x38;
	[tilespmem:$0x12800] =	vst v63  }
0x37: {  	s29 =	sadd.s32 $0x20, s31;
	s30 =	simm.s32 $0x12280  }
0x38: {  	[tilespmem:s30], [sflag:$0x4] =	stream.linear.gather [hbm4b:s29+s4], $0x80, $0x38;
	[tilespmem:$0x12800] =	vst v63  }
0x39: {  	s31 =	sadd.s32 $0x30, s31;
	s25 =	simm.s32 $0x0  }
0x3a: {  	[tilespmem:s1], [sflag:$0x4] =	stream.linear.gather [hbm4b:s31+s4], $0x80, $0x38;
	[tilespmem:$0x12800] =	vst v63  }
.LBB2_2:
0x3b: {  	_ =	swait.ge [sflag:s0], $0x8000  }
0x3c: {  	[sflag:s0] =	ssyncset.done $0x0  }
0x3d: {  	[sflag:s0] =	ssyncadd.s32 $0xFFFF8000  }
0x3e: {  	_ =	swait.ge [sflag:s19], $0x200  }
0x3f: {  	p0 =	seq.s32 s25, $0x0;
	[sflag:s19] =	ssyncset.done $0x0  }
0x40: {  	s9 =	simm.s32 @!p0 $0x5;
	[sflag:s19] =	ssyncadd.s32 $0xFFFFFE00  }
0x41: {  	s11 =	simm.s32 $0x0;
	s16 =	simm.s32 $0x0;
	_ =	swait.ge @!p0 [sflag:s9], $0x200  }
0x42: {  	s28 =	sand.u32 $0x70, s11;
	s16 =	sand.u32 $0xFFFFFF00, s16;
	[sflag:s9] =	ssyncset.done @!p0 $0x0  }
0x43: {  	s11 =	sor.u32 s28, s16;
	s16 =	simm.s32 $0x0;
	[sflag:s9] =	ssyncadd.s32 @!p0 $0xFFFFFE00  }
0x44: {  	s9 =	sand.u32 $0x3FFFFC00, s16;
	v0 =	vld [tilespmem:s11+$0x12000]  }
0x45: {  	s9 =	sor.u32 s28, s9;
	v1 =	vld [tilespmem:$0x0]  }
0x46: {  	v2 =	vld [tilespmem:s9+$0x2000]  }
0x47: {  	v4 =	vld [tilespmem:$0x80]  }
0x48: {  	v3 =	vld [tilespmem:s9+$0x2080]  }
0x49: {  	v6 =	vld [tilespmem:$0x100]  }
0x4a: {  	v5 =	vld [tilespmem:s9+$0x2100]  }
0x4b: {  	v7 =	vld [tilespmem:$0x180];
	v1 =	vmul.f32 v1, v2  }
0x4c: {  	v2 =	vld [tilespmem:s9+$0x2180]  }
0x4d: {  	v39 =	vld [tilespmem:$0x200];
	v0 =	vadd.f32 v1, v0;
	v1 =	vmul.f32 v4, v3  }
0x4e: {  	v3 =	vld [tilespmem:s9+$0x2200]  }
0x4f: {  	v41 =	vld [tilespmem:$0x280];
	v0 =	vadd.f32 v1, v0;
	v1 =	vmul.f32 v6, v5  }
0x50: {  	v40 =	vld [tilespmem:s9+$0x2280]  }
0x51: {  	v42 =	vld [tilespmem:$0x300];
	v0 =	vadd.f32 v1, v0;
	v1 =	vmul.f32 v7, v2  }
0x52: {  	v2 =	vld [tilespmem:s9+$0x2300]  }
0x53: {  	v43 =	vld [tilespmem:$0x380];
	v0 =	vadd.f32 v1, v0;
	v1 =	vmul.f32 v39, v3  }
0x54: {  	v3 =	vld [tilespmem:s9+$0x2380]  }
0x55: {  	v45 =	vld [tilespmem:$0x400];
	v0 =	vadd.f32 v1, v0;
	v1 =	vmul.f32 v41, v40  }
0x56: {  	v44 =	vld [tilespmem:s9+$0x3000]  }
0x57: {  	v46 =	vld [tilespmem:$0x480];
	v0 =	vadd.f32 v1, v0;
	v1 =	vmul.f32 v42, v2  }
0x58: {  	v2 =	vld [tilespmem:s9+$0x3080]  }
0x59: {  	v47 =	vld [tilespmem:$0x500];
	v0 =	vadd.f32 v1, v0;
	v1 =	vmul.f32 v43, v3  }
0x5a: {  	v3 =	vld [tilespmem:s9+$0x3100]  }
0x5b: {  	v49 =	vld [tilespmem:$0x580];
	v0 =	vadd.f32 v1, v0;
	v1 =	vmul.f32 v45, v44  }
0x5c: {  	v48 =	vld [tilespmem:s9+$0x3180]  }
0x5d: {  	v50 =	vld [tilespmem:$0x600];
	v0 =	vadd.f32 v1, v0;
	v1 =	vmul.f32 v46, v2  }
0x5e: {  	v2 =	vld [tilespmem:s9+$0x3200]  }
0x5f: {  	v51 =	vld [tilespmem:$0x680];
	v0 =	vadd.f32 v1, v0;
	v1 =	vmul.f32 v47, v3  }
0x60: {  	v3 =	vld [tilespmem:s9+$0x3280]  }
0x61: {  	v53 =	vld [tilespmem:$0x700];
	v0 =	vadd.f32 v1, v0;
	v1 =	vmul.f32 v49, v48  }
0x62: {  	v52 =	vld [tilespmem:s9+$0x3300]  }
0x63: {  	v54 =	vld [tilespmem:$0x780];
	v0 =	vadd.f32 v1, v0;
	v1 =	vmul.f32 v50, v2  }
0x64: {  	v2 =	vld [tilespmem:s9+$0x3380]  }
0x65: {  	v55 =	vld [tilespmem:$0x800];
	v0 =	vadd.f32 v1, v0;
	v1 =	vmul.f32 v51, v3  }
0x66: {  	v3 =	vld [tilespmem:s9+$0x4000]  }
0x67: {  	v57 =	vld [tilespmem:$0x880];
	v0 =	vadd.f32 v1, v0;
	v1 =	vmul.f32 v53, v52  }
0x68: {  	v56 =	vld [tilespmem:s9+$0x4080]  }
0x69: {  	v58 =	vld [tilespmem:$0x900];
	v0 =	vadd.f32 v1, v0;
	v1 =	vmul.f32 v54, v2  }
0x6a: {  	v2 =	vld [tilespmem:s9+$0x4100]  }
0x6b: {  	v59 =	vld [tilespmem:$0x980];
	v0 =	vadd.f32 v1, v0;
	v1 =	vmul.f32 v55, v3  }
0x6c: {  	v3 =	vld [tilespmem:s9+$0x4180]  }
0x6d: {  	v61 =	vld [tilespmem:$0xA00];
	v0 =	vadd.f32 v1, v0;
	v1 =	vmul.f32 v57, v56  }
0x6e: {  	v60 =	vld [tilespmem:s9+$0x4200]  }
0x6f: {  	v62 =	vld [tilespmem:$0xA80];
	v0 =	vadd.f32 v1, v0;
	v1 =	vmul.f32 v58, v2  }
0x70: {  	v2 =	vld [tilespmem:s9+$0x4280]  }
0x71: {  	v63 =	vld [tilespmem:$0xB00];
	v0 =	vadd.f32 v1, v0;
	v1 =	vmul.f32 v59, v3  }
0x72: {  	v3 =	vld [tilespmem:s9+$0x4300]  }
0x73: {  	v10 =	vld [tilespmem:$0xB80];
	v0 =	vadd.f32 v1, v0;
	v1 =	vmul.f32 v61, v60  }
0x74: {  	v9 =	vld [tilespmem:s9+$0x4380]  }
0x75: {  	v11 =	vld [tilespmem:$0xC00];
	v0 =	vadd.f32 v1, v0;
	v1 =	vmul.f32 v62, v2  }
0x76: {  	v2 =	vld [tilespmem:s9+$0x5000]  }
0x77: {  	v12 =	vld [tilespmem:$0xC80];
	v0 =	vadd.f32 v1, v0;
	v1 =	vmul.f32 v63, v3  }
0x78: {  	v3 =	vld [tilespmem:s9+$0x5080]  }
0x79: {  	v14 =	vld [tilespmem:$0xD00];
	v0 =	vadd.f32 v1, v0;
	v1 =	vmul.f32 v10, v9  }
0x7a: {  	v13 =	vld [tilespmem:s9+$0x5100]  }
0x7b: {  	v15 =	vld [tilespmem:$0xD80];
	v0 =	vadd.f32 v1, v0;
	v1 =	vmul.f32 v11, v2  }
0x7c: {  	v2 =	vld [tilespmem:s9+$0x5180]  }
0x7d: {  	v16 =	vld [tilespmem:$0xE00];
	v0 =	vadd.f32 v1, v0;
	v1 =	vmul.f32 v12, v3  }
0x7e: {  	v3 =	vld [tilespmem:s9+$0x5200]  }
0x7f: {  	v18 =	vld [tilespmem:$0xE80];
	v0 =	vadd.f32 v1, v0;
	v1 =	vmul.f32 v14, v13  }
0x80: {  	v17 =	vld [tilespmem:s9+$0x5280]  }
0x81: {  	v19 =	vld [tilespmem:$0xF00];
	v0 =	vadd.f32 v1, v0;
	v1 =	vmul.f32 v15, v2  }
0x82: {  	v2 =	vld [tilespmem:s9+$0x5300]  }
0x83: {  	v20 =	vld [tilespmem:$0xF80];
	v0 =	vadd.f32 v1, v0;
	v1 =	vmul.f32 v16, v3  }
0x84: {  	v3 =	vld [tilespmem:s9+$0x5380]  }
0x85: {  	v22 =	vld [tilespmem:$0x1000];
	v0 =	vadd.f32 v1, v0;
	v1 =	vmul.f32 v18, v17  }
0x86: {  	v21 =	vld [tilespmem:s9+$0x6000]  }
0x87: {  	v23 =	vld [tilespmem:$0x1080];
	v0 =	vadd.f32 v1, v0;
	v1 =	vmul.f32 v19, v2  }
0x88: {  	v2 =	vld [tilespmem:s9+$0x6080]  }
0x89: {  	v24 =	vld [tilespmem:$0x1100];
	v0 =	vadd.f32 v1, v0;
	v1 =	vmul.f32 v20, v3  }
0x8a: {  	v3 =	vld [tilespmem:s9+$0x6100]  }
0x8b: {  	v26 =	vld [tilespmem:$0x1180];
	v0 =	vadd.f32 v1, v0;
	v1 =	vmul.f32 v22, v21  }
0x8c: {  	v25 =	vld [tilespmem:s9+$0x6180]  }
0x8d: {  	v27 =	vld [tilespmem:$0x1200];
	v0 =	vadd.f32 v1, v0;
	v1 =	vmul.f32 v23, v2  }
0x8e: {  	v2 =	vld [tilespmem:s9+$0x6200]  }
0x8f: {  	v28 =	vld [tilespmem:$0x1280];
	v0 =	vadd.f32 v1, v0;
	v1 =	vmul.f32 v24, v3  }
0x90: {  	v3 =	vld [tilespmem:s9+$0x6280]  }
0x91: {  	v30 =	vld [tilespmem:$0x1300];
	v0 =	vadd.f32 v1, v0;
	v1 =	vmul.f32 v26, v25  }
0x92: {  	v29 =	vld [tilespmem:s9+$0x6300]  }
0x93: {  	v31 =	vld [tilespmem:$0x1380];
	v0 =	vadd.f32 v1, v0;
	v1 =	vmul.f32 v27, v2  }
0x94: {  	v2 =	vld [tilespmem:s9+$0x6380]  }
0x95: {  	v32 =	vld [tilespmem:$0x1400];
	v0 =	vadd.f32 v1, v0;
	v1 =	vmul.f32 v28, v3  }
0x96: {  	v3 =	vld [tilespmem:s9+$0x7000]  }
0x97: {  	v34 =	vld [tilespmem:$0x1480];
	v0 =	vadd.f32 v1, v0;
	v1 =	vmul.f32 v30, v29  }
0x98: {  	v33 =	vld [tilespmem:s9+$0x7080]  }
0x99: {  	v35 =	vld [tilespmem:$0x1500];
	v0 =	vadd.f32 v1, v0;
	v1 =	vmul.f32 v31, v2  }
0x9a: {  	v2 =	vld [tilespmem:s9+$0x7100]  }
0x9b: {  	v36 =	vld [tilespmem:$0x1580];
	v0 =	vadd.f32 v1, v0;
	v1 =	vmul.f32 v32, v3  }
0x9c: {  	v3 =	vld [tilespmem:s9+$0x7180]  }
0x9d: {  	v38 =	vld [tilespmem:$0x1600];
	v0 =	vadd.f32 v1, v0;
	v1 =	vmul.f32 v34, v33  }
0x9e: {  	v37 =	vld [tilespmem:s9+$0x7200]  }
0x9f: {  	v39 =	vld [tilespmem:$0x1680];
	v0 =	vadd.f32 v1, v0;
	v1 =	vmul.f32 v35, v2  }
0xa0: {  	v2 =	vld [tilespmem:s9+$0x7280]  }
0xa1: {  	v40 =	vld [tilespmem:$0x1700];
	v0 =	vadd.f32 v1, v0;
	v1 =	vmul.f32 v36, v3  }
0xa2: {  	v3 =	vld [tilespmem:s9+$0x7300]  }
0xa3: {  	v41 =	vld [tilespmem:s9+$0x7380];
	v0 =	vadd.f32 v1, v0;
	v1 =	vmul.f32 v38, v37  }
0xa4: {  	v42 =	vld [tilespmem:$0x1780]  }
0xa5: {  	v43 =	vld [tilespmem:$0x1800];
	v0 =	vadd.f32 v1, v0;
	v1 =	vmul.f32 v39, v2  }
0xa6: {  	v2 =	vld [tilespmem:s9+$0x8000]  }
0xa7: {  	v44 =	vld [tilespmem:$0x1880];
	v0 =	vadd.f32 v1, v0;
	v1 =	vmul.f32 v40, v3  }
0xa8: {  	v3 =	vld [tilespmem:s9+$0x8080]  }
0xa9: {  	v45 =	vld [tilespmem:s9+$0x8100];
	v0 =	vadd.f32 v1, v0;
	v1 =	vmul.f32 v42, v41  }
0xaa: {  	v46 =	vld [tilespmem:$0x1900]  }
0xab: {  	v47 =	vld [tilespmem:$0x1980];
	v0 =	vadd.f32 v1, v0;
	v1 =	vmul.f32 v43, v2  }
0xac: {  	v2 =	vld [tilespmem:s9+$0x8180]  }
0xad: {  	v48 =	vld [tilespmem:$0x1A00];
	v0 =	vadd.f32 v1, v0;
	v1 =	vmul.f32 v44, v3  }
0xae: {  	v3 =	vld [tilespmem:s9+$0x8200]  }
0xaf: {  	v49 =	vld [tilespmem:s9+$0x8280];
	v0 =	vadd.f32 v1, v0;
	v1 =	vmul.f32 v46, v45  }
0xb0: {  	v50 =	vld [tilespmem:$0x1A80]  }
0xb1: {  	v51 =	vld [tilespmem:$0x1B00];
	v0 =	vadd.f32 v1, v0;
	v1 =	vmul.f32 v47, v2  }
0xb2: {  	v2 =	vld [tilespmem:s9+$0x8300]  }
0xb3: {  	v52 =	vld [tilespmem:$0x1B80];
	v0 =	vadd.f32 v1, v0;
	v1 =	vmul.f32 v48, v3  }
0xb4: {  	v3 =	vld [tilespmem:s9+$0x8380]  }
0xb5: {  	v53 =	vld [tilespmem:s9+$0x9000];
	v0 =	vadd.f32 v1, v0;
	v1 =	vmul.f32 v50, v49  }
0xb6: {  	v54 =	vld [tilespmem:$0x1C00]  }
0xb7: {  	v55 =	vld [tilespmem:$0x1C80];
	v0 =	vadd.f32 v1, v0;
	v1 =	vmul.f32 v51, v2  }
0xb8: {  	v2 =	vld [tilespmem:s9+$0x9080]  }
0xb9: {  	v56 =	vld [tilespmem:$0x1D00];
	v0 =	vadd.f32 v1, v0;
	v1 =	vmul.f32 v52, v3  }
0xba: {  	v3 =	vld [tilespmem:s9+$0x9100]  }
0xbb: {  	v57 =	vld [tilespmem:s9+$0x9180];
	v0 =	vadd.f32 v1, v0;
	v1 =	vmul.f32 v54, v53  }
0xbc: {  	v58 =	vld [tilespmem:$0x1D80]  }
0xbd: {  	v59 =	vld [tilespmem:$0x1E00];
	v0 =	vadd.f32 v1, v0;
	v1 =	vmul.f32 v55, v2  }
0xbe: {  	v2 =	vld [tilespmem:s9+$0x9200]  }
0xbf: {  	v60 =	vld [tilespmem:$0x1E80];
	v0 =	vadd.f32 v1, v0;
	v1 =	vmul.f32 v56, v3  }
0xc0: {  	v3 =	vld [tilespmem:s9+$0x9280]  }
0xc1: {  	v61 =	vld [tilespmem:s9+$0x9300];
	v0 =	vadd.f32 v1, v0;
	v1 =	vmul.f32 v58, v57  }
0xc2: {  	v62 =	vld [tilespmem:$0x1F00]  }
0xc3: {  	v63 =	vld [tilespmem:$0x1F80];
	v0 =	vadd.f32 v1, v0;
	v1 =	vmul.f32 v59, v2  }
0xc4: {  	v2 =	vld [tilespmem:s9+$0x9380]  }
0xc5: {  	v0 =	vadd.f32 v1, v0;
	v1 =	vmul.f32 v60, v3;
	_ =	sdelay $0x1  }
0xc6: {  	v0 =	vadd.f32 v1, v0;
	v1 =	vmul.f32 v62, v61;
	_ =	sdelay $0x1  }
0xc7: {  	v0 =	vadd.f32 v1, v0;
	v1 =	vmul.f32 v63, v2  }
0xc8: {  	s16 =	simm.s32 $0x10;
	s28 =	simm.s32 $0x20  }
0xc9: {  	s31 =	simm.s32 $0x80;
	s30 =	sand.u32 $0x70, s16;
	s28 =	sand.u32 $0xFFFFFF00, s28;
	v0 =	vadd.f32 v1, v0  }
0xca: {  	s29 =	sor.u32 s30, s28;
	s28 =	simm.s32 $0x2;
	s9 =	sshll.u32 s25, $0xA  }
.LBB2_3:
0xcb: {  	p1 =	sne.s32 s28, $0x1F;
	v1 =	vld [tilespmem:s29+$0x12000];
	s31 =	sand.u32 $0x3FFFFC00, s31;
	[tilespmem:s11+$0x12400] =	vst v0;
	s11 =	smov.u32 s29  }
0xcc: {  	s29 =	sor.u32 s30, s31;
	v0 =	vld [tilespmem:$0x0]  }
0xcd: {  	v2 =	vld [tilespmem:s29+$0x2000]  }
0xce: {  	v3 =	vld [tilespmem:s29+$0x2080]  }
0xcf: {  	v4 =	vld [tilespmem:$0x80]  }
0xd0: {  	v5 =	vld [tilespmem:s29+$0x2100]  }
0xd1: {  	v6 =	vld [tilespmem:$0x100]  }
0xd2: {  	v0 =	vmul.f32 v0, v2;
	v2 =	vld [tilespmem:s29+$0x2180]  }
0xd3: {  	v7 =	vld [tilespmem:$0x180]  }
0xd4: {  	v0 =	vadd.f32 v0, v1;
	v1 =	vmul.f32 v4, v3;
	v3 =	vld [tilespmem:s29+$0x2200]  }
0xd5: {  	v4 =	vld [tilespmem:$0x200]  }
0xd6: {  	v0 =	vadd.f32 v1, v0;
	v1 =	vmul.f32 v6, v5;
	v5 =	vld [tilespmem:s29+$0x2280]  }
0xd7: {  	v6 =	vld [tilespmem:$0x280]  }
0xd8: {  	v0 =	vadd.f32 v1, v0;
	v1 =	vmul.f32 v7, v2;
	v2 =	vld [tilespmem:s29+$0x2300]  }
0xd9: {  	v7 =	vld [tilespmem:$0x300]  }
0xda: {  	v0 =	vadd.f32 v1, v0;
	v1 =	vmul.f32 v4, v3;
	v3 =	vld [tilespmem:s29+$0x2380]  }
0xdb: {  	v4 =	vld [tilespmem:$0x380]  }
0xdc: {  	v0 =	vadd.f32 v1, v0;
	v1 =	vmul.f32 v6, v5;
	v5 =	vld [tilespmem:s29+$0x3000]  }
0xdd: {  	v6 =	vld [tilespmem:$0x400]  }
0xde: {  	v0 =	vadd.f32 v1, v0;
	v1 =	vmul.f32 v7, v2;
	v2 =	vld [tilespmem:s29+$0x3080]  }
0xdf: {  	v7 =	vld [tilespmem:$0x480]  }
0xe0: {  	v0 =	vadd.f32 v1, v0;
	v1 =	vmul.f32 v4, v3;
	v3 =	vld [tilespmem:s29+$0x3100]  }
0xe1: {  	v4 =	vld [tilespmem:$0x500]  }
0xe2: {  	v0 =	vadd.f32 v1, v0;
	v1 =	vmul.f32 v6, v5;
	v5 =	vld [tilespmem:s29+$0x3180]  }
0xe3: {  	v6 =	vld [tilespmem:$0x580]  }
0xe4: {  	v0 =	vadd.f32 v1, v0;
	v1 =	vmul.f32 v7, v2;
	v2 =	vld [tilespmem:s29+$0x3200]  }
0xe5: {  	v7 =	vld [tilespmem:$0x600]  }
0xe6: {  	v0 =	vadd.f32 v1, v0;
	v1 =	vmul.f32 v4, v3;
	v3 =	vld [tilespmem:s29+$0x3280]  }
0xe7: {  	v4 =	vld [tilespmem:$0x680]  }
0xe8: {  	v0 =	vadd.f32 v1, v0;
	v1 =	vmul.f32 v6, v5;
	v5 =	vld [tilespmem:s29+$0x3300]  }
0xe9: {  	v6 =	vld [tilespmem:$0x700]  }
0xea: {  	v0 =	vadd.f32 v1, v0;
	v1 =	vmul.f32 v7, v2;
	v2 =	vld [tilespmem:s29+$0x3380]  }
0xeb: {  	v7 =	vld [tilespmem:$0x780]  }
0xec: {  	v0 =	vadd.f32 v1, v0;
	v1 =	vmul.f32 v4, v3;
	v3 =	vld [tilespmem:s29+$0x4000]  }
0xed: {  	v4 =	vld [tilespmem:$0x800]  }
0xee: {  	v0 =	vadd.f32 v1, v0;
	v1 =	vmul.f32 v6, v5;
	v5 =	vld [tilespmem:s29+$0x4080]  }
0xef: {  	v6 =	vld [tilespmem:$0x880]  }
0xf0: {  	v0 =	vadd.f32 v1, v0;
	v1 =	vmul.f32 v7, v2;
	v2 =	vld [tilespmem:s29+$0x4100]  }
0xf1: {  	v7 =	vld [tilespmem:$0x900]  }
0xf2: {  	v0 =	vadd.f32 v1, v0;
	v1 =	vmul.f32 v4, v3;
	v3 =	vld [tilespmem:s29+$0x4180]  }
0xf3: {  	v4 =	vld [tilespmem:$0x980]  }
0xf4: {  	v0 =	vadd.f32 v1, v0;
	v1 =	vmul.f32 v6, v5;
	v5 =	vld [tilespmem:s29+$0x4200]  }
0xf5: {  	v6 =	vld [tilespmem:$0xA00]  }
0xf6: {  	v0 =	vadd.f32 v1, v0;
	v1 =	vmul.f32 v7, v2;
	v2 =	vld [tilespmem:s29+$0x4280]  }
0xf7: {  	v7 =	vld [tilespmem:$0xA80]  }
0xf8: {  	v0 =	vadd.f32 v1, v0;
	v1 =	vmul.f32 v4, v3;
	v3 =	vld [tilespmem:s29+$0x4300]  }
0xf9: {  	v4 =	vld [tilespmem:$0xB00]  }
0xfa: {  	v0 =	vadd.f32 v1, v0;
	v1 =	vmul.f32 v6, v5;
	v5 =	vld [tilespmem:s29+$0x4380]  }
0xfb: {  	v6 =	vld [tilespmem:$0xB80]  }
0xfc: {  	v0 =	vadd.f32 v1, v0;
	v1 =	vmul.f32 v7, v2;
	v2 =	vld [tilespmem:s29+$0x5000]  }
0xfd: {  	v7 =	vld [tilespmem:$0xC00]  }
0xfe: {  	v0 =	vadd.f32 v1, v0;
	v1 =	vmul.f32 v4, v3;
	v3 =	vld [tilespmem:s29+$0x5080]  }
0xff: {  	v4 =	vld [tilespmem:$0xC80]  }
0x100: {  	v0 =	vadd.f32 v1, v0;
	v1 =	vmul.f32 v6, v5;
	v5 =	vld [tilespmem:s29+$0x5100]  }
0x101: {  	v6 =	vld [tilespmem:$0xD00]  }
0x102: {  	v0 =	vadd.f32 v1, v0;
	v1 =	vmul.f32 v7, v2;
	v2 =	vld [tilespmem:s29+$0x5180]  }
0x103: {  	v7 =	vld [tilespmem:$0xD80]  }
0x104: {  	v0 =	vadd.f32 v1, v0;
	v1 =	vmul.f32 v4, v3;
	v3 =	vld [tilespmem:s29+$0x5200]  }
0x105: {  	v4 =	vld [tilespmem:$0xE00]  }
0x106: {  	v0 =	vadd.f32 v1, v0;
	v1 =	vmul.f32 v6, v5;
	v5 =	vld [tilespmem:s29+$0x5280]  }
0x107: {  	v6 =	vld [tilespmem:$0xE80]  }
0x108: {  	v0 =	vadd.f32 v1, v0;
	v1 =	vmul.f32 v7, v2;
	v2 =	vld [tilespmem:s29+$0x5300]  }
0x109: {  	v7 =	vld [tilespmem:$0xF00]  }
0x10a: {  	v0 =	vadd.f32 v1, v0;
	v1 =	vmul.f32 v4, v3;
	v3 =	vld [tilespmem:s29+$0x5380]  }
0x10b: {  	v4 =	vld [tilespmem:$0xF80]  }
0x10c: {  	v0 =	vadd.f32 v1, v0;
	v1 =	vmul.f32 v6, v5;
	v5 =	vld [tilespmem:s29+$0x6000]  }
0x10d: {  	v6 =	vld [tilespmem:$0x1000]  }
0x10e: {  	v0 =	vadd.f32 v1, v0;
	v1 =	vmul.f32 v7, v2;
	v2 =	vld [tilespmem:s29+$0x6080]  }
0x10f: {  	v7 =	vld [tilespmem:$0x1080]  }
0x110: {  	v0 =	vadd.f32 v1, v0;
	v1 =	vmul.f32 v4, v3;
	v3 =	vld [tilespmem:s29+$0x6100]  }
0x111: {  	v4 =	vld [tilespmem:$0x1100]  }
0x112: {  	v0 =	vadd.f32 v1, v0;
	v1 =	vmul.f32 v6, v5;
	v5 =	vld [tilespmem:s29+$0x6180]  }
0x113: {  	v6 =	vld [tilespmem:$0x1180]  }
0x114: {  	v0 =	vadd.f32 v1, v0;
	v1 =	vmul.f32 v7, v2;
	v2 =	vld [tilespmem:s29+$0x6200]  }
0x115: {  	v7 =	vld [tilespmem:$0x1200]  }
0x116: {  	v0 =	vadd.f32 v1, v0;
	v1 =	vmul.f32 v4, v3;
	v3 =	vld [tilespmem:s29+$0x6280]  }
0x117: {  	v4 =	vld [tilespmem:$0x1280]  }
0x118: {  	v0 =	vadd.f32 v1, v0;
	v1 =	vmul.f32 v6, v5;
	v5 =	vld [tilespmem:s29+$0x6300]  }
0x119: {  	v6 =	vld [tilespmem:$0x1300]  }
0x11a: {  	v0 =	vadd.f32 v1, v0;
	v1 =	vmul.f32 v7, v2;
	v2 =	vld [tilespmem:s29+$0x6380]  }
0x11b: {  	v7 =	vld [tilespmem:$0x1380]  }
0x11c: {  	v0 =	vadd.f32 v1, v0;
	v1 =	vmul.f32 v4, v3;
	v3 =	vld [tilespmem:s29+$0x7000]  }
0x11d: {  	v4 =	vld [tilespmem:$0x1400]  }
0x11e: {  	v0 =	vadd.f32 v1, v0;
	v1 =	vmul.f32 v6, v5;
	v5 =	vld [tilespmem:s29+$0x7080]  }
0x11f: {  	v6 =	vld [tilespmem:$0x1480]  }
0x120: {  	v0 =	vadd.f32 v1, v0;
	v1 =	vmul.f32 v7, v2;
	v2 =	vld [tilespmem:s29+$0x7100]  }
0x121: {  	v7 =	vld [tilespmem:$0x1500]  }
0x122: {  	v0 =	vadd.f32 v1, v0;
	v1 =	vmul.f32 v4, v3;
	v3 =	vld [tilespmem:s29+$0x7180]  }
0x123: {  	v4 =	vld [tilespmem:$0x1580]  }
0x124: {  	v0 =	vadd.f32 v1, v0;
	v1 =	vmul.f32 v6, v5;
	v5 =	vld [tilespmem:s29+$0x7200]  }
0x125: {  	v6 =	vld [tilespmem:$0x1600]  }
0x126: {  	v0 =	vadd.f32 v1, v0;
	v1 =	vmul.f32 v7, v2;
	v2 =	vld [tilespmem:s29+$0x7280]  }
0x127: {  	v7 =	vld [tilespmem:$0x1680]  }
0x128: {  	v0 =	vadd.f32 v1, v0;
	v1 =	vmul.f32 v4, v3;
	v3 =	vld [tilespmem:s29+$0x7300]  }
0x129: {  	v4 =	vld [tilespmem:$0x1700]  }
0x12a: {  	v0 =	vadd.f32 v1, v0;
	v1 =	vmul.f32 v6, v5;
	v5 =	vld [tilespmem:s29+$0x7380]  }
0x12b: {  	v6 =	vld [tilespmem:$0x1780]  }
0x12c: {  	v0 =	vadd.f32 v1, v0;
	v1 =	vmul.f32 v7, v2;
	v2 =	vld [tilespmem:s29+$0x8000]  }
0x12d: {  	v7 =	vld [tilespmem:$0x1800]  }
0x12e: {  	v0 =	vadd.f32 v1, v0;
	v1 =	vmul.f32 v4, v3;
	v3 =	vld [tilespmem:s29+$0x8080]  }
0x12f: {  	v4 =	vld [tilespmem:$0x1880]  }
0x130: {  	v0 =	vadd.f32 v1, v0;
	v1 =	vmul.f32 v6, v5;
	v5 =	vld [tilespmem:s29+$0x8100]  }
0x131: {  	v6 =	vld [tilespmem:$0x1900]  }
0x132: {  	v0 =	vadd.f32 v1, v0;
	v1 =	vmul.f32 v7, v2;
	v2 =	vld [tilespmem:s29+$0x8180]  }
0x133: {  	v7 =	vld [tilespmem:$0x1980]  }
0x134: {  	v0 =	vadd.f32 v1, v0;
	v1 =	vmul.f32 v4, v3;
	v3 =	vld [tilespmem:s29+$0x8200]  }
0x135: {  	v4 =	vld [tilespmem:$0x1A00]  }
0x136: {  	v0 =	vadd.f32 v1, v0;
	v1 =	vmul.f32 v6, v5;
	v5 =	vld [tilespmem:s29+$0x8280]  }
0x137: {  	v6 =	vld [tilespmem:$0x1A80]  }
0x138: {  	v0 =	vadd.f32 v1, v0;
	v1 =	vmul.f32 v7, v2;
	v2 =	vld [tilespmem:s29+$0x8300]  }
0x139: {  	v7 =	vld [tilespmem:$0x1B00]  }
0x13a: {  	v0 =	vadd.f32 v1, v0;
	v1 =	vmul.f32 v4, v3;
	v3 =	vld [tilespmem:s29+$0x8380]  }
0x13b: {  	v4 =	vld [tilespmem:$0x1B80]  }
0x13c: {  	v0 =	vadd.f32 v1, v0;
	v1 =	vmul.f32 v6, v5;
	v5 =	vld [tilespmem:s29+$0x9000]  }
0x13d: {  	v6 =	vld [tilespmem:$0x1C00]  }
0x13e: {  	v0 =	vadd.f32 v1, v0;
	v1 =	vmul.f32 v7, v2;
	v2 =	vld [tilespmem:s29+$0x9080]  }
0x13f: {  	v7 =	vld [tilespmem:$0x1C80]  }
0x140: {  	v0 =	vadd.f32 v1, v0;
	v1 =	vmul.f32 v4, v3;
	v3 =	vld [tilespmem:s29+$0x9100]  }
0x141: {  	v4 =	vld [tilespmem:$0x1D00]  }
0x142: {  	v0 =	vadd.f32 v1, v0;
	v1 =	vmul.f32 v6, v5;
	v5 =	vld [tilespmem:s29+$0x9180]  }
0x143: {  	v6 =	vld [tilespmem:$0x1D80]  }
0x144: {  	v0 =	vadd.f32 v1, v0;
	v1 =	vmul.f32 v7, v2;
	v2 =	vld [tilespmem:s29+$0x9200]  }
0x145: {  	v7 =	vld [tilespmem:$0x1E00]  }
0x146: {  	v0 =	vadd.f32 v1, v0;
	v1 =	vmul.f32 v4, v3;
	v3 =	vld [tilespmem:s29+$0x9280]  }
0x147: {  	v4 =	vld [tilespmem:$0x1E80]  }
0x148: {  	v0 =	vadd.f32 v1, v0;
	v1 =	vmul.f32 v6, v5;
	v5 =	vld [tilespmem:s29+$0x9300]  }
0x149: {  	v6 =	vld [tilespmem:$0x1F00]  }
0x14a: {  	v0 =	vadd.f32 v1, v0;
	v1 =	vmul.f32 v7, v2;
	v2 =	vld [tilespmem:s29+$0x9380]  }
0x14b: {  	v7 =	vld [tilespmem:$0x1F80]  }
0x14c: {  	v0 =	vadd.f32 v1, v0;
	v1 =	vmul.f32 v4, v3;
	_ =	sdelay $0x1  }
0x14d: {  	v0 =	vadd.f32 v1, v0;
	v1 =	vmul.f32 v6, v5  }
.Ltmp2:
0x14e: {  	(pc) =	sbr.rel @p1 .LBB2_3-.Ltmp2, $4  }
0x14f: {  	v0 =	vadd.f32 v1, v0;
	v1 =	vmul.f32 v7, v2  }
0x150: {  	s16 =	sadd.s32 $0x10, s16;
	s29 =	sshll.u32 s28, $0x5  }
0x151: {  	s30 =	sand.u32 $0x70, s16;
	s29 =	sand.u32 $0xFFFFFF00, s29;
	v0 =	vadd.f32 v1, v0  }
0x152: {  	s31 =	sshll.u32 s28, $0x7;
	s28 =	sadd.s32 $0x1, s28;
	s29 =	sor.u32 s30, s29  }
0x153: {  	v1 =	vld [tilespmem:s29+$0x12000];
	s16 =	sand.u32 $0x3FFFFC00, s31;
	[tilespmem:s11+$0x12400] =	vst v0  }
0x154: {  	s16 =	sor.u32 s30, s16;
	v0 =	vld [tilespmem:$0x0]  }
0x155: {  	v2 =	vld [tilespmem:s16+$0x2000]  }
0x156: {  	v4 =	vld [tilespmem:$0x80]  }
0x157: {  	v3 =	vld [tilespmem:s16+$0x2080]  }
0x158: {  	v6 =	vld [tilespmem:$0x100]  }
0x159: {  	v5 =	vld [tilespmem:s16+$0x2100]  }
0x15a: {  	v7 =	vld [tilespmem:$0x180];
	v0 =	vmul.f32 v0, v2  }
0x15b: {  	v2 =	vld [tilespmem:s16+$0x2180]  }
0x15c: {  	v10 =	vld [tilespmem:$0x200];
	v0 =	vadd.f32 v0, v1;
	v1 =	vmul.f32 v4, v3  }
0x15d: {  	v3 =	vld [tilespmem:s16+$0x2200]  }
0x15e: {  	v12 =	vld [tilespmem:$0x280];
	v0 =	vadd.f32 v1, v0;
	v1 =	vmul.f32 v6, v5  }
0x15f: {  	v11 =	vld [tilespmem:s16+$0x2280]  }
0x160: {  	v13 =	vld [tilespmem:$0x300];
	v0 =	vadd.f32 v1, v0;
	v1 =	vmul.f32 v7, v2  }
0x161: {  	v2 =	vld [tilespmem:s16+$0x2300]  }
0x162: {  	v14 =	vld [tilespmem:$0x380];
	v0 =	vadd.f32 v1, v0;
	v1 =	vmul.f32 v10, v3  }
0x163: {  	v3 =	vld [tilespmem:s16+$0x2380]  }
0x164: {  	v16 =	vld [tilespmem:$0x400];
	v0 =	vadd.f32 v1, v0;
	v1 =	vmul.f32 v12, v11  }
0x165: {  	v15 =	vld [tilespmem:s16+$0x3000]  }
0x166: {  	v17 =	vld [tilespmem:$0x480];
	v0 =	vadd.f32 v1, v0;
	v1 =	vmul.f32 v13, v2  }
0x167: {  	v2 =	vld [tilespmem:s16+$0x3080]  }
0x168: {  	v18 =	vld [tilespmem:$0x500];
	v0 =	vadd.f32 v1, v0;
	v1 =	vmul.f32 v14, v3  }
0x169: {  	v3 =	vld [tilespmem:s16+$0x3100]  }
0x16a: {  	v20 =	vld [tilespmem:$0x580];
	v0 =	vadd.f32 v1, v0;
	v1 =	vmul.f32 v16, v15  }
0x16b: {  	v19 =	vld [tilespmem:s16+$0x3180]  }
0x16c: {  	v21 =	vld [tilespmem:$0x600];
	v0 =	vadd.f32 v1, v0;
	v1 =	vmul.f32 v17, v2  }
0x16d: {  	v2 =	vld [tilespmem:s16+$0x3200]  }
0x16e: {  	v22 =	vld [tilespmem:$0x680];
	v0 =	vadd.f32 v1, v0;
	v1 =	vmul.f32 v18, v3  }
0x16f: {  	v3 =	vld [tilespmem:s16+$0x3280]  }
0x170: {  	v24 =	vld [tilespmem:$0x700];
	v0 =	vadd.f32 v1, v0;
	v1 =	vmul.f32 v20, v19  }
0x171: {  	v23 =	vld [tilespmem:s16+$0x3300]  }
0x172: {  	v25 =	vld [tilespmem:$0x780];
	v0 =	vadd.f32 v1, v0;
	v1 =	vmul.f32 v21, v2  }
0x173: {  	v2 =	vld [tilespmem:s16+$0x3380]  }
0x174: {  	v26 =	vld [tilespmem:$0x800];
	v0 =	vadd.f32 v1, v0;
	v1 =	vmul.f32 v22, v3  }
0x175: {  	v3 =	vld [tilespmem:s16+$0x4000]  }
0x176: {  	v28 =	vld [tilespmem:$0x880];
	v0 =	vadd.f32 v1, v0;
	v1 =	vmul.f32 v24, v23  }
0x177: {  	v27 =	vld [tilespmem:s16+$0x4080]  }
0x178: {  	v29 =	vld [tilespmem:$0x900];
	v0 =	vadd.f32 v1, v0;
	v1 =	vmul.f32 v25, v2  }
0x179: {  	v2 =	vld [tilespmem:s16+$0x4100]  }
0x17a: {  	v30 =	vld [tilespmem:$0x980];
	v0 =	vadd.f32 v1, v0;
	v1 =	vmul.f32 v26, v3  }
0x17b: {  	v3 =	vld [tilespmem:s16+$0x4180]  }
0x17c: {  	v32 =	vld [tilespmem:$0xA00];
	v0 =	vadd.f32 v1, v0;
	v1 =	vmul.f32 v28, v27  }
0x17d: {  	v31 =	vld [tilespmem:s16+$0x4200]  }
0x17e: {  	v33 =	vld [tilespmem:$0xA80];
	v0 =	vadd.f32 v1, v0;
	v1 =	vmul.f32 v29, v2  }
0x17f: {  	v2 =	vld [tilespmem:s16+$0x4280]  }
0x180: {  	v34 =	vld [tilespmem:$0xB00];
	v0 =	vadd.f32 v1, v0;
	v1 =	vmul.f32 v30, v3  }
0x181: {  	v3 =	vld [tilespmem:s16+$0x4300]  }
0x182: {  	v36 =	vld [tilespmem:$0xB80];
	v0 =	vadd.f32 v1, v0;
	v1 =	vmul.f32 v32, v31  }
0x183: {  	v35 =	vld [tilespmem:s16+$0x4380]  }
0x184: {  	v37 =	vld [tilespmem:$0xC00];
	v0 =	vadd.f32 v1, v0;
	v1 =	vmul.f32 v33, v2  }
0x185: {  	v2 =	vld [tilespmem:s16+$0x5000]  }
0x186: {  	v38 =	vld [tilespmem:$0xC80];
	v0 =	vadd.f32 v1, v0;
	v1 =	vmul.f32 v34, v3  }
0x187: {  	v3 =	vld [tilespmem:s16+$0x5080]  }
0x188: {  	v40 =	vld [tilespmem:$0xD00];
	v0 =	vadd.f32 v1, v0;
	v1 =	vmul.f32 v36, v35  }
0x189: {  	v39 =	vld [tilespmem:s16+$0x5100]  }
0x18a: {  	v41 =	vld [tilespmem:$0xD80];
	v0 =	vadd.f32 v1, v0;
	v1 =	vmul.f32 v37, v2  }
0x18b: {  	v2 =	vld [tilespmem:s16+$0x5180]  }
0x18c: {  	v42 =	vld [tilespmem:$0xE00];
	v0 =	vadd.f32 v1, v0;
	v1 =	vmul.f32 v38, v3  }
0x18d: {  	v3 =	vld [tilespmem:s16+$0x5200]  }
0x18e: {  	v44 =	vld [tilespmem:$0xE80];
	v0 =	vadd.f32 v1, v0;
	v1 =	vmul.f32 v40, v39  }
0x18f: {  	v43 =	vld [tilespmem:s16+$0x5280]  }
0x190: {  	v45 =	vld [tilespmem:$0xF00];
	v0 =	vadd.f32 v1, v0;
	v1 =	vmul.f32 v41, v2  }
0x191: {  	v2 =	vld [tilespmem:s16+$0x5300]  }
0x192: {  	v46 =	vld [tilespmem:$0xF80];
	v0 =	vadd.f32 v1, v0;
	v1 =	vmul.f32 v42, v3  }
0x193: {  	v3 =	vld [tilespmem:s16+$0x5380]  }
0x194: {  	v48 =	vld [tilespmem:$0x1000];
	v0 =	vadd.f32 v1, v0;
	v1 =	vmul.f32 v44, v43  }
0x195: {  	v47 =	vld [tilespmem:s16+$0x6000]  }
0x196: {  	v49 =	vld [tilespmem:$0x1080];
	v0 =	vadd.f32 v1, v0;
	v1 =	vmul.f32 v45, v2  }
0x197: {  	v2 =	vld [tilespmem:s16+$0x6080]  }
0x198: {  	v50 =	vld [tilespmem:$0x1100];
	v0 =	vadd.f32 v1, v0;
	v1 =	vmul.f32 v46, v3  }
0x199: {  	v3 =	vld [tilespmem:s16+$0x6100]  }
0x19a: {  	v52 =	vld [tilespmem:$0x1180];
	v0 =	vadd.f32 v1, v0;
	v1 =	vmul.f32 v48, v47  }
0x19b: {  	v51 =	vld [tilespmem:s16+$0x6180]  }
0x19c: {  	v53 =	vld [tilespmem:$0x1200];
	v0 =	vadd.f32 v1, v0;
	v1 =	vmul.f32 v49, v2  }
0x19d: {  	v2 =	vld [tilespmem:s16+$0x6200]  }
0x19e: {  	v54 =	vld [tilespmem:$0x1280];
	v0 =	vadd.f32 v1, v0;
	v1 =	vmul.f32 v50, v3  }
0x19f: {  	v3 =	vld [tilespmem:s16+$0x6280]  }
0x1a0: {  	v56 =	vld [tilespmem:$0x1300];
	v0 =	vadd.f32 v1, v0;
	v1 =	vmul.f32 v52, v51  }
0x1a1: {  	v55 =	vld [tilespmem:s16+$0x6300]  }
0x1a2: {  	v57 =	vld [tilespmem:$0x1380];
	v0 =	vadd.f32 v1, v0;
	v1 =	vmul.f32 v53, v2  }
0x1a3: {  	v2 =	vld [tilespmem:s16+$0x6380]  }
0x1a4: {  	v58 =	vld [tilespmem:$0x1400];
	v0 =	vadd.f32 v1, v0;
	v1 =	vmul.f32 v54, v3  }
0x1a5: {  	v3 =	vld [tilespmem:s16+$0x7000]  }
0x1a6: {  	v60 =	vld [tilespmem:$0x1480];
	v0 =	vadd.f32 v1, v0;
	v1 =	vmul.f32 v56, v55  }
0x1a7: {  	v59 =	vld [tilespmem:s16+$0x7080]  }
0x1a8: {  	v61 =	vld [tilespmem:$0x1500];
	v0 =	vadd.f32 v1, v0;
	v1 =	vmul.f32 v57, v2  }
0x1a9: {  	v2 =	vld [tilespmem:s16+$0x7100]  }
0x1aa: {  	v62 =	vld [tilespmem:$0x1580];
	v0 =	vadd.f32 v1, v0;
	v1 =	vmul.f32 v58, v3  }
0x1ab: {  	v3 =	vld [tilespmem:s16+$0x7180]  }
0x1ac: {  	v9 =	vld [tilespmem:$0x1600];
	v0 =	vadd.f32 v1, v0;
	v1 =	vmul.f32 v60, v59  }
0x1ad: {  	v63 =	vld [tilespmem:s16+$0x7200]  }
0x1ae: {  	v10 =	vld [tilespmem:$0x1680];
	v0 =	vadd.f32 v1, v0;
	v1 =	vmul.f32 v61, v2  }
0x1af: {  	v2 =	vld [tilespmem:s16+$0x7280]  }
0x1b0: {  	v11 =	vld [tilespmem:$0x1700];
	v0 =	vadd.f32 v1, v0;
	v1 =	vmul.f32 v62, v3  }
0x1b1: {  	v3 =	vld [tilespmem:s16+$0x7300]  }
0x1b2: {  	v12 =	vld [tilespmem:s16+$0x7380];
	v0 =	vadd.f32 v1, v0;
	v1 =	vmul.f32 v9, v63  }
0x1b3: {  	v13 =	vld [tilespmem:$0x1780]  }
0x1b4: {  	v14 =	vld [tilespmem:$0x1800];
	v0 =	vadd.f32 v1, v0;
	v1 =	vmul.f32 v10, v2  }
0x1b5: {  	v2 =	vld [tilespmem:s16+$0x8000]  }
0x1b6: {  	v15 =	vld [tilespmem:$0x1880];
	v0 =	vadd.f32 v1, v0;
	v1 =	vmul.f32 v11, v3  }
0x1b7: {  	v3 =	vld [tilespmem:s16+$0x8080]  }
0x1b8: {  	v16 =	vld [tilespmem:s16+$0x8100];
	v0 =	vadd.f32 v1, v0;
	v1 =	vmul.f32 v13, v12  }
0x1b9: {  	v17 =	vld [tilespmem:$0x1900]  }
0x1ba: {  	v18 =	vld [tilespmem:$0x1980];
	v0 =	vadd.f32 v1, v0;
	v1 =	vmul.f32 v14, v2  }
0x1bb: {  	v2 =	vld [tilespmem:s16+$0x8180]  }
0x1bc: {  	v19 =	vld [tilespmem:$0x1A00];
	v0 =	vadd.f32 v1, v0;
	v1 =	vmul.f32 v15, v3  }
0x1bd: {  	v3 =	vld [tilespmem:s16+$0x8200]  }
0x1be: {  	v20 =	vld [tilespmem:s16+$0x8280];
	v0 =	vadd.f32 v1, v0;
	v1 =	vmul.f32 v17, v16  }
0x1bf: {  	v21 =	vld [tilespmem:$0x1A80]  }
0x1c0: {  	v22 =	vld [tilespmem:$0x1B00];
	v0 =	vadd.f32 v1, v0;
	v1 =	vmul.f32 v18, v2  }
0x1c1: {  	v2 =	vld [tilespmem:s16+$0x8300]  }
0x1c2: {  	v23 =	vld [tilespmem:$0x1B80];
	v0 =	vadd.f32 v1, v0;
	v1 =	vmul.f32 v19, v3  }
0x1c3: {  	v3 =	vld [tilespmem:s16+$0x8380]  }
0x1c4: {  	v24 =	vld [tilespmem:s16+$0x9000];
	v0 =	vadd.f32 v1, v0;
	v1 =	vmul.f32 v21, v20  }
0x1c5: {  	v25 =	vld [tilespmem:$0x1C00]  }
0x1c6: {  	v26 =	vld [tilespmem:$0x1C80];
	v0 =	vadd.f32 v1, v0;
	v1 =	vmul.f32 v22, v2  }
0x1c7: {  	v2 =	vld [tilespmem:s16+$0x9080]  }
0x1c8: {  	v27 =	vld [tilespmem:$0x1D00];
	v0 =	vadd.f32 v1, v0;
	v1 =	vmul.f32 v23, v3  }
0x1c9: {  	v3 =	vld [tilespmem:s16+$0x9100]  }
0x1ca: {  	v28 =	vld [tilespmem:s16+$0x9180];
	v0 =	vadd.f32 v1, v0;
	v1 =	vmul.f32 v25, v24  }
0x1cb: {  	v29 =	vld [tilespmem:$0x1D80]  }
0x1cc: {  	v30 =	vld [tilespmem:$0x1E00];
	v0 =	vadd.f32 v1, v0;
	v1 =	vmul.f32 v26, v2  }
0x1cd: {  	v2 =	vld [tilespmem:s16+$0x9200]  }
0x1ce: {  	v31 =	vld [tilespmem:$0x1E80];
	v0 =	vadd.f32 v1, v0;
	v1 =	vmul.f32 v27, v3  }
0x1cf: {  	v3 =	vld [tilespmem:s16+$0x9280]  }
0x1d0: {  	v32 =	vld [tilespmem:s16+$0x9300];
	v0 =	vadd.f32 v1, v0;
	v1 =	vmul.f32 v29, v28  }
0x1d1: {  	v33 =	vld [tilespmem:$0x1F00]  }
0x1d2: {  	v34 =	vld [tilespmem:$0x1F80];
	v0 =	vadd.f32 v1, v0;
	v1 =	vmul.f32 v30, v2  }
0x1d3: {  	v2 =	vld [tilespmem:s16+$0x9380]  }
0x1d4: {  	v0 =	vadd.f32 v1, v0;
	v1 =	vmul.f32 v31, v3;
	_ =	sdelay $0x1  }
0x1d5: {  	v0 =	vadd.f32 v1, v0;
	v1 =	vmul.f32 v33, v32;
	_ =	sdelay $0x1  }
0x1d6: {  	v0 =	vadd.f32 v1, v0;
	v1 =	vmul.f32 v34, v2;
	_ =	sdelay $0x1  }
0x1d7: {  	s16 =	sadd.s32 s5, s9;
	v0 =	vadd.f32 v1, v0  }
0x1d8: {  	s11 =	sshrl.u32 s16, $0x3  }
0x1d9: {  	s11 =	sadd.s32 s7, s11;
	[tilespmem:s29+$0x12400] =	vst v0  }
0x1da: {  	[hbm4b:s11+s4] =	stream.linear.scatter [tilespmem:s20], [sflag:$0x5], $0x80, $0x38;
	[tilespmem:$0x12800] =	vst v63  }
0x1db: {  	s16 =	sadd.s32 $0x10, s11  }
0x1dc: {  	[hbm4b:s16+s4] =	stream.linear.scatter [tilespmem:s22], [sflag:$0x5], $0x80, $0x38;
	[tilespmem:$0x12800] =	vst v63  }
0x1dd: {  	s16 =	sadd.s32 $0x20, s11  }
0x1de: {  	[hbm4b:s16+s4] =	stream.linear.scatter [tilespmem:s24], [sflag:$0x5], $0x80, $0x38;
	[tilespmem:$0x12800] =	vst v63  }
0x1df: {  	p1 =	seq.s32 s25, $0xC;
	s11 =	sadd.s32 $0x30, s11  }
0x1e0: {  	[hbm4b:s11+s4] =	stream.linear.scatter [tilespmem:s26], [sflag:$0x5], $0x80, $0x38;
	[tilespmem:$0x12800] =	vst v63  }
0x1e1: {  	s28 =	simm.s32 @!p1 $0x1000;
	s30 =	simm.s32 @!p1 $0x2000;
	s11 =	sadd.s32 @!p1 s9, s12  }
0x1e2: {  	s29 =	simm.s32 @!p1 $0x7A1400;
	s16 =	sadd.s32 @!p1 s2, s11;
	s11 =	sshrl.u32 @!p1 s11, $0x3  }
0x1e3: {  	[tilespmem:s30], [sflag:$0x1] =	stream.strided.gather @!p1 [hbm4b:s16+s28], $0x8000, s29, s28, $0x38;
	[tilespmem:$0x12800] =	vst v63  }
0x1e4: {  	s11 =	sadd.s32 @!p1 s3, s11;
	s16 =	simm.s32 @!p1 $0x0;
	s28 =	simm.s32 @!p1 $0x12000  }
0x1e5: {  	[tilespmem:s28], [sflag:$0x3] =	stream.linear.gather @!p1 [hbm4b:s11+s16], $0x80, $0x38;
	[tilespmem:$0x12800] =	vst v63  }
0x1e6: {  	s29 =	simm.s32 @!p1 $0x12100;
	s28 =	sadd.s32 @!p1 $0x10, s11  }
0x1e7: {  	[tilespmem:s29], [sflag:$0x3] =	stream.linear.gather @!p1 [hbm4b:s28+s16], $0x80, $0x38;
	[tilespmem:$0x12800] =	vst v63  }
0x1e8: {  	s28 =	sadd.s32 @!p1 $0x20, s11;
	s29 =	simm.s32 @!p1 $0x12200  }
0x1e9: {  	[tilespmem:s29], [sflag:$0x3] =	stream.linear.gather @!p1 [hbm4b:s28+s16], $0x80, $0x38;
	[tilespmem:$0x12800] =	vst v63  }
0x1ea: {  	s11 =	sadd.s32 @!p1 $0x30, s11;
	s28 =	simm.s32 @!p1 $0x12300  }
0x1eb: {  	[tilespmem:s28], [sflag:$0x3] =	stream.linear.gather @!p1 [hbm4b:s11+s16], $0x80, $0x38;
	[tilespmem:$0x12800] =	vst v63  }
0x1ec: {  	_ =	swait.ge [sflag:s6], $0x8000  }
0x1ed: {  	[sflag:s6] =	ssyncset.done $0x0  }
0x1ee: {  	[sflag:s6] =	ssyncadd.s32 $0xFFFF8000  }
0x1ef: {  	_ =	swait.ge [sflag:s8], $0x200  }
0x1f0: {  	[sflag:s8] =	ssyncset.done $0x0  }
0x1f1: {  	s11 =	simm.s32 @!p0 $0x6;
	[sflag:s8] =	ssyncadd.s32 $0xFFFFFE00  }
0x1f2: {  	s16 =	simm.s32 $0x0;
	s28 =	simm.s32 $0x0;
	_ =	swait.ge @!p0 [sflag:s11], $0x200  }
0x1f3: {  	s16 =	sand.u32 $0x70, s16;
	s28 =	sand.u32 $0xFFFFFF00, s28;
	[sflag:s11] =	ssyncset.done @!p0 $0x0  }
0x1f4: {  	[sflag:s11] =	ssyncadd.s32 @!p0 $0xFFFFFE00;
	s11 =	sor.u32 s16, s28;
	s28 =	simm.s32 $0x0  }
0x1f5: {  	v0 =	vld [tilespmem:s11+$0x12080];
	s28 =	sand.u32 $0x3FFFFC00, s28  }
0x1f6: {  	v1 =	vld [tilespmem:$0x0];
	s16 =	sor.u32 s16, s28  }
0x1f7: {  	v2 =	vld [tilespmem:s16+$0xA000]  }
0x1f8: {  	v35 =	vld [tilespmem:$0x80]  }
0x1f9: {  	v3 =	vld [tilespmem:s16+$0xA080]  }
0x1fa: {  	v37 =	vld [tilespmem:$0x100]  }
0x1fb: {  	v36 =	vld [tilespmem:s16+$0xA100]  }
0x1fc: {  	v38 =	vld [tilespmem:$0x180];
	v1 =	vmul.f32 v1, v2  }
0x1fd: {  	v2 =	vld [tilespmem:s16+$0xA180]  }
0x1fe: {  	v39 =	vld [tilespmem:$0x200];
	v0 =	vadd.f32 v1, v0;
	v1 =	vmul.f32 v35, v3  }
0x1ff: {  	v3 =	vld [tilespmem:s16+$0xA200]  }
0x200: {  	v41 =	vld [tilespmem:$0x280];
	v0 =	vadd.f32 v1, v0;
	v1 =	vmul.f32 v37, v36  }
0x201: {  	v40 =	vld [tilespmem:s16+$0xA280]  }
0x202: {  	v42 =	vld [tilespmem:$0x300];
	v0 =	vadd.f32 v1, v0;
	v1 =	vmul.f32 v38, v2  }
0x203: {  	v2 =	vld [tilespmem:s16+$0xA300]  }
0x204: {  	v43 =	vld [tilespmem:$0x380];
	v0 =	vadd.f32 v1, v0;
	v1 =	vmul.f32 v39, v3  }
0x205: {  	v3 =	vld [tilespmem:s16+$0xA380]  }
0x206: {  	v45 =	vld [tilespmem:$0x400];
	v0 =	vadd.f32 v1, v0;
	v1 =	vmul.f32 v41, v40  }
0x207: {  	v44 =	vld [tilespmem:s16+$0xB000]  }
0x208: {  	v46 =	vld [tilespmem:$0x480];
	v0 =	vadd.f32 v1, v0;
	v1 =	vmul.f32 v42, v2  }
0x209: {  	v2 =	vld [tilespmem:s16+$0xB080]  }
0x20a: {  	v47 =	vld [tilespmem:$0x500];
	v0 =	vadd.f32 v1, v0;
	v1 =	vmul.f32 v43, v3  }
0x20b: {  	v3 =	vld [tilespmem:s16+$0xB100]  }
0x20c: {  	v49 =	vld [tilespmem:$0x580];
	v0 =	vadd.f32 v1, v0;
	v1 =	vmul.f32 v45, v44  }
0x20d: {  	v48 =	vld [tilespmem:s16+$0xB180]  }
0x20e: {  	v50 =	vld [tilespmem:$0x600];
	v0 =	vadd.f32 v1, v0;
	v1 =	vmul.f32 v46, v2  }
0x20f: {  	v2 =	vld [tilespmem:s16+$0xB200]  }
0x210: {  	v51 =	vld [tilespmem:$0x680];
	v0 =	vadd.f32 v1, v0;
	v1 =	vmul.f32 v47, v3  }
0x211: {  	v3 =	vld [tilespmem:s16+$0xB280]  }
0x212: {  	v53 =	vld [tilespmem:$0x700];
	v0 =	vadd.f32 v1, v0;
	v1 =	vmul.f32 v49, v48  }
0x213: {  	v52 =	vld [tilespmem:s16+$0xB300]  }
0x214: {  	v54 =	vld [tilespmem:$0x780];
	v0 =	vadd.f32 v1, v0;
	v1 =	vmul.f32 v50, v2  }
0x215: {  	v2 =	vld [tilespmem:s16+$0xB380]  }
0x216: {  	v55 =	vld [tilespmem:$0x800];
	v0 =	vadd.f32 v1, v0;
	v1 =	vmul.f32 v51, v3  }
0x217: {  	v3 =	vld [tilespmem:s16+$0xC000]  }
0x218: {  	v57 =	vld [tilespmem:$0x880];
	v0 =	vadd.f32 v1, v0;
	v1 =	vmul.f32 v53, v52  }
0x219: {  	v56 =	vld [tilespmem:s16+$0xC080]  }
0x21a: {  	v58 =	vld [tilespmem:$0x900];
	v0 =	vadd.f32 v1, v0;
	v1 =	vmul.f32 v54, v2  }
0x21b: {  	v2 =	vld [tilespmem:s16+$0xC100]  }
0x21c: {  	v59 =	vld [tilespmem:$0x980];
	v0 =	vadd.f32 v1, v0;
	v1 =	vmul.f32 v55, v3  }
0x21d: {  	v3 =	vld [tilespmem:s16+$0xC180]  }
0x21e: {  	v61 =	vld [tilespmem:$0xA00];
	v0 =	vadd.f32 v1, v0;
	v1 =	vmul.f32 v57, v56  }
0x21f: {  	v60 =	vld [tilespmem:s16+$0xC200]  }
0x220: {  	v62 =	vld [tilespmem:$0xA80];
	v0 =	vadd.f32 v1, v0;
	v1 =	vmul.f32 v58, v2  }
0x221: {  	v2 =	vld [tilespmem:s16+$0xC280]  }
0x222: {  	v63 =	vld [tilespmem:$0xB00];
	v0 =	vadd.f32 v1, v0;
	v1 =	vmul.f32 v59, v3  }
0x223: {  	v3 =	vld [tilespmem:s16+$0xC300]  }
0x224: {  	v10 =	vld [tilespmem:$0xB80];
	v0 =	vadd.f32 v1, v0;
	v1 =	vmul.f32 v61, v60  }
0x225: {  	v9 =	vld [tilespmem:s16+$0xC380]  }
0x226: {  	v11 =	vld [tilespmem:$0xC00];
	v0 =	vadd.f32 v1, v0;
	v1 =	vmul.f32 v62, v2  }
0x227: {  	v2 =	vld [tilespmem:s16+$0xD000]  }
0x228: {  	v12 =	vld [tilespmem:$0xC80];
	v0 =	vadd.f32 v1, v0;
	v1 =	vmul.f32 v63, v3  }
0x229: {  	v3 =	vld [tilespmem:s16+$0xD080]  }
0x22a: {  	v14 =	vld [tilespmem:$0xD00];
	v0 =	vadd.f32 v1, v0;
	v1 =	vmul.f32 v10, v9  }
0x22b: {  	v13 =	vld [tilespmem:s16+$0xD100]  }
0x22c: {  	v15 =	vld [tilespmem:$0xD80];
	v0 =	vadd.f32 v1, v0;
	v1 =	vmul.f32 v11, v2  }
0x22d: {  	v2 =	vld [tilespmem:s16+$0xD180]  }
0x22e: {  	v16 =	vld [tilespmem:$0xE00];
	v0 =	vadd.f32 v1, v0;
	v1 =	vmul.f32 v12, v3  }
0x22f: {  	v3 =	vld [tilespmem:s16+$0xD200]  }
0x230: {  	v18 =	vld [tilespmem:$0xE80];
	v0 =	vadd.f32 v1, v0;
	v1 =	vmul.f32 v14, v13  }
0x231: {  	v17 =	vld [tilespmem:s16+$0xD280]  }
0x232: {  	v19 =	vld [tilespmem:$0xF00];
	v0 =	vadd.f32 v1, v0;
	v1 =	vmul.f32 v15, v2  }
0x233: {  	v2 =	vld [tilespmem:s16+$0xD300]  }
0x234: {  	v20 =	vld [tilespmem:$0xF80];
	v0 =	vadd.f32 v1, v0;
	v1 =	vmul.f32 v16, v3  }
0x235: {  	v3 =	vld [tilespmem:s16+$0xD380]  }
0x236: {  	v22 =	vld [tilespmem:$0x1000];
	v0 =	vadd.f32 v1, v0;
	v1 =	vmul.f32 v18, v17  }
0x237: {  	v21 =	vld [tilespmem:s16+$0xE000]  }
0x238: {  	v23 =	vld [tilespmem:$0x1080];
	v0 =	vadd.f32 v1, v0;
	v1 =	vmul.f32 v19, v2  }
0x239: {  	v2 =	vld [tilespmem:s16+$0xE080]  }
0x23a: {  	v24 =	vld [tilespmem:$0x1100];
	v0 =	vadd.f32 v1, v0;
	v1 =	vmul.f32 v20, v3  }
0x23b: {  	v3 =	vld [tilespmem:s16+$0xE100]  }
0x23c: {  	v26 =	vld [tilespmem:$0x1180];
	v0 =	vadd.f32 v1, v0;
	v1 =	vmul.f32 v22, v21  }
0x23d: {  	v25 =	vld [tilespmem:s16+$0xE180]  }
0x23e: {  	v27 =	vld [tilespmem:$0x1200];
	v0 =	vadd.f32 v1, v0;
	v1 =	vmul.f32 v23, v2  }
0x23f: {  	v2 =	vld [tilespmem:s16+$0xE200]  }
0x240: {  	v28 =	vld [tilespmem:$0x1280];
	v0 =	vadd.f32 v1, v0;
	v1 =	vmul.f32 v24, v3  }
0x241: {  	v3 =	vld [tilespmem:s16+$0xE280]  }
0x242: {  	v30 =	vld [tilespmem:$0x1300];
	v0 =	vadd.f32 v1, v0;
	v1 =	vmul.f32 v26, v25  }
0x243: {  	v29 =	vld [tilespmem:s16+$0xE300]  }
0x244: {  	v31 =	vld [tilespmem:$0x1380];
	v0 =	vadd.f32 v1, v0;
	v1 =	vmul.f32 v27, v2  }
0x245: {  	v2 =	vld [tilespmem:s16+$0xE380]  }
0x246: {  	v32 =	vld [tilespmem:$0x1400];
	v0 =	vadd.f32 v1, v0;
	v1 =	vmul.f32 v28, v3  }
0x247: {  	v3 =	vld [tilespmem:s16+$0xF000]  }
0x248: {  	v34 =	vld [tilespmem:$0x1480];
	v0 =	vadd.f32 v1, v0;
	v1 =	vmul.f32 v30, v29  }
0x249: {  	v33 =	vld [tilespmem:s16+$0xF080]  }
0x24a: {  	v35 =	vld [tilespmem:$0x1500];
	v0 =	vadd.f32 v1, v0;
	v1 =	vmul.f32 v31, v2  }
0x24b: {  	v2 =	vld [tilespmem:s16+$0xF100]  }
0x24c: {  	v36 =	vld [tilespmem:$0x1580];
	v0 =	vadd.f32 v1, v0;
	v1 =	vmul.f32 v32, v3  }
0x24d: {  	v3 =	vld [tilespmem:s16+$0xF180]  }
0x24e: {  	v37 =	vld [tilespmem:s16+$0xF200];
	v0 =	vadd.f32 v1, v0;
	v1 =	vmul.f32 v34, v33  }
0x24f: {  	v38 =	vld [tilespmem:$0x1600]  }
0x250: {  	v39 =	vld [tilespmem:$0x1680];
	v0 =	vadd.f32 v1, v0;
	v1 =	vmul.f32 v35, v2  }
0x251: {  	v2 =	vld [tilespmem:s16+$0xF280]  }
0x252: {  	v40 =	vld [tilespmem:$0x1700];
	v0 =	vadd.f32 v1, v0;
	v1 =	vmul.f32 v36, v3  }
0x253: {  	v3 =	vld [tilespmem:s16+$0xF300]  }
0x254: {  	v41 =	vld [tilespmem:s16+$0xF380];
	v0 =	vadd.f32 v1, v0;
	v1 =	vmul.f32 v38, v37  }
0x255: {  	v42 =	vld [tilespmem:$0x1780]  }
0x256: {  	v43 =	vld [tilespmem:$0x1800];
	v0 =	vadd.f32 v1, v0;
	v1 =	vmul.f32 v39, v2  }
0x257: {  	v2 =	vld [tilespmem:s16+$0x10000]  }
0x258: {  	v44 =	vld [tilespmem:$0x1880];
	v0 =	vadd.f32 v1, v0;
	v1 =	vmul.f32 v40, v3  }
0x259: {  	v3 =	vld [tilespmem:s16+$0x10080]  }
0x25a: {  	v45 =	vld [tilespmem:s16+$0x10100];
	v0 =	vadd.f32 v1, v0;
	v1 =	vmul.f32 v42, v41  }
0x25b: {  	v46 =	vld [tilespmem:$0x1900]  }
0x25c: {  	v47 =	vld [tilespmem:$0x1980];
	v0 =	vadd.f32 v1, v0;
	v1 =	vmul.f32 v43, v2  }
0x25d: {  	v2 =	vld [tilespmem:s16+$0x10180]  }
0x25e: {  	v48 =	vld [tilespmem:$0x1A00];
	v0 =	vadd.f32 v1, v0;
	v1 =	vmul.f32 v44, v3  }
0x25f: {  	v3 =	vld [tilespmem:s16+$0x10200]  }
0x260: {  	v49 =	vld [tilespmem:s16+$0x10280];
	v0 =	vadd.f32 v1, v0;
	v1 =	vmul.f32 v46, v45  }
0x261: {  	v50 =	vld [tilespmem:$0x1A80]  }
0x262: {  	v51 =	vld [tilespmem:$0x1B00];
	v0 =	vadd.f32 v1, v0;
	v1 =	vmul.f32 v47, v2  }
0x263: {  	v2 =	vld [tilespmem:s16+$0x10300]  }
0x264: {  	v52 =	vld [tilespmem:$0x1B80];
	v0 =	vadd.f32 v1, v0;
	v1 =	vmul.f32 v48, v3  }
0x265: {  	v3 =	vld [tilespmem:s16+$0x10380]  }
0x266: {  	v53 =	vld [tilespmem:s16+$0x11000];
	v0 =	vadd.f32 v1, v0;
	v1 =	vmul.f32 v50, v49  }
0x267: {  	v54 =	vld [tilespmem:$0x1C00]  }
0x268: {  	v55 =	vld [tilespmem:$0x1C80];
	v0 =	vadd.f32 v1, v0;
	v1 =	vmul.f32 v51, v2  }
0x269: {  	v2 =	vld [tilespmem:s16+$0x11080]  }
0x26a: {  	v56 =	vld [tilespmem:$0x1D00];
	v0 =	vadd.f32 v1, v0;
	v1 =	vmul.f32 v52, v3  }
0x26b: {  	v3 =	vld [tilespmem:s16+$0x11100]  }
0x26c: {  	v57 =	vld [tilespmem:s16+$0x11180];
	v0 =	vadd.f32 v1, v0;
	v1 =	vmul.f32 v54, v53  }
0x26d: {  	v58 =	vld [tilespmem:$0x1D80]  }
0x26e: {  	v59 =	vld [tilespmem:$0x1E00];
	v0 =	vadd.f32 v1, v0;
	v1 =	vmul.f32 v55, v2  }
0x26f: {  	v2 =	vld [tilespmem:s16+$0x11200]  }
0x270: {  	v60 =	vld [tilespmem:$0x1E80];
	v0 =	vadd.f32 v1, v0;
	v1 =	vmul.f32 v56, v3  }
0x271: {  	v3 =	vld [tilespmem:s16+$0x11280]  }
0x272: {  	v61 =	vld [tilespmem:s16+$0x11300];
	v0 =	vadd.f32 v1, v0;
	v1 =	vmul.f32 v58, v57  }
0x273: {  	v62 =	vld [tilespmem:$0x1F00]  }
0x274: {  	v63 =	vld [tilespmem:$0x1F80];
	v0 =	vadd.f32 v1, v0;
	v1 =	vmul.f32 v59, v2  }
0x275: {  	v2 =	vld [tilespmem:s16+$0x11380]  }
0x276: {  	v0 =	vadd.f32 v1, v0;
	v1 =	vmul.f32 v60, v3;
	_ =	sdelay $0x1  }
0x277: {  	v0 =	vadd.f32 v1, v0;
	v1 =	vmul.f32 v62, v61;
	_ =	sdelay $0x1  }
0x278: {  	v0 =	vadd.f32 v1, v0;
	v1 =	vmul.f32 v63, v2  }
0x279: {  	s28 =	simm.s32 $0x20;
	s16 =	simm.s32 $0x10  }
0x27a: {  	s28 =	sand.u32 $0xFFFFFF00, s28;
	s30 =	sand.u32 $0x70, s16;
	v0 =	vadd.f32 v1, v0  }
0x27b: {  	s31 =	simm.s32 $0x80;
	s29 =	sor.u32 s30, s28;
	s28 =	simm.s32 $0x2  }
.LBB2_5:
0x27c: {  	p0 =	sne.s32 s28, $0x1F;
	v1 =	vld [tilespmem:s29+$0x12080];
	s31 =	sand.u32 $0x3FFFFC00, s31;
	[tilespmem:s11+$0x12480] =	vst v0;
	s11 =	smov.u32 s29  }
0x27d: {  	s29 =	sor.u32 s30, s31;
	v0 =	vld [tilespmem:$0x0]  }
0x27e: {  	v2 =	vld [tilespmem:s29+$0xA000]  }
0x27f: {  	v3 =	vld [tilespmem:s29+$0xA080]  }
0x280: {  	v4 =	vld [tilespmem:$0x80]  }
0x281: {  	v5 =	vld [tilespmem:s29+$0xA100]  }
0x282: {  	v6 =	vld [tilespmem:$0x100]  }
0x283: {  	v0 =	vmul.f32 v0, v2;
	v2 =	vld [tilespmem:s29+$0xA180]  }
0x284: {  	v7 =	vld [tilespmem:$0x180]  }
0x285: {  	v0 =	vadd.f32 v0, v1;
	v1 =	vmul.f32 v4, v3;
	v3 =	vld [tilespmem:s29+$0xA200]  }
0x286: {  	v4 =	vld [tilespmem:$0x200]  }
0x287: {  	v0 =	vadd.f32 v1, v0;
	v1 =	vmul.f32 v6, v5;
	v5 =	vld [tilespmem:s29+$0xA280]  }
0x288: {  	v6 =	vld [tilespmem:$0x280]  }
0x289: {  	v0 =	vadd.f32 v1, v0;
	v1 =	vmul.f32 v7, v2;
	v2 =	vld [tilespmem:s29+$0xA300]  }
0x28a: {  	v7 =	vld [tilespmem:$0x300]  }
0x28b: {  	v0 =	vadd.f32 v1, v0;
	v1 =	vmul.f32 v4, v3;
	v3 =	vld [tilespmem:s29+$0xA380]  }
0x28c: {  	v4 =	vld [tilespmem:$0x380]  }
0x28d: {  	v0 =	vadd.f32 v1, v0;
	v1 =	vmul.f32 v6, v5;
	v5 =	vld [tilespmem:s29+$0xB000]  }
0x28e: {  	v6 =	vld [tilespmem:$0x400]  }
0x28f: {  	v0 =	vadd.f32 v1, v0;
	v1 =	vmul.f32 v7, v2;
	v2 =	vld [tilespmem:s29+$0xB080]  }
0x290: {  	v7 =	vld [tilespmem:$0x480]  }
0x291: {  	v0 =	vadd.f32 v1, v0;
	v1 =	vmul.f32 v4, v3;
	v3 =	vld [tilespmem:s29+$0xB100]  }
0x292: {  	v4 =	vld [tilespmem:$0x500]  }
0x293: {  	v0 =	vadd.f32 v1, v0;
	v1 =	vmul.f32 v6, v5;
	v5 =	vld [tilespmem:s29+$0xB180]  }
0x294: {  	v6 =	vld [tilespmem:$0x580]  }
0x295: {  	v0 =	vadd.f32 v1, v0;
	v1 =	vmul.f32 v7, v2;
	v2 =	vld [tilespmem:s29+$0xB200]  }
0x296: {  	v7 =	vld [tilespmem:$0x600]  }
0x297: {  	v0 =	vadd.f32 v1, v0;
	v1 =	vmul.f32 v4, v3;
	v3 =	vld [tilespmem:s29+$0xB280]  }
0x298: {  	v4 =	vld [tilespmem:$0x680]  }
0x299: {  	v0 =	vadd.f32 v1, v0;
	v1 =	vmul.f32 v6, v5;
	v5 =	vld [tilespmem:s29+$0xB300]  }
0x29a: {  	v6 =	vld [tilespmem:$0x700]  }
0x29b: {  	v0 =	vadd.f32 v1, v0;
	v1 =	vmul.f32 v7, v2;
	v2 =	vld [tilespmem:s29+$0xB380]  }
0x29c: {  	v7 =	vld [tilespmem:$0x780]  }
0x29d: {  	v0 =	vadd.f32 v1, v0;
	v1 =	vmul.f32 v4, v3;
	v3 =	vld [tilespmem:s29+$0xC000]  }
0x29e: {  	v4 =	vld [tilespmem:$0x800]  }
0x29f: {  	v0 =	vadd.f32 v1, v0;
	v1 =	vmul.f32 v6, v5;
	v5 =	vld [tilespmem:s29+$0xC080]  }
0x2a0: {  	v6 =	vld [tilespmem:$0x880]  }
0x2a1: {  	v0 =	vadd.f32 v1, v0;
	v1 =	vmul.f32 v7, v2;
	v2 =	vld [tilespmem:s29+$0xC100]  }
0x2a2: {  	v7 =	vld [tilespmem:$0x900]  }
0x2a3: {  	v0 =	vadd.f32 v1, v0;
	v1 =	vmul.f32 v4, v3;
	v3 =	vld [tilespmem:s29+$0xC180]  }
0x2a4: {  	v4 =	vld [tilespmem:$0x980]  }
0x2a5: {  	v0 =	vadd.f32 v1, v0;
	v1 =	vmul.f32 v6, v5;
	v5 =	vld [tilespmem:s29+$0xC200]  }
0x2a6: {  	v6 =	vld [tilespmem:$0xA00]  }
0x2a7: {  	v0 =	vadd.f32 v1, v0;
	v1 =	vmul.f32 v7, v2;
	v2 =	vld [tilespmem:s29+$0xC280]  }
0x2a8: {  	v7 =	vld [tilespmem:$0xA80]  }
0x2a9: {  	v0 =	vadd.f32 v1, v0;
	v1 =	vmul.f32 v4, v3;
	v3 =	vld [tilespmem:s29+$0xC300]  }
0x2aa: {  	v4 =	vld [tilespmem:$0xB00]  }
0x2ab: {  	v0 =	vadd.f32 v1, v0;
	v1 =	vmul.f32 v6, v5;
	v5 =	vld [tilespmem:s29+$0xC380]  }
0x2ac: {  	v6 =	vld [tilespmem:$0xB80]  }
0x2ad: {  	v0 =	vadd.f32 v1, v0;
	v1 =	vmul.f32 v7, v2;
	v2 =	vld [tilespmem:s29+$0xD000]  }
0x2ae: {  	v7 =	vld [tilespmem:$0xC00]  }
0x2af: {  	v0 =	vadd.f32 v1, v0;
	v1 =	vmul.f32 v4, v3;
	v3 =	vld [tilespmem:s29+$0xD080]  }
0x2b0: {  	v4 =	vld [tilespmem:$0xC80]  }
0x2b1: {  	v0 =	vadd.f32 v1, v0;
	v1 =	vmul.f32 v6, v5;
	v5 =	vld [tilespmem:s29+$0xD100]  }
0x2b2: {  	v6 =	vld [tilespmem:$0xD00]  }
0x2b3: {  	v0 =	vadd.f32 v1, v0;
	v1 =	vmul.f32 v7, v2;
	v2 =	vld [tilespmem:s29+$0xD180]  }
0x2b4: {  	v7 =	vld [tilespmem:$0xD80]  }
0x2b5: {  	v0 =	vadd.f32 v1, v0;
	v1 =	vmul.f32 v4, v3;
	v3 =	vld [tilespmem:s29+$0xD200]  }
0x2b6: {  	v4 =	vld [tilespmem:$0xE00]  }
0x2b7: {  	v0 =	vadd.f32 v1, v0;
	v1 =	vmul.f32 v6, v5;
	v5 =	vld [tilespmem:s29+$0xD280]  }
0x2b8: {  	v6 =	vld [tilespmem:$0xE80]  }
0x2b9: {  	v0 =	vadd.f32 v1, v0;
	v1 =	vmul.f32 v7, v2;
	v2 =	vld [tilespmem:s29+$0xD300]  }
0x2ba: {  	v7 =	vld [tilespmem:$0xF00]  }
0x2bb: {  	v0 =	vadd.f32 v1, v0;
	v1 =	vmul.f32 v4, v3;
	v3 =	vld [tilespmem:s29+$0xD380]  }
0x2bc: {  	v4 =	vld [tilespmem:$0xF80]  }
0x2bd: {  	v0 =	vadd.f32 v1, v0;
	v1 =	vmul.f32 v6, v5;
	v5 =	vld [tilespmem:s29+$0xE000]  }
0x2be: {  	v6 =	vld [tilespmem:$0x1000]  }
0x2bf: {  	v0 =	vadd.f32 v1, v0;
	v1 =	vmul.f32 v7, v2;
	v2 =	vld [tilespmem:s29+$0xE080]  }
0x2c0: {  	v7 =	vld [tilespmem:$0x1080]  }
0x2c1: {  	v0 =	vadd.f32 v1, v0;
	v1 =	vmul.f32 v4, v3;
	v3 =	vld [tilespmem:s29+$0xE100]  }
0x2c2: {  	v4 =	vld [tilespmem:$0x1100]  }
0x2c3: {  	v0 =	vadd.f32 v1, v0;
	v1 =	vmul.f32 v6, v5;
	v5 =	vld [tilespmem:s29+$0xE180]  }
0x2c4: {  	v6 =	vld [tilespmem:$0x1180]  }
0x2c5: {  	v0 =	vadd.f32 v1, v0;
	v1 =	vmul.f32 v7, v2;
	v2 =	vld [tilespmem:s29+$0xE200]  }
0x2c6: {  	v7 =	vld [tilespmem:$0x1200]  }
0x2c7: {  	v0 =	vadd.f32 v1, v0;
	v1 =	vmul.f32 v4, v3;
	v3 =	vld [tilespmem:s29+$0xE280]  }
0x2c8: {  	v4 =	vld [tilespmem:$0x1280]  }
0x2c9: {  	v0 =	vadd.f32 v1, v0;
	v1 =	vmul.f32 v6, v5;
	v5 =	vld [tilespmem:s29+$0xE300]  }
0x2ca: {  	v6 =	vld [tilespmem:$0x1300]  }
0x2cb: {  	v0 =	vadd.f32 v1, v0;
	v1 =	vmul.f32 v7, v2;
	v2 =	vld [tilespmem:s29+$0xE380]  }
0x2cc: {  	v7 =	vld [tilespmem:$0x1380]  }
0x2cd: {  	v0 =	vadd.f32 v1, v0;
	v1 =	vmul.f32 v4, v3;
	v3 =	vld [tilespmem:s29+$0xF000]  }
0x2ce: {  	v4 =	vld [tilespmem:$0x1400]  }
0x2cf: {  	v0 =	vadd.f32 v1, v0;
	v1 =	vmul.f32 v6, v5;
	v5 =	vld [tilespmem:s29+$0xF080]  }
0x2d0: {  	v6 =	vld [tilespmem:$0x1480]  }
0x2d1: {  	v0 =	vadd.f32 v1, v0;
	v1 =	vmul.f32 v7, v2;
	v2 =	vld [tilespmem:s29+$0xF100]  }
0x2d2: {  	v7 =	vld [tilespmem:$0x1500]  }
0x2d3: {  	v0 =	vadd.f32 v1, v0;
	v1 =	vmul.f32 v4, v3;
	v3 =	vld [tilespmem:s29+$0xF180]  }
0x2d4: {  	v4 =	vld [tilespmem:$0x1580]  }
0x2d5: {  	v0 =	vadd.f32 v1, v0;
	v1 =	vmul.f32 v6, v5;
	v5 =	vld [tilespmem:s29+$0xF200]  }
0x2d6: {  	v6 =	vld [tilespmem:$0x1600]  }
0x2d7: {  	v0 =	vadd.f32 v1, v0;
	v1 =	vmul.f32 v7, v2;
	v2 =	vld [tilespmem:s29+$0xF280]  }
0x2d8: {  	v7 =	vld [tilespmem:$0x1680]  }
0x2d9: {  	v0 =	vadd.f32 v1, v0;
	v1 =	vmul.f32 v4, v3;
	v3 =	vld [tilespmem:s29+$0xF300]  }
0x2da: {  	v4 =	vld [tilespmem:$0x1700]  }
0x2db: {  	v0 =	vadd.f32 v1, v0;
	v1 =	vmul.f32 v6, v5;
	v5 =	vld [tilespmem:s29+$0xF380]  }
0x2dc: {  	v6 =	vld [tilespmem:$0x1780]  }
0x2dd: {  	v0 =	vadd.f32 v1, v0;
	v1 =	vmul.f32 v7, v2;
	v2 =	vld [tilespmem:s29+$0x10000]  }
0x2de: {  	v7 =	vld [tilespmem:$0x1800]  }
0x2df: {  	v0 =	vadd.f32 v1, v0;
	v1 =	vmul.f32 v4, v3;
	v3 =	vld [tilespmem:s29+$0x10080]  }
0x2e0: {  	v4 =	vld [tilespmem:$0x1880]  }
0x2e1: {  	v0 =	vadd.f32 v1, v0;
	v1 =	vmul.f32 v6, v5;
	v5 =	vld [tilespmem:s29+$0x10100]  }
0x2e2: {  	v6 =	vld [tilespmem:$0x1900]  }
0x2e3: {  	v0 =	vadd.f32 v1, v0;
	v1 =	vmul.f32 v7, v2;
	v2 =	vld [tilespmem:s29+$0x10180]  }
0x2e4: {  	v7 =	vld [tilespmem:$0x1980]  }
0x2e5: {  	v0 =	vadd.f32 v1, v0;
	v1 =	vmul.f32 v4, v3;
	v3 =	vld [tilespmem:s29+$0x10200]  }
0x2e6: {  	v4 =	vld [tilespmem:$0x1A00]  }
0x2e7: {  	v0 =	vadd.f32 v1, v0;
	v1 =	vmul.f32 v6, v5;
	v5 =	vld [tilespmem:s29+$0x10280]  }
0x2e8: {  	v6 =	vld [tilespmem:$0x1A80]  }
0x2e9: {  	v0 =	vadd.f32 v1, v0;
	v1 =	vmul.f32 v7, v2;
	v2 =	vld [tilespmem:s29+$0x10300]  }
0x2ea: {  	v7 =	vld [tilespmem:$0x1B00]  }
0x2eb: {  	v0 =	vadd.f32 v1, v0;
	v1 =	vmul.f32 v4, v3;
	v3 =	vld [tilespmem:s29+$0x10380]  }
0x2ec: {  	v4 =	vld [tilespmem:$0x1B80]  }
0x2ed: {  	v0 =	vadd.f32 v1, v0;
	v1 =	vmul.f32 v6, v5;
	v5 =	vld [tilespmem:s29+$0x11000]  }
0x2ee: {  	v6 =	vld [tilespmem:$0x1C00]  }
0x2ef: {  	v0 =	vadd.f32 v1, v0;
	v1 =	vmul.f32 v7, v2;
	v2 =	vld [tilespmem:s29+$0x11080]  }
0x2f0: {  	v7 =	vld [tilespmem:$0x1C80]  }
0x2f1: {  	v0 =	vadd.f32 v1, v0;
	v1 =	vmul.f32 v4, v3;
	v3 =	vld [tilespmem:s29+$0x11100]  }
0x2f2: {  	v4 =	vld [tilespmem:$0x1D00]  }
0x2f3: {  	v0 =	vadd.f32 v1, v0;
	v1 =	vmul.f32 v6, v5;
	v5 =	vld [tilespmem:s29+$0x11180]  }
0x2f4: {  	v6 =	vld [tilespmem:$0x1D80]  }
0x2f5: {  	v0 =	vadd.f32 v1, v0;
	v1 =	vmul.f32 v7, v2;
	v2 =	vld [tilespmem:s29+$0x11200]  }
0x2f6: {  	v7 =	vld [tilespmem:$0x1E00]  }
0x2f7: {  	v0 =	vadd.f32 v1, v0;
	v1 =	vmul.f32 v4, v3;
	v3 =	vld [tilespmem:s29+$0x11280]  }
0x2f8: {  	v4 =	vld [tilespmem:$0x1E80]  }
0x2f9: {  	v0 =	vadd.f32 v1, v0;
	v1 =	vmul.f32 v6, v5;
	v5 =	vld [tilespmem:s29+$0x11300]  }
0x2fa: {  	v6 =	vld [tilespmem:$0x1F00]  }
0x2fb: {  	v0 =	vadd.f32 v1, v0;
	v1 =	vmul.f32 v7, v2;
	v2 =	vld [tilespmem:s29+$0x11380]  }
0x2fc: {  	v7 =	vld [tilespmem:$0x1F80]  }
0x2fd: {  	v0 =	vadd.f32 v1, v0;
	v1 =	vmul.f32 v4, v3;
	_ =	sdelay $0x1  }
0x2fe: {  	v0 =	vadd.f32 v1, v0;
	v1 =	vmul.f32 v6, v5  }
.Ltmp3:
0x2ff: {  	(pc) =	sbr.rel @p0 .LBB2_5-.Ltmp3, $4  }
0x300: {  	v0 =	vadd.f32 v1, v0;
	v1 =	vmul.f32 v7, v2  }
0x301: {  	s16 =	sadd.s32 $0x10, s16;
	s29 =	sshll.u32 s28, $0x5  }
0x302: {  	s30 =	sand.u32 $0x70, s16;
	s29 =	sand.u32 $0xFFFFFF00, s29;
	v0 =	vadd.f32 v1, v0  }
0x303: {  	s31 =	sshll.u32 s28, $0x7;
	s28 =	sadd.s32 $0x1, s28;
	s29 =	sor.u32 s30, s29  }
0x304: {  	v1 =	vld [tilespmem:s29+$0x12080];
	s16 =	sand.u32 $0x3FFFFC00, s31;
	[tilespmem:s11+$0x12480] =	vst v0  }
0x305: {  	s16 =	sor.u32 s30, s16;
	v0 =	vld [tilespmem:$0x0]  }
0x306: {  	v2 =	vld [tilespmem:s16+$0xA000]  }
0x307: {  	v4 =	vld [tilespmem:$0x80]  }
0x308: {  	v3 =	vld [tilespmem:s16+$0xA080]  }
0x309: {  	v6 =	vld [tilespmem:$0x100]  }
0x30a: {  	v5 =	vld [tilespmem:s16+$0xA100]  }
0x30b: {  	v7 =	vld [tilespmem:$0x180];
	v0 =	vmul.f32 v0, v2  }
0x30c: {  	v46 =	vld [tilespmem:s16+$0xA180]  }
0x30d: {  	v49 =	vld [tilespmem:$0x200];
	v47 =	vmul.f32 v4, v3;
	v0 =	vadd.f32 v0, v1  }
0x30e: {  	v48 =	vld [tilespmem:s16+$0xA200]  }
0x30f: {  	v52 =	vld [tilespmem:$0x280];
	v50 =	vmul.f32 v6, v5;
	v0 =	vadd.f32 v47, v0  }
0x310: {  	v51 =	vld [tilespmem:s16+$0xA280]  }
0x311: {  	v55 =	vld [tilespmem:$0x300];
	v53 =	vmul.f32 v7, v46;
	v0 =	vadd.f32 v50, v0  }
0x312: {  	v54 =	vld [tilespmem:s16+$0xA300]  }
0x313: {  	v58 =	vld [tilespmem:$0x380];
	v56 =	vmul.f32 v49, v48;
	v0 =	vadd.f32 v53, v0  }
0x314: {  	v57 =	vld [tilespmem:s16+$0xA380]  }
0x315: {  	v61 =	vld [tilespmem:$0x400];
	v59 =	vmul.f32 v52, v51;
	v0 =	vadd.f32 v56, v0  }
0x316: {  	v60 =	vld [tilespmem:s16+$0xB000]  }
0x317: {  	v9 =	vld [tilespmem:$0x480];
	v62 =	vmul.f32 v55, v54;
	v0 =	vadd.f32 v59, v0  }
0x318: {  	v63 =	vld [tilespmem:s16+$0xB080]  }
0x319: {  	v12 =	vld [tilespmem:$0x500];
	v10 =	vmul.f32 v58, v57;
	v0 =	vadd.f32 v62, v0  }
0x31a: {  	v11 =	vld [tilespmem:s16+$0xB100]  }
0x31b: {  	v15 =	vld [tilespmem:$0x580];
	v13 =	vmul.f32 v61, v60;
	v0 =	vadd.f32 v10, v0  }
0x31c: {  	v14 =	vld [tilespmem:s16+$0xB180]  }
0x31d: {  	v18 =	vld [tilespmem:$0x600];
	v16 =	vmul.f32 v9, v63;
	v0 =	vadd.f32 v13, v0  }
0x31e: {  	v17 =	vld [tilespmem:s16+$0xB200]  }
0x31f: {  	v21 =	vld [tilespmem:$0x680];
	v19 =	vmul.f32 v12, v11;
	v0 =	vadd.f32 v16, v0  }
0x320: {  	v20 =	vld [tilespmem:s16+$0xB280]  }
0x321: {  	v24 =	vld [tilespmem:$0x700];
	v22 =	vmul.f32 v15, v14;
	v0 =	vadd.f32 v19, v0  }
0x322: {  	v23 =	vld [tilespmem:s16+$0xB300]  }
0x323: {  	v27 =	vld [tilespmem:$0x780];
	v25 =	vmul.f32 v18, v17;
	v0 =	vadd.f32 v22, v0  }
0x324: {  	v26 =	vld [tilespmem:s16+$0xB380]  }
0x325: {  	v30 =	vld [tilespmem:$0x800];
	v28 =	vmul.f32 v21, v20;
	v0 =	vadd.f32 v25, v0  }
0x326: {  	v29 =	vld [tilespmem:s16+$0xC000]  }
0x327: {  	v33 =	vld [tilespmem:$0x880];
	v31 =	vmul.f32 v24, v23;
	v0 =	vadd.f32 v28, v0  }
0x328: {  	v32 =	vld [tilespmem:s16+$0xC080]  }
0x329: {  	v36 =	vld [tilespmem:$0x900];
	v34 =	vmul.f32 v27, v26;
	v0 =	vadd.f32 v31, v0  }
0x32a: {  	v35 =	vld [tilespmem:s16+$0xC100]  }
0x32b: {  	v39 =	vld [tilespmem:$0x980];
	v37 =	vmul.f32 v30, v29;
	v0 =	vadd.f32 v34, v0  }
0x32c: {  	v38 =	vld [tilespmem:s16+$0xC180]  }
0x32d: {  	v42 =	vld [tilespmem:$0xA00];
	v40 =	vmul.f32 v33, v32;
	v0 =	vadd.f32 v37, v0  }
0x32e: {  	v41 =	vld [tilespmem:s16+$0xC200]  }
0x32f: {  	v45 =	vld [tilespmem:$0xA80];
	v43 =	vmul.f32 v36, v35;
	v0 =	vadd.f32 v40, v0  }
0x330: {  	v44 =	vld [tilespmem:s16+$0xC280]  }
0x331: {  	v46 =	vmul.f32 v39, v38;
	v48 =	vld [tilespmem:$0xB00];
	v0 =	vadd.f32 v43, v0  }
0x332: {  	v47 =	vld [tilespmem:s16+$0xC300]  }
0x333: {  	v49 =	vmul.f32 v42, v41;
	v51 =	vld [tilespmem:$0xB80];
	v0 =	vadd.f32 v46, v0  }
0x334: {  	v50 =	vld [tilespmem:s16+$0xC380]  }
0x335: {  	v52 =	vmul.f32 v45, v44;
	v54 =	vld [tilespmem:$0xC00];
	v0 =	vadd.f32 v49, v0  }
0x336: {  	v53 =	vld [tilespmem:s16+$0xD000]  }
0x337: {  	v57 =	vld [tilespmem:$0xC80];
	v55 =	vmul.f32 v48, v47;
	v0 =	vadd.f32 v52, v0  }
0x338: {  	v56 =	vld [tilespmem:s16+$0xD080]  }
0x339: {  	v60 =	vld [tilespmem:$0xD00];
	v58 =	vmul.f32 v51, v50;
	v0 =	vadd.f32 v55, v0  }
0x33a: {  	v59 =	vld [tilespmem:s16+$0xD100]  }
0x33b: {  	v63 =	vld [tilespmem:$0xD80];
	v61 =	vmul.f32 v54, v53;
	v0 =	vadd.f32 v58, v0  }
0x33c: {  	v62 =	vld [tilespmem:s16+$0xD180]  }
0x33d: {  	v9 =	vld [tilespmem:s16+$0xD200];
	v8 =	vmul.f32 v57, v56;
	v0 =	vadd.f32 v61, v0  }
0x33e: {  	v10 =	vld [tilespmem:$0xE00]  }
0x33f: {  	v12 =	vld [tilespmem:s16+$0xD280];
	v11 =	vmul.f32 v60, v59;
	v0 =	vadd.f32 v8, v0  }
0x340: {  	v13 =	vld [tilespmem:$0xE80]  }
0x341: {  	v15 =	vld [tilespmem:s16+$0xD300];
	v14 =	vmul.f32 v63, v62;
	v0 =	vadd.f32 v11, v0  }
0x342: {  	v16 =	vld [tilespmem:$0xF00]  }
0x343: {  	v18 =	vld [tilespmem:s16+$0xD380];
	v17 =	vmul.f32 v10, v9;
	v0 =	vadd.f32 v14, v0  }
0x344: {  	v19 =	vld [tilespmem:$0xF80]  }
0x345: {  	v21 =	vld [tilespmem:s16+$0xE000];
	v20 =	vmul.f32 v13, v12;
	v0 =	vadd.f32 v17, v0  }
0x346: {  	v22 =	vld [tilespmem:$0x1000]  }
0x347: {  	v24 =	vld [tilespmem:s16+$0xE080];
	v23 =	vmul.f32 v16, v15;
	v0 =	vadd.f32 v20, v0  }
0x348: {  	v25 =	vld [tilespmem:$0x1080]  }
0x349: {  	v27 =	vld [tilespmem:s16+$0xE100];
	v26 =	vmul.f32 v19, v18;
	v0 =	vadd.f32 v23, v0  }
0x34a: {  	v28 =	vld [tilespmem:$0x1100]  }
0x34b: {  	v30 =	vld [tilespmem:s16+$0xE180];
	v29 =	vmul.f32 v22, v21;
	v0 =	vadd.f32 v26, v0  }
0x34c: {  	v31 =	vld [tilespmem:$0x1180]  }
0x34d: {  	v33 =	vld [tilespmem:s16+$0xE200];
	v32 =	vmul.f32 v25, v24;
	v0 =	vadd.f32 v29, v0  }
0x34e: {  	v34 =	vld [tilespmem:$0x1200]  }
0x34f: {  	v36 =	vld [tilespmem:s16+$0xE280];
	v35 =	vmul.f32 v28, v27;
	v0 =	vadd.f32 v32, v0  }
0x350: {  	v37 =	vld [tilespmem:$0x1280]  }
0x351: {  	v39 =	vld [tilespmem:s16+$0xE300];
	v38 =	vmul.f32 v31, v30;
	v0 =	vadd.f32 v35, v0  }
0x352: {  	v40 =	vld [tilespmem:$0x1300]  }
0x353: {  	v42 =	vld [tilespmem:s16+$0xE380];
	v41 =	vmul.f32 v34, v33;
	v0 =	vadd.f32 v38, v0  }
0x354: {  	v43 =	vld [tilespmem:$0x1380]  }
0x355: {  	v45 =	vld [tilespmem:s16+$0xF000];
	v44 =	vmul.f32 v37, v36;
	v0 =	vadd.f32 v41, v0  }
0x356: {  	v46 =	vld [tilespmem:$0x1400]  }
0x357: {  	v48 =	vld [tilespmem:s16+$0xF080];
	v47 =	vmul.f32 v40, v39;
	v0 =	vadd.f32 v44, v0  }
0x358: {  	v49 =	vld [tilespmem:$0x1480]  }
0x359: {  	v51 =	vld [tilespmem:s16+$0xF100];
	v50 =	vmul.f32 v43, v42;
	v0 =	vadd.f32 v47, v0  }
0x35a: {  	v52 =	vld [tilespmem:$0x1500]  }
0x35b: {  	v54 =	vld [tilespmem:s16+$0xF180];
	v53 =	vmul.f32 v46, v45;
	v0 =	vadd.f32 v50, v0  }
0x35c: {  	v55 =	vld [tilespmem:$0x1580]  }
0x35d: {  	v57 =	vld [tilespmem:s16+$0xF200];
	v56 =	vmul.f32 v49, v48;
	v0 =	vadd.f32 v53, v0  }
0x35e: {  	v58 =	vld [tilespmem:$0x1600]  }
0x35f: {  	v60 =	vld [tilespmem:s16+$0xF280];
	v59 =	vmul.f32 v52, v51;
	v0 =	vadd.f32 v56, v0  }
0x360: {  	v61 =	vld [tilespmem:$0x1680]  }
0x361: {  	v63 =	vld [tilespmem:s16+$0xF300];
	v62 =	vmul.f32 v55, v54;
	v0 =	vadd.f32 v59, v0  }
0x362: {  	v9 =	vld [tilespmem:$0x1700]  }
0x363: {  	v12 =	vld [tilespmem:$0x1780];
	v10 =	vmul.f32 v58, v57;
	v0 =	vadd.f32 v62, v0  }
0x364: {  	v11 =	vld [tilespmem:s16+$0xF380]  }
0x365: {  	v15 =	vld [tilespmem:$0x1800];
	v13 =	vmul.f32 v61, v60;
	v0 =	vadd.f32 v10, v0  }
0x366: {  	v14 =	vld [tilespmem:s16+$0x10000]  }
0x367: {  	v16 =	vmul.f32 v9, v63;
	v18 =	vld [tilespmem:$0x1880];
	v0 =	vadd.f32 v13, v0  }
0x368: {  	v17 =	vld [tilespmem:s16+$0x10080]  }
0x369: {  	v21 =	vld [tilespmem:$0x1900];
	v19 =	vmul.f32 v12, v11;
	v0 =	vadd.f32 v16, v0  }
0x36a: {  	v20 =	vld [tilespmem:s16+$0x10100]  }
0x36b: {  	v24 =	vld [tilespmem:$0x1980];
	v22 =	vmul.f32 v15, v14;
	v0 =	vadd.f32 v19, v0  }
0x36c: {  	v23 =	vld [tilespmem:s16+$0x10180]  }
0x36d: {  	v27 =	vld [tilespmem:$0x1A00];
	v25 =	vmul.f32 v18, v17;
	v0 =	vadd.f32 v22, v0  }
0x36e: {  	v26 =	vld [tilespmem:s16+$0x10200]  }
0x36f: {  	v30 =	vld [tilespmem:$0x1A80];
	v28 =	vmul.f32 v21, v20;
	v0 =	vadd.f32 v25, v0  }
0x370: {  	v29 =	vld [tilespmem:s16+$0x10280]  }
0x371: {  	v33 =	vld [tilespmem:$0x1B00];
	v31 =	vmul.f32 v24, v23;
	v0 =	vadd.f32 v28, v0  }
0x372: {  	v32 =	vld [tilespmem:s16+$0x10300]  }
0x373: {  	v36 =	vld [tilespmem:$0x1B80];
	v34 =	vmul.f32 v27, v26;
	v0 =	vadd.f32 v31, v0  }
0x374: {  	v35 =	vld [tilespmem:s16+$0x10380]  }
0x375: {  	v39 =	vld [tilespmem:$0x1C00];
	v37 =	vmul.f32 v30, v29;
	v0 =	vadd.f32 v34, v0  }
0x376: {  	v38 =	vld [tilespmem:s16+$0x11000]  }
0x377: {  	v42 =	vld [tilespmem:$0x1C80];
	v40 =	vmul.f32 v33, v32;
	v0 =	vadd.f32 v37, v0  }
0x378: {  	v41 =	vld [tilespmem:s16+$0x11080]  }
0x379: {  	v45 =	vld [tilespmem:$0x1D00];
	v43 =	vmul.f32 v36, v35;
	v0 =	vadd.f32 v40, v0  }
0x37a: {  	v44 =	vld [tilespmem:s16+$0x11100]  }
0x37b: {  	v48 =	vld [tilespmem:$0x1D80];
	v46 =	vmul.f32 v39, v38;
	v0 =	vadd.f32 v43, v0  }
0x37c: {  	v47 =	vld [tilespmem:s16+$0x11180]  }
0x37d: {  	v51 =	vld [tilespmem:$0x1E00];
	v49 =	vmul.f32 v42, v41;
	v0 =	vadd.f32 v46, v0  }
0x37e: {  	v50 =	vld [tilespmem:s16+$0x11200]  }
0x37f: {  	v54 =	vld [tilespmem:$0x1E80];
	v52 =	vmul.f32 v45, v44;
	v0 =	vadd.f32 v49, v0  }
0x380: {  	v53 =	vld [tilespmem:s16+$0x11280]  }
0x381: {  	v57 =	vld [tilespmem:$0x1F00];
	v55 =	vmul.f32 v48, v47;
	v0 =	vadd.f32 v52, v0  }
0x382: {  	v56 =	vld [tilespmem:s16+$0x11300]  }
0x383: {  	v60 =	vld [tilespmem:$0x1F80];
	v58 =	vmul.f32 v51, v50;
	v0 =	vadd.f32 v55, v0  }
0x384: {  	v59 =	vld [tilespmem:s16+$0x11380]  }
0x385: {  	v61 =	vmul.f32 v54, v53;
	v0 =	vadd.f32 v58, v0;
	_ =	sdelay $0x1  }
0x386: {  	v62 =	vmul.f32 v57, v56;
	v0 =	vadd.f32 v61, v0;
	_ =	sdelay $0x1  }
0x387: {  	v63 =	vmul.f32 v60, v59;
	v0 =	vadd.f32 v62, v0;
	_ =	sdelay $0x1  }
0x388: {  	s28 =	sadd.s32 s9, s13;
	v0 =	vadd.f32 v63, v0  }
0x389: {  	s11 =	sshrl.u32 s28, $0x3  }
0x38a: {  	s11 =	sadd.s32 s7, s11;
	[tilespmem:s29+$0x12480] =	vst v0  }
0x38b: {  	[hbm4b:s11+s4] =	stream.linear.scatter [tilespmem:s10], [sflag:$0x6], $0x80, $0x38;
	[tilespmem:$0x12800] =	vst v63  }
0x38c: {  	s30 =	sadd.s32 $0x10, s11  }
0x38d: {  	[hbm4b:s30+s4] =	stream.linear.scatter [tilespmem:s15], [sflag:$0x6], $0x80, $0x38;
	[tilespmem:$0x12800] =	vst v63  }
.Ltmp4:
0x38e: {  	_ = 	snop;
	(pc) =	sbr.rel @p1 .LBB2_8-.Ltmp4, $4  }
0x38f: {  	s31 =	sadd.s32 $0x20, s11  }
0x390: {  	[hbm4b:s31+s4] =	stream.linear.scatter [tilespmem:s21], [sflag:$0x6], $0x80, $0x38;
	[tilespmem:$0x12800] =	vst v63  }
0x391: {  	s11 =	sadd.s32 $0x30, s11  }
0x392: {  	[hbm4b:s11+s4] =	stream.linear.scatter [tilespmem:s23], [sflag:$0x6], $0x80, $0x38;
	[tilespmem:$0x12800] =	vst v63  }
0x393: {  	s9 =	sadd.s32 s9, s14  }
0x394: {  	s16 =	simm.s32 $0xA000;
	s11 =	sadd.s32 s2, s9;
	s9 =	sshrl.u32 s9, $0x3  }
0x395: {  	[tilespmem:s16], [sflag:$0x2] =	stream.strided.gather [hbm4b:s11+s17], $0x8000, s18, s17, $0x38;
	[tilespmem:$0x12800] =	vst v63  }
0x396: {  	s9 =	sadd.s32 s3, s9;
	s16 =	simm.s32 $0x12080  }
0x397: {  	[tilespmem:s16], [sflag:$0x4] =	stream.linear.gather [hbm4b:s9+s4], $0x80, $0x38;
	[tilespmem:$0x12800] =	vst v63  }
0x398: {  	s29 =	simm.s32 $0x12180;
	s28 =	sadd.s32 $0x10, s9  }
0x399: {  	[tilespmem:s29], [sflag:$0x4] =	stream.linear.gather [hbm4b:s28+s4], $0x80, $0x38;
	[tilespmem:$0x12800] =	vst v63  }
.Ltmp5:
0x39a: {  	_ = 	snop;
	(pc) =	sbr.rel .LBB2_2-.Ltmp5, $4  }
0x39b: {  	s31 =	simm.s32 $0x12280;
	s30 =	sadd.s32 $0x20, s9  }
0x39c: {  	[tilespmem:s31], [sflag:$0x4] =	stream.linear.gather [hbm4b:s30+s4], $0x80, $0x38;
	[tilespmem:$0x12800] =	vst v63  }
0x39d: {  	s25 =	sadd.s32 $0x1, s25;
	s9 =	sadd.s32 $0x30, s9  }
0x39e: {  	[tilespmem:s1], [sflag:$0x4] =	stream.linear.gather [hbm4b:s9+s4], $0x80, $0x38;
	[tilespmem:$0x12800] =	vst v63  }
.LBB2_9:
0x39f: {  	_ =	sfence.sel $0x180000  }
0x3a0: {  	[bflag:$0x0] =	sbarrier.arrive $0xFFFF  }
0x3a1: {  	_ =	strace $0x90000047  }
0x3a2: {  	s0 =	stileid.u32;
	[bflag:$0x2] =	sbarrier.arrive $0xFFFF  }
0x3a3: {  	p0 =	sne.s32 s0, $0x0;
	s0 =	rddreg [dreg:$0x3]  }
0x3a4: {  	s0 =	sadd.s32 @!p0 $0x100000, s0  }
0x3a5: {  	[sflag:s0] =	ssyncadd.tile.s32 @!p0 $0x1;
	_ =	shalt  }
.Lfunc_end2:
_tile_overlayer_lowered:
.L_overlay_start_2:
0x3a6: {  	(tag) =	ssettag $0x2  }
0x3a7: {  	s0 =	rddreg [dreg:$0x0];
	s2 =	stileid.u32  }
0x3a8: {  	s1 =	rddreg [dreg:$0x1];
	p0 =	sne.s32 s2, $0x0  }
0x3a9: {  	s3 =	rddreg [dreg:$0x2];
	[bflag:$0x3] =	sbarrier.arrive $0xFFFF;
	s2 =	simm.s32 @!p0 $0x1C07  }
0x3aa: {  	[timem:s3], [sflag:s2] =	dma.local @!p0 [hbm:s0], s1  }
0x3ab: {  	s0 =	simm.s32 @!p0 $0x7  }
0x3ac: {  	_ =	swait.ge @!p0 [sflag:s0], s1  }
0x3ad: {  	s1 =	ssub.s32 @!p0 $0x0, s1;
	[sflag:s0] =	ssyncset.done @!p0 $0x0  }
0x3ae: {  	[sflag:s0] =	ssyncadd.s32 @!p0 s1  }
0x3af: {  	[bflag:$0x3] =	sbarrier.arrive $0xFFFF  }
0x3b0: {  	_ =	shalt  }

</sc_bundles>
